<compile_context>
chip_gen: v7x
topology: tpu7x:2x2x1
jax: 0.10.2.dev20260603
libtpu: 0.0.44.dev20260713+nightly
codegen_flags: <defaults>
</compile_context>

<pallas_src>
import functools
import math

import jax
import jax.numpy as jnp
import numpy as np
from jax import lax
from jax.experimental import pallas as pl
from jax.experimental.pallas import tpu as pltpu
from jax.experimental.pallas import tpu_sc as plsc

_NI = 128
_ND = 128
_NH = 4
_KN = 32
_SDK = math.sqrt(float(_ND))
_BN = 80
_SB = 16
_CH = 80
_CHUNKS = (2000, 2000, 2000, 2000, 2000)


def _elu(t):
    return jnp.where(t > 0, t, jnp.exp(jnp.minimum(t, 0.0)) - 1.0)


def _np_consts():
    pcc = np.zeros((16, 48), np.float32)
    pdc = np.zeros((16, 48), np.float32)
    s48 = np.zeros((48, 16), np.float32)
    for b in range(3):
        for j in range(12):
            pcc[3 + 3 * (j % 3) + b, 16 * b + j] = 1.0
            pdc[3 * (j // 3) + b, 16 * b + j] = 1.0
            s48[16 * b + j, j] = 1.0
    bs48 = np.zeros((48, 128), np.float32)
    bs48[0, :] = bs48[16, :] = bs48[32, :] = -0.5
    m012 = np.zeros((1, 16), np.float32)
    m012[0, :3] = 1.0
    return pcc, pdc, s48, bs48, m012


_PCC, _PDC, _S48, _BS48, _M012 = _np_consts()



def _sc_gather(ftab, gtab, idx):
    B = idx.shape[0]
    info = plsc.get_sparse_core_info()
    NC, NS = info.num_cores, info.num_subcores
    NW = NC * NS
    bpw = B // NW
    nch = bpw // _CH
    mesh = plsc.VectorSubcoreMesh(core_axis_name="c", subcore_axis_name="s")

    @functools.partial(
        pl.kernel,
        mesh=mesh,
        out_type=[
            jax.ShapeDtypeStruct((B, 128), jnp.float32),
            jax.ShapeDtypeStruct((B, 16), jnp.float32),
        ],
        scratch_types=[
            pltpu.VMEM((bpw,), jnp.int32),
            pltpu.VMEM((_CH, 128), jnp.float32),
            pltpu.VMEM((_CH, 128), jnp.float32),
            pltpu.VMEM((_CH, 128), jnp.float32),
            pltpu.VMEM((_CH, 128), jnp.float32),
            pltpu.VMEM((_CH, 16), jnp.float32),
            pltpu.SemaphoreType.DMA,
            pltpu.SemaphoreType.DMA,
            pltpu.SemaphoreType.DMA,
            pltpu.SemaphoreType.DMA,
        ],
    )
    def k(ftab_hbm, gtab_hbm, idx_hbm, outf, outg,
          idx_v, fa, ga, fb, gb, gcomp, sfa, sga, sfb, sgb):
        wid = lax.axis_index("s") * NC + lax.axis_index("c")
        base = wid * bpw
        pltpu.sync_copy(idx_hbm.at[pl.ds(base, bpw)], idx_v)

        def fire(c, fbuf, gbuf, sf, sg):
            pltpu.async_copy(ftab_hbm.at[idx_v.at[pl.ds(c * _CH, _CH)]], fbuf, sf)
            pltpu.async_copy(gtab_hbm.at[idx_v.at[pl.ds(c * _CH, _CH)]], gbuf, sg)

        def drain(fbuf, gbuf, sf, sg):
            pltpu.make_async_copy(ftab_hbm.at[pl.ds(0, _CH)], fbuf, sf).wait()
            pltpu.make_async_copy(gtab_hbm.at[pl.ds(0, _CH)], gbuf, sg).wait()

        def process(c, fbuf, gbuf):
            def compact(i, cc):
                gcomp[i, :] = gbuf[i, 0:16]
                return cc

            lax.fori_loop(0, _CH, compact, 0)
            pltpu.sync_copy(fbuf, outf.at[pl.ds(base + c * _CH, _CH)])
            pltpu.sync_copy(gcomp, outg.at[pl.ds(base + c * _CH, _CH)])

        fire(0, fa, ga, sfa, sga)

        def body(t, carry):
            c0 = 2 * t
            fire(c0 + 1, fb, gb, sfb, sgb)
            drain(fa, ga, sfa, sga)
            process(c0, fa, ga)
            fire(c0 + 2, fa, ga, sfa, sga)
            drain(fb, gb, sfb, sgb)
            process(c0 + 1, fb, gb)
            return carry

        lax.fori_loop(0, (nch - 1) // 2, body, 0)
        drain(fa, ga, sfa, sga)
        process(nch - 1, fa, ga)

    return k(ftab, gtab, idx)



def _tc_body(f_ref, gf_ref, gg_ref, cg_ref, p32_ref, tk_ref,
             pcc, pdc, s48, bs48, m012_ref,
             qw1, qb1, qw2, qb2, gw1, gb1, gw2, gb2,
             kw1, kb1, kw2, kb2, vw1, vb1, vw2, vb2,
             dw1, db1, dw2, db2, lg, lb,
             o_ref, *, sub):
    f = f_ref[...]
    dot = functools.partial(jnp.dot, preferred_element_type=jnp.float32)

    t = _elu(dot(f, qw1[...]) + qb1[...])
    qq = (dot(t, qw2[...]) + qb2[...]) * (1.0 / _SDK)

    cg = cg_ref[...]
    e = dot(p32_ref[...], cg)
    gg = gg_ref[...]
    gp = gg - e * m012_ref[...]
    ac = dot(e, pcc[...])
    dc = dot(gp, pdc[...])
    rl = dot(ac * dc, s48[...])
    geo_pre = dot(rl, gw1[...]) + gb1[...]

    dis128 = jnp.exp(dot(dc * dc, bs48[...]))

    gfl = dot(_elu(geo_pre), gw2[...]) + gb2[...]
    gfl = gfl * dis128 * gf_ref[...]

    rows, cols = _NH * _SB, _SB * _KN
    ri = lax.broadcasted_iota(jnp.int32, (rows, cols), 0)
    ci = lax.broadcasted_iota(jnp.int32, (rows, cols), 1)
    smask = (ri % _SB) == (ci // _KN)

    k_all = dot(_elu(dot(gfl, kw1[...]) + kb1[...]), kw2[...]) + kb2[...]
    v_all = dot(_elu(dot(gfl, vw1[...]) + vb1[...]), vw2[...]) + vb2[...]

    def att(s):
        q = lax.slice(qq, (s * _SB, 0), (s * _SB + _SB, 512))
        qs = jnp.concatenate([q[:, 128 * h:128 * (h + 1)] for h in range(_NH)], axis=0)
        kk = lax.slice(k_all, (s * cols, 0), (s * cols + cols, 128))
        vv = lax.slice(v_all, (s * cols, 0), (s * cols + cols, 128))
        sc = lax.dot_general(qs, kk, (((1,), (1,)), ((), ())),
                             preferred_element_type=jnp.float32)
        tz = tk_ref[0, s, :][None, :]
        valid = smask & (tz != 0)
        m = jnp.max(sc, axis=1, keepdims=True)
        e = jnp.exp(sc - m) * valid.astype(jnp.float32)
        den = jnp.sum(e, axis=1, keepdims=True)
        o = lax.dot_general(e, vv, (((1,), (0,)), ((), ())),
                            preferred_element_type=jnp.float32) / den
        return jnp.concatenate(
            [o[_SB * h:_SB * (h + 1), :] for h in range(_NH)], axis=1)

    at = jnp.concatenate([att(s) for s in range(sub)], axis=0)

    o = dot(_elu(dot(at, dw1[...]) + db1[...]), dw2[...]) + db2[...] + f
    mu = jnp.mean(o, axis=1, keepdims=True)
    d = o - mu
    var = jnp.mean(d * d, axis=1, keepdims=True)
    o_ref[...] = d * lax.rsqrt(var + 1e-5) * lg[...] + lb[...]


def _tc_kwargs(n, k):
    nb = n // _BN
    sub = _BN // _SB
    cm = lambda i: (0, 0)
    in_specs = [
        pl.BlockSpec((_BN, 128), lambda i: (i, 0)),
        pl.BlockSpec((_BN * k, 128), lambda i: (i, 0)),
        pl.BlockSpec((_BN * k, 16), lambda i: (i, 0)),
        pl.BlockSpec((_BN, 16), lambda i: (i, 0)),
        pl.BlockSpec((_BN * k, _BN), cm),
        pl.BlockSpec((1, sub, _SB * k), lambda i: (i, 0, 0)),
        pl.BlockSpec((16, 48), cm), pl.BlockSpec((16, 48), cm),
        pl.BlockSpec((48, 16), cm), pl.BlockSpec((48, 128), cm),
        pl.BlockSpec((1, 16), cm),
        pl.BlockSpec((128, 128), cm), pl.BlockSpec((1, 128), cm),
        pl.BlockSpec((128, 512), cm), pl.BlockSpec((1, 512), cm),
        pl.BlockSpec((16, 128), cm), pl.BlockSpec((1, 128), cm),
        pl.BlockSpec((128, 128), cm), pl.BlockSpec((1, 128), cm),
        pl.BlockSpec((128, 128), cm), pl.BlockSpec((1, 128), cm),
        pl.BlockSpec((128, 128), cm), pl.BlockSpec((1, 128), cm),
        pl.BlockSpec((128, 128), cm), pl.BlockSpec((1, 128), cm),
        pl.BlockSpec((128, 128), cm), pl.BlockSpec((1, 128), cm),
        pl.BlockSpec((512, 128), cm), pl.BlockSpec((1, 128), cm),
        pl.BlockSpec((128, 128), cm), pl.BlockSpec((1, 128), cm),
        pl.BlockSpec((1, 128), cm), pl.BlockSpec((1, 128), cm),
    ]
    return dict(
        grid=(nb,),
        in_specs=in_specs,
        out_specs=pl.BlockSpec((_BN, 128), lambda i: (i, 0)),
        out_shape=jax.ShapeDtypeStruct((n, 128), jnp.float32),
    )


def kernel(features, x, nuv, topk, qf_w1, qf_b1, qf_w2, qf_b2,
           ge_w1, ge_b1, ge_w2, ge_b2, kf_w1, kf_b1, kf_w2, kf_b2,
           vf_w1, vf_b1, vf_w2, vf_b2, df_w1, df_b1, df_w2, df_b2,
           ln_g, ln_b):
    n = features.shape[0]
    k = topk.shape[1]
    f32 = jnp.float32

    geo12 = jnp.concatenate([x.astype(f32), nuv.reshape(n, 9).astype(f32)], axis=1)
    gtab = jnp.concatenate([geo12, jnp.zeros((n, 116), f32)], axis=1)
    ctab = jnp.concatenate([geo12, jnp.zeros((n, 4), f32)], axis=1)
    idx = topk.reshape(-1).astype(jnp.int32)

    sub = _BN // _SB
    tki = topk.astype(jnp.int32).reshape(n // _BN, sub, _SB * k)
    gw1p = jnp.concatenate([ge_w1, jnp.zeros((4, 128), f32)], axis=0)
    p32 = jnp.asarray(
        (np.arange(_BN * k)[:, None] // k == np.arange(_BN)[None, :]).astype(np.float32))
    row = lambda b: b.reshape(1, -1)

    body = functools.partial(_tc_body, sub=sub)
    outs = []
    n0 = 0
    for nc in _CHUNKS:
        gf, gg = _sc_gather(features, gtab, idx[n0 * k:(n0 + nc) * k])
        out_c = pl.pallas_call(body, **_tc_kwargs(nc, k))(
            lax.slice_in_dim(features, n0, n0 + nc),
            gf, gg,
            lax.slice_in_dim(ctab, n0, n0 + nc),
            p32, lax.slice_in_dim(tki, n0 // _BN, (n0 + nc) // _BN),
            jnp.asarray(_PCC), jnp.asarray(_PDC),
            jnp.asarray(_S48), jnp.asarray(_BS48), jnp.asarray(_M012),
            qf_w1, row(qf_b1), qf_w2, row(qf_b2),
            gw1p, row(ge_b1), ge_w2, row(ge_b2),
            kf_w1, row(kf_b1), kf_w2, row(kf_b2),
            vf_w1, row(vf_b1), vf_w2, row(vf_b2),
            df_w1, row(df_b1), df_w2, row(df_b2),
            row(ln_g), row(ln_b))
        outs.append(out_c)
        n0 += nc
    return jnp.concatenate(outs, axis=0)

# --- scband reference (transcript-rebuilt; emitter-appended) ---
"""Pipeline reference for scband-geo-attention-47072841564865 (READ-ONLY COPY).

The authoritative reference and input builder live on the scoring server;
editing this copy changes nothing except your own understanding.
"""

import jax, jax.numpy as jnp
import numpy as np

Ni, Nd, Nh = 128, 128, 4
N, NN = 10000, 32
RADIUS = 1.0
SDK = float(np.sqrt(Nd))

def _mlp(t, w1, b1, w2, b2):
    return jnp.matmul(jax.nn.elu(jnp.matmul(t, w1) + b1), w2) + b2

def setup_inputs(seed: int = 0):
    key = jax.random.key(seed)
    ks = jax.random.split(key, 16)
    def w(k, shape):
        return jax.random.normal(k, shape, dtype=jnp.float32) * 0.05
    inp = {}
    inp['features'] = jax.random.normal(ks[0], (N, Ni), dtype=jnp.float32)
    inp['x'] = jax.random.normal(ks[1], (N, 3), dtype=jnp.float32)
    inp['nuv'] = jax.random.normal(ks[2], (N, 3, 3), dtype=jnp.float32)
    inp['topk'] = jax.random.randint(ks[3], (N, NN), 0, N)
    inp['qf_w1'] = w(ks[4], (Ni, Nd)); inp['qf_b1'] = jnp.zeros((Nd,), jnp.float32)
    inp['qf_w2'] = w(ks[5], (Nd, Nh * Nd)); inp['qf_b2'] = jnp.zeros((Nh * Nd,), jnp.float32)
    inp['ge_w1'] = w(ks[6], (12, Nd)); inp['ge_b1'] = jnp.zeros((Nd,), jnp.float32)
    inp['ge_w2'] = w(ks[7], (Nd, Nd)); inp['ge_b2'] = jnp.zeros((Nd,), jnp.float32)
    inp['kf_w1'] = w(ks[8], (Nd, Nd)); inp['kf_b1'] = jnp.zeros((Nd,), jnp.float32)
    inp['kf_w2'] = w(ks[9], (Nd, Nd)); inp['kf_b2'] = jnp.zeros((Nd,), jnp.float32)
    inp['vf_w1'] = w(ks[10], (Nd, Nd)); inp['vf_b1'] = jnp.zeros((Nd,), jnp.float32)
    inp['vf_w2'] = w(ks[11], (Nd, Nd)); inp['vf_b2'] = jnp.zeros((Nd,), jnp.float32)
    inp['df_w1'] = w(ks[12], (Nh * Nd, Nd)); inp['df_b1'] = jnp.zeros((Nd,), jnp.float32)
    inp['df_w2'] = w(ks[13], (Nd, Nd)); inp['df_b2'] = jnp.zeros((Nd,), jnp.float32)
    inp['ln_g'] = jnp.ones((Nd,), jnp.float32)
    inp['ln_b'] = jnp.zeros((Nd,), jnp.float32)
    return inp

def reference(features, x, nuv, topk, qf_w1, qf_b1, qf_w2, qf_b2, ge_w1, ge_b1, ge_w2, ge_b2, kf_w1, kf_b1, kf_w2, kf_b2, vf_w1, vf_b1, vf_w2, vf_b2, df_w1, df_b1, df_w2, df_b2, ln_g, ln_b):
    n = features.shape[0]
    k = topk.shape[1]
    Q = _mlp(features, qf_w1, qf_b1, qf_w2, qf_b2).reshape(n, Nh, Nd)
    features_nn = features[topk]
    x_nn = x[topk]
    orient_x = x_nn - x[:, None, :]
    nuv_nn = nuv[topk]
    orient_nuv = nuv_nn.reshape(n, k * 3, 3)
    sq = jnp.sum(jnp.square(orient_x), axis=2, keepdims=True)
    dis = jnp.exp(-sq / (2.0 * RADIUS * RADIUS))
    RL_x = jnp.swapaxes(jnp.matmul(nuv, jnp.swapaxes(orient_x, 1, 2)), 1, 2)
    RL_nuv = jnp.swapaxes(jnp.matmul(nuv, jnp.swapaxes(orient_nuv, 1, 2)), 1, 2)
    RL_nuv = RL_nuv.reshape(n, k, 9)
    RL = jnp.concatenate([RL_x, RL_nuv], axis=-1)
    geo_fea = _mlp(RL, ge_w1, ge_b1, ge_w2, ge_b2)
    geo_fea = dis * geo_fea * features_nn
    K = jnp.swapaxes(_mlp(geo_fea, kf_w1, kf_b1, kf_w2, kf_b2), 1, 2)
    V = _mlp(geo_fea, vf_w1, vf_b1, vf_w2, vf_b2)
    Mq = jnp.matmul(Q, K)
    mask = topk[:, None, :] == 0
    Mq = jnp.where(mask, -jnp.inf, Mq)
    Mq = jax.nn.softmax(Mq / SDK, axis=2)
    out = jnp.matmul(Mq, V).reshape(n, Nh * Nd)
    out = _mlp(out, df_w1, df_b1, df_w2, df_b2)
    out = out + features
    mu = jnp.mean(out, axis=-1, keepdims=True)
    var = jnp.mean(jnp.square(out - mu), axis=-1, keepdims=True)
    return (out - mu) / jnp.sqrt(var + 1e-5) * ln_g + ln_b

if __name__ == "__main__":
    import jax
    _d = setup_inputs()
    print(jax.jit(kernel)(*tuple(_d.values())))

</pallas_src>

<mosaic_0001>
#map = affine_map<(d0, d1) -> (0, 0)>
#map1 = affine_map<(d0, d1) -> (0)>
module attributes {stable_mosaic.version = 14 : i64} {
  func.func @k(%arg0: i32, %arg1: i32, %arg2: memref<10000x128xf32, #tpu.memory_space<hbm>>, %arg3: memref<10000x128xf32, #tpu.memory_space<hbm>>, %arg4: memref<64000xi32, #tpu.memory_space<hbm>>, %arg5: memref<64000x128xf32, #tpu.memory_space<hbm>>, %arg6: memref<64000x16xf32, #tpu.memory_space<hbm>>, %arg7: memref<2000xi32, #tpu.memory_space<vmem>>, %arg8: memref<80x128xf32, #tpu.memory_space<vmem>>, %arg9: memref<80x128xf32, #tpu.memory_space<vmem>>, %arg10: memref<80x128xf32, #tpu.memory_space<vmem>>, %arg11: memref<80x128xf32, #tpu.memory_space<vmem>>, %arg12: memref<80x16xf32, #tpu.memory_space<vmem>>, %arg13: memref<!tpu.dma_semaphore, #tpu.memory_space<semaphore_mem>>, %arg14: memref<!tpu.dma_semaphore, #tpu.memory_space<semaphore_mem>>, %arg15: memref<!tpu.dma_semaphore, #tpu.memory_space<semaphore_mem>>, %arg16: memref<!tpu.dma_semaphore, #tpu.memory_space<semaphore_mem>>) attributes {dimension_semantics = [#tpu.dimension_semantics<core_parallel>, #tpu.dimension_semantics<subcore_parallel>], iteration_bounds = array<i64: 2, 16>, scalar_prefetch = 0 : i64, scratch_operands = 10 : i64, tpu.core_type = #tpu.core_type<sc_vector_subcore>, window_params = [{transform_indices = #map}, {transform_indices = #map}, {transform_indices = #map1}, {transform_indices = #map}, {transform_indices = #map}]} {
    %mul3A = arith.constant 2 : i32
    %mul3A_0 = arith.muli %arg1, %mul3A : i32
    %add3A = arith.addi %mul3A_0, %arg0 : i32
    %mul3A_1 = arith.constant 2000 : i32
    %mul3A_2 = arith.muli %add3A, %mul3A_1 : i32
    "tpu.region"() ({
      %run_scoped3A = tpu.sem_alloc : memref<!tpu.dma_semaphore, #tpu.memory_space<semaphore_mem>>
      %dma_start3A_38 = tpu.memref_slice %arg4[%mul3A_2] : memref<64000xi32, #tpu.memory_space<hbm>> -> memref<2000xi32, #tpu.memory_space<hbm>>
      %dma_start3A_39 = tpu.memref_slice %arg4[%mul3A_2] : memref<64000xi32, #tpu.memory_space<hbm>> -> memref<2000xi32, #tpu.memory_space<hbm>>
      tpu.enqueue_dma source(%dma_start3A_39 : memref<2000xi32, #tpu.memory_space<hbm>>) target(%arg7 : memref<2000xi32, #tpu.memory_space<vmem>>) target_semaphore(%run_scoped3A : memref<!tpu.dma_semaphore, #tpu.memory_space<semaphore_mem>>)
      %dma_wait3A_40 = tpu.memref_slice %arg4[%mul3A_2] : memref<64000xi32, #tpu.memory_space<hbm>> -> memref<2000xi32, #tpu.memory_space<hbm>>
      %dma_wait3A_41 = tpu.memref_slice %arg4[%mul3A_2] : memref<64000xi32, #tpu.memory_space<hbm>> -> memref<2000xi32, #tpu.memory_space<hbm>>
      tpu.wait_dma2 semaphore(%run_scoped3A : memref<!tpu.dma_semaphore, #tpu.memory_space<semaphore_mem>>) src(%dma_wait3A_41 : memref<2000xi32, #tpu.memory_space<hbm>>) dst(%arg7 : memref<2000xi32, #tpu.memory_space<vmem>>)
      tpu.yield
    }) : () -> ()
    %dma_start3A = arith.constant 0 : i32
    %dma_start3A_3 = tpu.memref_slice %arg7[%dma_start3A] : memref<2000xi32, #tpu.memory_space<vmem>> -> memref<80xi32, #tpu.memory_space<vmem>>
    %dma_start3A_4 = arith.constant 0 : i32
    %dma_start3A_5 = arith.constant 0 : i32
    %dma_start3A_6 = tpu.memref_slice %arg2[%dma_start3A_4, %dma_start3A_5] : memref<10000x128xf32, #tpu.memory_space<hbm>> -> memref<10000x128xf32, #tpu.memory_space<hbm>>
    tpu.enqueue_indirect_dma source(%dma_start3A_6 : memref<10000x128xf32, #tpu.memory_space<hbm>>) target(%arg8 : memref<80x128xf32, #tpu.memory_space<vmem>>) offsets(%dma_start3A_3 : memref<80xi32, #tpu.memory_space<vmem>>) semaphore(%arg13 : memref<!tpu.dma_semaphore, #tpu.memory_space<semaphore_mem>>)
    %dma_start3A_7 = arith.constant 0 : i32
    %dma_start3A_8 = tpu.memref_slice %arg7[%dma_start3A_7] : memref<2000xi32, #tpu.memory_space<vmem>> -> memref<80xi32, #tpu.memory_space<vmem>>
    %dma_start3A_9 = arith.constant 0 : i32
    %dma_start3A_10 = arith.constant 0 : i32
    %dma_start3A_11 = tpu.memref_slice %arg3[%dma_start3A_9, %dma_start3A_10] : memref<10000x128xf32, #tpu.memory_space<hbm>> -> memref<10000x128xf32, #tpu.memory_space<hbm>>
    tpu.enqueue_indirect_dma source(%dma_start3A_11 : memref<10000x128xf32, #tpu.memory_space<hbm>>) target(%arg9 : memref<80x128xf32, #tpu.memory_space<vmem>>) offsets(%dma_start3A_8 : memref<80xi32, #tpu.memory_space<vmem>>) semaphore(%arg14 : memref<!tpu.dma_semaphore, #tpu.memory_space<semaphore_mem>>)
    %scan3A = arith.constant 0 : i32
    %scan3A_12 = arith.constant 0 : i32
    %scan3A_13 = arith.constant 12 : i32
    %scan3A_14 = arith.addi %scan3A_12, %scan3A_13 : i32
    %scan3A_15 = arith.constant 1 : i32
    scf.for %scan3A_38 = %scan3A_12 to %scan3A_14 step %scan3A_15  : i32 {
      %mul3A_39 = arith.constant 2 : i32
      %mul3A_40 = arith.muli %mul3A_39, %scan3A_38 : i32
      %add3A_41 = arith.constant 1 : i32
      %add3A_42 = arith.addi %mul3A_40, %add3A_41 : i32
      %mul3A_43 = arith.constant 80 : i32
      %mul3A_44 = arith.muli %add3A_42, %mul3A_43 : i32
      %dma_start3A_45 = tpu.memref_slice %arg7[%mul3A_44] : memref<2000xi32, #tpu.memory_space<vmem>> -> memref<80xi32, #tpu.memory_space<vmem>>
      %dma_start3A_46 = arith.constant 0 : i32
      %dma_start3A_47 = arith.constant 0 : i32
      %dma_start3A_48 = tpu.memref_slice %arg2[%dma_start3A_46, %dma_start3A_47] : memref<10000x128xf32, #tpu.memory_space<hbm>> -> memref<10000x128xf32, #tpu.memory_space<hbm>>
      tpu.enqueue_indirect_dma source(%dma_start3A_48 : memref<10000x128xf32, #tpu.memory_space<hbm>>) target(%arg10 : memref<80x128xf32, #tpu.memory_space<vmem>>) offsets(%dma_start3A_45 : memref<80xi32, #tpu.memory_space<vmem>>) semaphore(%arg15 : memref<!tpu.dma_semaphore, #tpu.memory_space<semaphore_mem>>)
      %mul3A_49 = arith.constant 80 : i32
      %mul3A_50 = arith.muli %add3A_42, %mul3A_49 : i32
      %dma_start3A_51 = tpu.memref_slice %arg7[%mul3A_50] : memref<2000xi32, #tpu.memory_space<vmem>> -> memref<80xi32, #tpu.memory_space<vmem>>
      %dma_start3A_52 = arith.constant 0 : i32
      %dma_start3A_53 = arith.constant 0 : i32
      %dma_start3A_54 = tpu.memref_slice %arg3[%dma_start3A_52, %dma_start3A_53] : memref<10000x128xf32, #tpu.memory_space<hbm>> -> memref<10000x128xf32, #tpu.memory_space<hbm>>
      tpu.enqueue_indirect_dma source(%dma_start3A_54 : memref<10000x128xf32, #tpu.memory_space<hbm>>) target(%arg11 : memref<80x128xf32, #tpu.memory_space<vmem>>) offsets(%dma_start3A_51 : memref<80xi32, #tpu.memory_space<vmem>>) semaphore(%arg16 : memref<!tpu.dma_semaphore, #tpu.memory_space<semaphore_mem>>)
      %dma_wait3A_55 = arith.constant 0 : i32
      %dma_wait3A_56 = arith.constant 0 : i32
      %dma_wait3A_57 = tpu.memref_slice %arg2[%dma_wait3A_55, %dma_wait3A_56] : memref<10000x128xf32, #tpu.memory_space<hbm>> -> memref<80x128xf32, #tpu.memory_space<hbm>>
      %dma_wait3A_58 = arith.constant 0 : i32
      %dma_wait3A_59 = arith.constant 0 : i32
      %dma_wait3A_60 = tpu.memref_slice %arg2[%dma_wait3A_58, %dma_wait3A_59] : memref<10000x128xf32, #tpu.memory_space<hbm>> -> memref<80x128xf32, #tpu.memory_space<hbm>>
      tpu.wait_dma2 semaphore(%arg13 : memref<!tpu.dma_semaphore, #tpu.memory_space<semaphore_mem>>) src(%dma_wait3A_60 : memref<80x128xf32, #tpu.memory_space<hbm>>) dst(%arg8 : memref<80x128xf32, #tpu.memory_space<vmem>>)
      %dma_wait3A_61 = arith.constant 0 : i32
      %dma_wait3A_62 = arith.constant 0 : i32
      %dma_wait3A_63 = tpu.memref_slice %arg3[%dma_wait3A_61, %dma_wait3A_62] : memref<10000x128xf32, #tpu.memory_space<hbm>> -> memref<80x128xf32, #tpu.memory_space<hbm>>
      %dma_wait3A_64 = arith.constant 0 : i32
      %dma_wait3A_65 = arith.constant 0 : i32
      %dma_wait3A_66 = tpu.memref_slice %arg3[%dma_wait3A_64, %dma_wait3A_65] : memref<10000x128xf32, #tpu.memory_space<hbm>> -> memref<80x128xf32, #tpu.memory_space<hbm>>
      tpu.wait_dma2 semaphore(%arg14 : memref<!tpu.dma_semaphore, #tpu.memory_space<semaphore_mem>>) src(%dma_wait3A_66 : memref<80x128xf32, #tpu.memory_space<hbm>>) dst(%arg9 : memref<80x128xf32, #tpu.memory_space<vmem>>)
      %scan3A_67 = arith.constant 0 : i32
      %scan3A_68 = arith.constant 0 : i32
      %scan3A_69 = arith.constant 80 : i32
      %scan3A_70 = arith.addi %scan3A_68, %scan3A_69 : i32
      %scan3A_71 = arith.constant 1 : i32
      scf.for %scan3A_119 = %scan3A_68 to %scan3A_70 step %scan3A_71  : i32 {
        %get3A = arith.index_cast %scan3A_119 : i32 to index
        %get3A_120 = arith.constant 0 : index
        %get3A_121 = tpu.vector_load %arg9[%get3A, %get3A_120] {strides = array<i32>} : memref<80x128xf32, #tpu.memory_space<vmem>>, vector<1x16xf32>,
        %get3A_122 = vector.shape_cast %get3A_121 : vector<1x16xf32> to vector<16xf32>
        %swap3A = arith.index_cast %scan3A_119 : i32 to index
        %swap3A_123 = arith.constant 0 : index
        %swap3A_124 = tpu.vector_load %arg12[%swap3A, %swap3A_123] {strides = array<i32>} : memref<80x16xf32, #tpu.memory_space<vmem>>, vector<1x16xf32>,
        %swap3A_125 = vector.shape_cast %swap3A_124 : vector<1x16xf32> to vector<16xf32>
        %swap3A_126 = vector.shape_cast %get3A_122 : vector<16xf32> to vector<1x16xf32>
        tpu.vector_store %arg12[%swap3A, %swap3A_123], %swap3A_126 {strides = array<i32>} : memref<80x16xf32, #tpu.memory_space<vmem>>, vector<1x16xf32>,
      }
      %scan3A_72 = arith.constant 80 : i32
      %mul3A_73 = arith.constant 80 : i32
      %mul3A_74 = arith.muli %mul3A_40, %mul3A_73 : i32
      %add3A_75 = arith.addi %mul3A_2, %mul3A_74 : i32
      "tpu.region"() ({
        %run_scoped3A = tpu.sem_alloc : memref<!tpu.dma_semaphore, #tpu.memory_space<semaphore_mem>>
        %dma_start3A_119 = arith.constant 0 : i32
        %dma_start3A_120 = tpu.memref_slice %arg5[%add3A_75, %dma_start3A_119] : memref<64000x128xf32, #tpu.memory_space<hbm>> -> memref<80x128xf32, #tpu.memory_space<hbm>>
        %dma_start3A_121 = arith.constant 0 : i32
        %dma_start3A_122 = tpu.memref_slice %arg5[%add3A_75, %dma_start3A_121] : memref<64000x128xf32, #tpu.memory_space<hbm>> -> memref<80x128xf32, #tpu.memory_space<hbm>>
        tpu.enqueue_dma source(%arg8 : memref<80x128xf32, #tpu.memory_space<vmem>>) target(%dma_start3A_122 : memref<80x128xf32, #tpu.memory_space<hbm>>) target_semaphore(%run_scoped3A : memref<!tpu.dma_semaphore, #tpu.memory_space<semaphore_mem>>)
        %dma_wait3A_123 = arith.constant 0 : i32
        %dma_wait3A_124 = tpu.memref_slice %arg5[%add3A_75, %dma_wait3A_123] : memref<64000x128xf32, #tpu.memory_space<hbm>> -> memref<80x128xf32, #tpu.memory_space<hbm>>
        %dma_wait3A_125 = arith.constant 0 : i32
        %dma_wait3A_126 = tpu.memref_slice %arg5[%add3A_75, %dma_wait3A_125] : memref<64000x128xf32, #tpu.memory_space<hbm>> -> memref<80x128xf32, #tpu.memory_space<hbm>>
        tpu.wait_dma2 semaphore(%run_scoped3A : memref<!tpu.dma_semaphore, #tpu.memory_space<semaphore_mem>>) src(%arg8 : memref<80x128xf32, #tpu.memory_space<vmem>>) dst(%dma_wait3A_126 : memref<80x128xf32, #tpu.memory_space<hbm>>)
        tpu.yield
      }) : () -> ()
      %mul3A_76 = arith.constant 80 : i32
      %mul3A_77 = arith.muli %mul3A_40, %mul3A_76 : i32
      %add3A_78 = arith.addi %mul3A_2, %mul3A_77 : i32
      "tpu.region"() ({
        %run_scoped3A = tpu.sem_alloc : memref<!tpu.dma_semaphore, #tpu.memory_space<semaphore_mem>>
        %dma_start3A_119 = arith.constant 0 : i32
        %dma_start3A_120 = tpu.memref_slice %arg6[%add3A_78, %dma_start3A_119] : memref<64000x16xf32, #tpu.memory_space<hbm>> -> memref<80x16xf32, #tpu.memory_space<hbm>>
        %dma_start3A_121 = arith.constant 0 : i32
        %dma_start3A_122 = tpu.memref_slice %arg6[%add3A_78, %dma_start3A_121] : memref<64000x16xf32, #tpu.memory_space<hbm>> -> memref<80x16xf32, #tpu.memory_space<hbm>>
        tpu.enqueue_dma source(%arg12 : memref<80x16xf32, #tpu.memory_space<vmem>>) target(%dma_start3A_122 : memref<80x16xf32, #tpu.memory_space<hbm>>) target_semaphore(%run_scoped3A : memref<!tpu.dma_semaphore, #tpu.memory_space<semaphore_mem>>)
        %dma_wait3A_123 = arith.constant 0 : i32
        %dma_wait3A_124 = tpu.memref_slice %arg6[%add3A_78, %dma_wait3A_123] : memref<64000x16xf32, #tpu.memory_space<hbm>> -> memref<80x16xf32, #tpu.memory_space<hbm>>
        %dma_wait3A_125 = arith.constant 0 : i32
        %dma_wait3A_126 = tpu.memref_slice %arg6[%add3A_78, %dma_wait3A_125] : memref<64000x16xf32, #tpu.memory_space<hbm>> -> memref<80x16xf32, #tpu.memory_space<hbm>>
        tpu.wait_dma2 semaphore(%run_scoped3A : memref<!tpu.dma_semaphore, #tpu.memory_space<semaphore_mem>>) src(%arg12 : memref<80x16xf32, #tpu.memory_space<vmem>>) dst(%dma_wait3A_126 : memref<80x16xf32, #tpu.memory_space<hbm>>)
        tpu.yield
      }) : () -> ()
      %add3A_79 = arith.constant 2 : i32
      %add3A_80 = arith.addi %mul3A_40, %add3A_79 : i32
      %mul3A_81 = arith.constant 80 : i32
      %mul3A_82 = arith.muli %add3A_80, %mul3A_81 : i32
      %dma_start3A_83 = tpu.memref_slice %arg7[%mul3A_82] : memref<2000xi32, #tpu.memory_space<vmem>> -> memref<80xi32, #tpu.memory_space<vmem>>
      %dma_start3A_84 = arith.constant 0 : i32
      %dma_start3A_85 = arith.constant 0 : i32
      %dma_start3A_86 = tpu.memref_slice %arg2[%dma_start3A_84, %dma_start3A_85] : memref<10000x128xf32, #tpu.memory_space<hbm>> -> memref<10000x128xf32, #tpu.memory_space<hbm>>
      tpu.enqueue_indirect_dma source(%dma_start3A_86 : memref<10000x128xf32, #tpu.memory_space<hbm>>) target(%arg8 : memref<80x128xf32, #tpu.memory_space<vmem>>) offsets(%dma_start3A_83 : memref<80xi32, #tpu.memory_space<vmem>>) semaphore(%arg13 : memref<!tpu.dma_semaphore, #tpu.memory_space<semaphore_mem>>)
      %mul3A_87 = arith.constant 80 : i32
      %mul3A_88 = arith.muli %add3A_80, %mul3A_87 : i32
      %dma_start3A_89 = tpu.memref_slice %arg7[%mul3A_88] : memref<2000xi32, #tpu.memory_space<vmem>> -> memref<80xi32, #tpu.memory_space<vmem>>
      %dma_start3A_90 = arith.constant 0 : i32
      %dma_start3A_91 = arith.constant 0 : i32
      %dma_start3A_92 = tpu.memref_slice %arg3[%dma_start3A_90, %dma_start3A_91] : memref<10000x128xf32, #tpu.memory_space<hbm>> -> memref<10000x128xf32, #tpu.memory_space<hbm>>
      tpu.enqueue_indirect_dma source(%dma_start3A_92 : memref<10000x128xf32, #tpu.memory_space<hbm>>) target(%arg9 : memref<80x128xf32, #tpu.memory_space<vmem>>) offsets(%dma_start3A_89 : memref<80xi32, #tpu.memory_space<vmem>>) semaphore(%arg14 : memref<!tpu.dma_semaphore, #tpu.memory_space<semaphore_mem>>)
      %dma_wait3A_93 = arith.constant 0 : i32
      %dma_wait3A_94 = arith.constant 0 : i32
      %dma_wait3A_95 = tpu.memref_slice %arg2[%dma_wait3A_93, %dma_wait3A_94] : memref<10000x128xf32, #tpu.memory_space<hbm>> -> memref<80x128xf32, #tpu.memory_space<hbm>>
      %dma_wait3A_96 = arith.constant 0 : i32
      %dma_wait3A_97 = arith.constant 0 : i32
      %dma_wait3A_98 = tpu.memref_slice %arg2[%dma_wait3A_96, %dma_wait3A_97] : memref<10000x128xf32, #tpu.memory_space<hbm>> -> memref<80x128xf32, #tpu.memory_space<hbm>>
      tpu.wait_dma2 semaphore(%arg15 : memref<!tpu.dma_semaphore, #tpu.memory_space<semaphore_mem>>) src(%dma_wait3A_98 : memref<80x128xf32, #tpu.memory_space<hbm>>) dst(%arg10 : memref<80x128xf32, #tpu.memory_space<vmem>>)
      %dma_wait3A_99 = arith.constant 0 : i32
      %dma_wait3A_100 = arith.constant 0 : i32
      %dma_wait3A_101 = tpu.memref_slice %arg3[%dma_wait3A_99, %dma_wait3A_100] : memref<10000x128xf32, #tpu.memory_space<hbm>> -> memref<80x128xf32, #tpu.memory_space<hbm>>
      %dma_wait3A_102 = arith.constant 0 : i32
      %dma_wait3A_103 = arith.constant 0 : i32
      %dma_wait3A_104 = tpu.memref_slice %arg3[%dma_wait3A_102, %dma_wait3A_103] : memref<10000x128xf32, #tpu.memory_space<hbm>> -> memref<80x128xf32, #tpu.memory_space<hbm>>
      tpu.wait_dma2 semaphore(%arg16 : memref<!tpu.dma_semaphore, #tpu.memory_space<semaphore_mem>>) src(%dma_wait3A_104 : memref<80x128xf32, #tpu.memory_space<hbm>>) dst(%arg11 : memref<80x128xf32, #tpu.memory_space<vmem>>)
      %add3A_105 = arith.constant 1 : i32
      %add3A_106 = arith.addi %mul3A_40, %add3A_105 : i32
      %scan3A_107 = arith.constant 0 : i32
      %scan3A_108 = arith.constant 0 : i32
      %scan3A_109 = arith.constant 80 : i32
      %scan3A_110 = arith.addi %scan3A_108, %scan3A_109 : i32
      %scan3A_111 = arith.constant 1 : i32
      scf.for %scan3A_119 = %scan3A_108 to %scan3A_110 step %scan3A_111  : i32 {
        %get3A = arith.index_cast %scan3A_119 : i32 to index
        %get3A_120 = arith.constant 0 : index
        %get3A_121 = tpu.vector_load %arg11[%get3A, %get3A_120] {strides = array<i32>} : memref<80x128xf32, #tpu.memory_space<vmem>>, vector<1x16xf32>,
        %get3A_122 = vector.shape_cast %get3A_121 : vector<1x16xf32> to vector<16xf32>
        %swap3A = arith.index_cast %scan3A_119 : i32 to index
        %swap3A_123 = arith.constant 0 : index
        %swap3A_124 = tpu.vector_load %arg12[%swap3A, %swap3A_123] {strides = array<i32>} : memref<80x16xf32, #tpu.memory_space<vmem>>, vector<1x16xf32>,
        %swap3A_125 = vector.shape_cast %swap3A_124 : vector<1x16xf32> to vector<16xf32>
        %swap3A_126 = vector.shape_cast %get3A_122 : vector<16xf32> to vector<1x16xf32>
        tpu.vector_store %arg12[%swap3A, %swap3A_123], %swap3A_126 {strides = array<i32>} : memref<80x16xf32, #tpu.memory_space<vmem>>, vector<1x16xf32>,
      }
      %scan3A_112 = arith.constant 80 : i32
      %mul3A_113 = arith.constant 80 : i32
      %mul3A_114 = arith.muli %add3A_106, %mul3A_113 : i32
      %add3A_115 = arith.addi %mul3A_2, %mul3A_114 : i32
      "tpu.region"() ({
        %run_scoped3A = tpu.sem_alloc : memref<!tpu.dma_semaphore, #tpu.memory_space<semaphore_mem>>
        %dma_start3A_119 = arith.constant 0 : i32
        %dma_start3A_120 = tpu.memref_slice %arg5[%add3A_115, %dma_start3A_119] : memref<64000x128xf32, #tpu.memory_space<hbm>> -> memref<80x128xf32, #tpu.memory_space<hbm>>
        %dma_start3A_121 = arith.constant 0 : i32
        %dma_start3A_122 = tpu.memref_slice %arg5[%add3A_115, %dma_start3A_121] : memref<64000x128xf32, #tpu.memory_space<hbm>> -> memref<80x128xf32, #tpu.memory_space<hbm>>
        tpu.enqueue_dma source(%arg10 : memref<80x128xf32, #tpu.memory_space<vmem>>) target(%dma_start3A_122 : memref<80x128xf32, #tpu.memory_space<hbm>>) target_semaphore(%run_scoped3A : memref<!tpu.dma_semaphore, #tpu.memory_space<semaphore_mem>>)
        %dma_wait3A_123 = arith.constant 0 : i32
        %dma_wait3A_124 = tpu.memref_slice %arg5[%add3A_115, %dma_wait3A_123] : memref<64000x128xf32, #tpu.memory_space<hbm>> -> memref<80x128xf32, #tpu.memory_space<hbm>>
        %dma_wait3A_125 = arith.constant 0 : i32
        %dma_wait3A_126 = tpu.memref_slice %arg5[%add3A_115, %dma_wait3A_125] : memref<64000x128xf32, #tpu.memory_space<hbm>> -> memref<80x128xf32, #tpu.memory_space<hbm>>
        tpu.wait_dma2 semaphore(%run_scoped3A : memref<!tpu.dma_semaphore, #tpu.memory_space<semaphore_mem>>) src(%arg10 : memref<80x128xf32, #tpu.memory_space<vmem>>) dst(%dma_wait3A_126 : memref<80x128xf32, #tpu.memory_space<hbm>>)
        tpu.yield
      }) : () -> ()
      %mul3A_116 = arith.constant 80 : i32
      %mul3A_117 = arith.muli %add3A_106, %mul3A_116 : i32
      %add3A_118 = arith.addi %mul3A_2, %mul3A_117 : i32
      "tpu.region"() ({
        %run_scoped3A = tpu.sem_alloc : memref<!tpu.dma_semaphore, #tpu.memory_space<semaphore_mem>>
        %dma_start3A_119 = arith.constant 0 : i32
        %dma_start3A_120 = tpu.memref_slice %arg6[%add3A_118, %dma_start3A_119] : memref<64000x16xf32, #tpu.memory_space<hbm>> -> memref<80x16xf32, #tpu.memory_space<hbm>>
        %dma_start3A_121 = arith.constant 0 : i32
        %dma_start3A_122 = tpu.memref_slice %arg6[%add3A_118, %dma_start3A_121] : memref<64000x16xf32, #tpu.memory_space<hbm>> -> memref<80x16xf32, #tpu.memory_space<hbm>>
        tpu.enqueue_dma source(%arg12 : memref<80x16xf32, #tpu.memory_space<vmem>>) target(%dma_start3A_122 : memref<80x16xf32, #tpu.memory_space<hbm>>) target_semaphore(%run_scoped3A : memref<!tpu.dma_semaphore, #tpu.memory_space<semaphore_mem>>)
        %dma_wait3A_123 = arith.constant 0 : i32
        %dma_wait3A_124 = tpu.memref_slice %arg6[%add3A_118, %dma_wait3A_123] : memref<64000x16xf32, #tpu.memory_space<hbm>> -> memref<80x16xf32, #tpu.memory_space<hbm>>
        %dma_wait3A_125 = arith.constant 0 : i32
        %dma_wait3A_126 = tpu.memref_slice %arg6[%add3A_118, %dma_wait3A_125] : memref<64000x16xf32, #tpu.memory_space<hbm>> -> memref<80x16xf32, #tpu.memory_space<hbm>>
        tpu.wait_dma2 semaphore(%run_scoped3A : memref<!tpu.dma_semaphore, #tpu.memory_space<semaphore_mem>>) src(%arg12 : memref<80x16xf32, #tpu.memory_space<vmem>>) dst(%dma_wait3A_126 : memref<80x16xf32, #tpu.memory_space<hbm>>)
        tpu.yield
      }) : () -> ()
    }
    %scan3A_16 = arith.constant 12 : i32
    %dma_wait3A = arith.constant 0 : i32
    %dma_wait3A_17 = arith.constant 0 : i32
    %dma_wait3A_18 = tpu.memref_slice %arg2[%dma_wait3A, %dma_wait3A_17] : memref<10000x128xf32, #tpu.memory_space<hbm>> -> memref<80x128xf32, #tpu.memory_space<hbm>>
    %dma_wait3A_19 = arith.constant 0 : i32
    %dma_wait3A_20 = arith.constant 0 : i32
    %dma_wait3A_21 = tpu.memref_slice %arg2[%dma_wait3A_19, %dma_wait3A_20] : memref<10000x128xf32, #tpu.memory_space<hbm>> -> memref<80x128xf32, #tpu.memory_space<hbm>>
    tpu.wait_dma2 semaphore(%arg13 : memref<!tpu.dma_semaphore, #tpu.memory_space<semaphore_mem>>) src(%dma_wait3A_21 : memref<80x128xf32, #tpu.memory_space<hbm>>) dst(%arg8 : memref<80x128xf32, #tpu.memory_space<vmem>>)
    %dma_wait3A_22 = arith.constant 0 : i32
    %dma_wait3A_23 = arith.constant 0 : i32
    %dma_wait3A_24 = tpu.memref_slice %arg3[%dma_wait3A_22, %dma_wait3A_23] : memref<10000x128xf32, #tpu.memory_space<hbm>> -> memref<80x128xf32, #tpu.memory_space<hbm>>
    %dma_wait3A_25 = arith.constant 0 : i32
    %dma_wait3A_26 = arith.constant 0 : i32
    %dma_wait3A_27 = tpu.memref_slice %arg3[%dma_wait3A_25, %dma_wait3A_26] : memref<10000x128xf32, #tpu.memory_space<hbm>> -> memref<80x128xf32, #tpu.memory_space<hbm>>
    tpu.wait_dma2 semaphore(%arg14 : memref<!tpu.dma_semaphore, #tpu.memory_space<semaphore_mem>>) src(%dma_wait3A_27 : memref<80x128xf32, #tpu.memory_space<hbm>>) dst(%arg9 : memref<80x128xf32, #tpu.memory_space<vmem>>)
    %scan3A_28 = arith.constant 0 : i32
    %scan3A_29 = arith.constant 0 : i32
    %scan3A_30 = arith.constant 80 : i32
    %scan3A_31 = arith.addi %scan3A_29, %scan3A_30 : i32
    %scan3A_32 = arith.constant 1 : i32
    scf.for %scan3A_38 = %scan3A_29 to %scan3A_31 step %scan3A_32  : i32 {
      %get3A = arith.index_cast %scan3A_38 : i32 to index
      %get3A_39 = arith.constant 0 : index
      %get3A_40 = tpu.vector_load %arg9[%get3A, %get3A_39] {strides = array<i32>} : memref<80x128xf32, #tpu.memory_space<vmem>>, vector<1x16xf32>,
      %get3A_41 = vector.shape_cast %get3A_40 : vector<1x16xf32> to vector<16xf32>
      %swap3A = arith.index_cast %scan3A_38 : i32 to index
      %swap3A_42 = arith.constant 0 : index
      %swap3A_43 = tpu.vector_load %arg12[%swap3A, %swap3A_42] {strides = array<i32>} : memref<80x16xf32, #tpu.memory_space<vmem>>, vector<1x16xf32>,
      %swap3A_44 = vector.shape_cast %swap3A_43 : vector<1x16xf32> to vector<16xf32>
      %swap3A_45 = vector.shape_cast %get3A_41 : vector<16xf32> to vector<1x16xf32>
      tpu.vector_store %arg12[%swap3A, %swap3A_42], %swap3A_45 {strides = array<i32>} : memref<80x16xf32, #tpu.memory_space<vmem>>, vector<1x16xf32>,
    }
    %scan3A_33 = arith.constant 80 : i32
    %add3A_34 = arith.constant 1920 : i32
    %add3A_35 = arith.addi %mul3A_2, %add3A_34 : i32
    "tpu.region"() ({
      %run_scoped3A = tpu.sem_alloc : memref<!tpu.dma_semaphore, #tpu.memory_space<semaphore_mem>>
      %dma_start3A_38 = arith.constant 0 : i32
      %dma_start3A_39 = tpu.memref_slice %arg5[%add3A_35, %dma_start3A_38] : memref<64000x128xf32, #tpu.memory_space<hbm>> -> memref<80x128xf32, #tpu.memory_space<hbm>>
      %dma_start3A_40 = arith.constant 0 : i32
      %dma_start3A_41 = tpu.memref_slice %arg5[%add3A_35, %dma_start3A_40] : memref<64000x128xf32, #tpu.memory_space<hbm>> -> memref<80x128xf32, #tpu.memory_space<hbm>>
      tpu.enqueue_dma source(%arg8 : memref<80x128xf32, #tpu.memory_space<vmem>>) target(%dma_start3A_41 : memref<80x128xf32, #tpu.memory_space<hbm>>) target_semaphore(%run_scoped3A : memref<!tpu.dma_semaphore, #tpu.memory_space<semaphore_mem>>)
      %dma_wait3A_42 = arith.constant 0 : i32
      %dma_wait3A_43 = tpu.memref_slice %arg5[%add3A_35, %dma_wait3A_42] : memref<64000x128xf32, #tpu.memory_space<hbm>> -> memref<80x128xf32, #tpu.memory_space<hbm>>
      %dma_wait3A_44 = arith.constant 0 : i32
      %dma_wait3A_45 = tpu.memref_slice %arg5[%add3A_35, %dma_wait3A_44] : memref<64000x128xf32, #tpu.memory_space<hbm>> -> memref<80x128xf32, #tpu.memory_space<hbm>>
      tpu.wait_dma2 semaphore(%run_scoped3A : memref<!tpu.dma_semaphore, #tpu.memory_space<semaphore_mem>>) src(%arg8 : memref<80x128xf32, #tpu.memory_space<vmem>>) dst(%dma_wait3A_45 : memref<80x128xf32, #tpu.memory_space<hbm>>)
      tpu.yield
    }) : () -> ()
    %add3A_36 = arith.constant 1920 : i32
    %add3A_37 = arith.addi %mul3A_2, %add3A_36 : i32
    "tpu.region"() ({
      %run_scoped3A = tpu.sem_alloc : memref<!tpu.dma_semaphore, #tpu.memory_space<semaphore_mem>>
      %dma_start3A_38 = arith.constant 0 : i32
      %dma_start3A_39 = tpu.memref_slice %arg6[%add3A_37, %dma_start3A_38] : memref<64000x16xf32, #tpu.memory_space<hbm>> -> memref<80x16xf32, #tpu.memory_space<hbm>>
      %dma_start3A_40 = arith.constant 0 : i32
      %dma_start3A_41 = tpu.memref_slice %arg6[%add3A_37, %dma_start3A_40] : memref<64000x16xf32, #tpu.memory_space<hbm>> -> memref<80x16xf32, #tpu.memory_space<hbm>>
      tpu.enqueue_dma source(%arg12 : memref<80x16xf32, #tpu.memory_space<vmem>>) target(%dma_start3A_41 : memref<80x16xf32, #tpu.memory_space<hbm>>) target_semaphore(%run_scoped3A : memref<!tpu.dma_semaphore, #tpu.memory_space<semaphore_mem>>)
      %dma_wait3A_42 = arith.constant 0 : i32
      %dma_wait3A_43 = tpu.memref_slice %arg6[%add3A_37, %dma_wait3A_42] : memref<64000x16xf32, #tpu.memory_space<hbm>> -> memref<80x16xf32, #tpu.memory_space<hbm>>
      %dma_wait3A_44 = arith.constant 0 : i32
      %dma_wait3A_45 = tpu.memref_slice %arg6[%add3A_37, %dma_wait3A_44] : memref<64000x16xf32, #tpu.memory_space<hbm>> -> memref<80x16xf32, #tpu.memory_space<hbm>>
      tpu.wait_dma2 semaphore(%run_scoped3A : memref<!tpu.dma_semaphore, #tpu.memory_space<semaphore_mem>>) src(%arg12 : memref<80x16xf32, #tpu.memory_space<vmem>>) dst(%dma_wait3A_45 : memref<80x16xf32, #tpu.memory_space<hbm>>)
      tpu.yield
    }) : () -> ()
    return
  }
}

#map = affine_map<(d0, d1) -> (0, 0)>
#map1 = affine_map<(d0, d1) -> (0)>
module attributes {stable_mosaic.version = 14 : i64} {
  func.func @k(%arg0: i32, %arg1: i32, %arg2: memref<10000x128xf32, #tpu.memory_space<hbm>>, %arg3: memref<10000x128xf32, #tpu.memory_space<hbm>>, %arg4: memref<64000xi32, #tpu.memory_space<hbm>>, %arg5: memref<64000x128xf32, #tpu.memory_space<hbm>>, %arg6: memref<64000x16xf32, #tpu.memory_space<hbm>>, %arg7: memref<2000xi32, #tpu.memory_space<vmem>>, %arg8: memref<80x128xf32, #tpu.memory_space<vmem>>, %arg9: memref<80x128xf32, #tpu.memory_space<vmem>>, %arg10: memref<80x128xf32, #tpu.memory_space<vmem>>, %arg11: memref<80x128xf32, #tpu.memory_space<vmem>>, %arg12: memref<80x16xf32, #tpu.memory_space<vmem>>, %arg13: memref<!tpu.dma_semaphore, #tpu.memory_space<semaphore_mem>>, %arg14: memref<!tpu.dma_semaphore, #tpu.memory_space<semaphore_mem>>, %arg15: memref<!tpu.dma_semaphore, #tpu.memory_space<semaphore_mem>>, %arg16: memref<!tpu.dma_semaphore, #tpu.memory_space<semaphore_mem>>) attributes {dimension_semantics = [#tpu.dimension_semantics<core_parallel>, #tpu.dimension_semantics<subcore_parallel>], iteration_bounds = array<i64: 2, 16>, scalar_prefetch = 0 : i64, scratch_operands = 10 : i64, tpu.core_type = #tpu.core_type<sc_vector_subcore>, window_params = [{transform_indices = #map}, {transform_indices = #map}, {transform_indices = #map1}, {transform_indices = #map}, {transform_indices = #map}]} {
    %mul3A = arith.constant 2 : i32
    %mul3A_0 = arith.muli %arg1, %mul3A : i32
    %add3A = arith.addi %mul3A_0, %arg0 : i32
    %mul3A_1 = arith.constant 2000 : i32
    %mul3A_2 = arith.muli %add3A, %mul3A_1 : i32
    "tpu.region"() ({
      %run_scoped3A = tpu.sem_alloc : memref<!tpu.dma_semaphore, #tpu.memory_space<semaphore_mem>>
      %dma_start3A_38 = tpu.memref_slice %arg4[%mul3A_2] : memref<64000xi32, #tpu.memory_space<hbm>> -> memref<2000xi32, #tpu.memory_space<hbm>>
      %dma_start3A_39 = tpu.memref_slice %arg4[%mul3A_2] : memref<64000xi32, #tpu.memory_space<hbm>> -> memref<2000xi32, #tpu.memory_space<hbm>>
      tpu.enqueue_dma source(%dma_start3A_39 : memref<2000xi32, #tpu.memory_space<hbm>>) target(%arg7 : memref<2000xi32, #tpu.memory_space<vmem>>) target_semaphore(%run_scoped3A : memref<!tpu.dma_semaphore, #tpu.memory_space<semaphore_mem>>)
      %dma_wait3A_40 = tpu.memref_slice %arg4[%mul3A_2] : memref<64000xi32, #tpu.memory_space<hbm>> -> memref<2000xi32, #tpu.memory_space<hbm>>
      %dma_wait3A_41 = tpu.memref_slice %arg4[%mul3A_2] : memref<64000xi32, #tpu.memory_space<hbm>> -> memref<2000xi32, #tpu.memory_space<hbm>>
      tpu.wait_dma2 semaphore(%run_scoped3A : memref<!tpu.dma_semaphore, #tpu.memory_space<semaphore_mem>>) src(%dma_wait3A_41 : memref<2000xi32, #tpu.memory_space<hbm>>) dst(%arg7 : memref<2000xi32, #tpu.memory_space<vmem>>)
      tpu.yield
    }) : () -> ()
    %dma_start3A = arith.constant 0 : i32
    %dma_start3A_3 = tpu.memref_slice %arg7[%dma_start3A] : memref<2000xi32, #tpu.memory_space<vmem>> -> memref<80xi32, #tpu.memory_space<vmem>>
    %dma_start3A_4 = arith.constant 0 : i32
    %dma_start3A_5 = arith.constant 0 : i32
    %dma_start3A_6 = tpu.memref_slice %arg2[%dma_start3A_4, %dma_start3A_5] : memref<10000x128xf32, #tpu.memory_space<hbm>> -> memref<10000x128xf32, #tpu.memory_space<hbm>>
    tpu.enqueue_indirect_dma source(%dma_start3A_6 : memref<10000x128xf32, #tpu.memory_space<hbm>>) target(%arg8 : memref<80x128xf32, #tpu.memory_space<vmem>>) offsets(%dma_start3A_3 : memref<80xi32, #tpu.memory_space<vmem>>) semaphore(%arg13 : memref<!tpu.dma_semaphore, #tpu.memory_space<semaphore_mem>>)
    %dma_start3A_7 = arith.constant 0 : i32
    %dma_start3A_8 = tpu.memref_slice %arg7[%dma_start3A_7] : memref<2000xi32, #tpu.memory_space<vmem>> -> memref<80xi32, #tpu.memory_space<vmem>>
    %dma_start3A_9 = arith.constant 0 : i32
    %dma_start3A_10 = arith.constant 0 : i32
    %dma_start3A_11 = tpu.memref_slice %arg3[%dma_start3A_9, %dma_start3A_10] : memref<10000x128xf32, #tpu.memory_space<hbm>> -> memref<10000x128xf32, #tpu.memory_space<hbm>>
    tpu.enqueue_indirect_dma source(%dma_start3A_11 : memref<10000x128xf32, #tpu.memory_space<hbm>>) target(%arg9 : memref<80x128xf32, #tpu.memory_space<vmem>>) offsets(%dma_start3A_8 : memref<80xi32, #tpu.memory_space<vmem>>) semaphore(%arg14 : memref<!tpu.dma_semaphore, #tpu.memory_space<semaphore_mem>>)
    %scan3A = arith.constant 0 : i32
    %scan3A_12 = arith.constant 0 : i32
    %scan3A_13 = arith.constant 12 : i32
    %scan3A_14 = arith.addi %scan3A_12, %scan3A_13 : i32
    %scan3A_15 = arith.constant 1 : i32
    scf.for %scan3A_38 = %scan3A_12 to %scan3A_14 step %scan3A_15  : i32 {
      %mul3A_39 = arith.constant 2 : i32
      %mul3A_40 = arith.muli %mul3A_39, %scan3A_38 : i32
      %add3A_41 = arith.constant 1 : i32
      %add3A_42 = arith.addi %mul3A_40, %add3A_41 : i32
      %mul3A_43 = arith.constant 80 : i32
      %mul3A_44 = arith.muli %add3A_42, %mul3A_43 : i32
      %dma_start3A_45 = tpu.memref_slice %arg7[%mul3A_44] : memref<2000xi32, #tpu.memory_space<vmem>> -> memref<80xi32, #tpu.memory_space<vmem>>
      %dma_start3A_46 = arith.constant 0 : i32
      %dma_start3A_47 = arith.constant 0 : i32
      %dma_start3A_48 = tpu.memref_slice %arg2[%dma_start3A_46, %dma_start3A_47] : memref<10000x128xf32, #tpu.memory_space<hbm>> -> memref<10000x128xf32, #tpu.memory_space<hbm>>
      tpu.enqueue_indirect_dma source(%dma_start3A_48 : memref<10000x128xf32, #tpu.memory_space<hbm>>) target(%arg10 : memref<80x128xf32, #tpu.memory_space<vmem>>) offsets(%dma_start3A_45 : memref<80xi32, #tpu.memory_space<vmem>>) semaphore(%arg15 : memref<!tpu.dma_semaphore, #tpu.memory_space<semaphore_mem>>)
      %mul3A_49 = arith.constant 80 : i32
      %mul3A_50 = arith.muli %add3A_42, %mul3A_49 : i32
      %dma_start3A_51 = tpu.memref_slice %arg7[%mul3A_50] : memref<2000xi32, #tpu.memory_space<vmem>> -> memref<80xi32, #tpu.memory_space<vmem>>
      %dma_start3A_52 = arith.constant 0 : i32
      %dma_start3A_53 = arith.constant 0 : i32
      %dma_start3A_54 = tpu.memref_slice %arg3[%dma_start3A_52, %dma_start3A_53] : memref<10000x128xf32, #tpu.memory_space<hbm>> -> memref<10000x128xf32, #tpu.memory_space<hbm>>
      tpu.enqueue_indirect_dma source(%dma_start3A_54 : memref<10000x128xf32, #tpu.memory_space<hbm>>) target(%arg11 : memref<80x128xf32, #tpu.memory_space<vmem>>) offsets(%dma_start3A_51 : memref<80xi32, #tpu.memory_space<vmem>>) semaphore(%arg16 : memref<!tpu.dma_semaphore, #tpu.memory_space<semaphore_mem>>)
      %dma_wait3A_55 = arith.constant 0 : i32
      %dma_wait3A_56 = arith.constant 0 : i32
      %dma_wait3A_57 = tpu.memref_slice %arg2[%dma_wait3A_55, %dma_wait3A_56] : memref<10000x128xf32, #tpu.memory_space<hbm>> -> memref<80x128xf32, #tpu.memory_space<hbm>>
      %dma_wait3A_58 = arith.constant 0 : i32
      %dma_wait3A_59 = arith.constant 0 : i32
      %dma_wait3A_60 = tpu.memref_slice %arg2[%dma_wait3A_58, %dma_wait3A_59] : memref<10000x128xf32, #tpu.memory_space<hbm>> -> memref<80x128xf32, #tpu.memory_space<hbm>>
      tpu.wait_dma2 semaphore(%arg13 : memref<!tpu.dma_semaphore, #tpu.memory_space<semaphore_mem>>) src(%dma_wait3A_60 : memref<80x128xf32, #tpu.memory_space<hbm>>) dst(%arg8 : memref<80x128xf32, #tpu.memory_space<vmem>>)
      %dma_wait3A_61 = arith.constant 0 : i32
      %dma_wait3A_62 = arith.constant 0 : i32
      %dma_wait3A_63 = tpu.memref_slice %arg3[%dma_wait3A_61, %dma_wait3A_62] : memref<10000x128xf32, #tpu.memory_space<hbm>> -> memref<80x128xf32, #tpu.memory_space<hbm>>
      %dma_wait3A_64 = arith.constant 0 : i32
      %dma_wait3A_65 = arith.constant 0 : i32
      %dma_wait3A_66 = tpu.memref_slice %arg3[%dma_wait3A_64, %dma_wait3A_65] : memref<10000x128xf32, #tpu.memory_space<hbm>> -> memref<80x128xf32, #tpu.memory_space<hbm>>
      tpu.wait_dma2 semaphore(%arg14 : memref<!tpu.dma_semaphore, #tpu.memory_space<semaphore_mem>>) src(%dma_wait3A_66 : memref<80x128xf32, #tpu.memory_space<hbm>>) dst(%arg9 : memref<80x128xf32, #tpu.memory_space<vmem>>)
      %scan3A_67 = arith.constant 0 : i32
      %scan3A_68 = arith.constant 0 : i32
      %scan3A_69 = arith.constant 80 : i32
      %scan3A_70 = arith.addi %scan3A_68, %scan3A_69 : i32
      %scan3A_71 = arith.constant 1 : i32
      scf.for %scan3A_119 = %scan3A_68 to %scan3A_70 step %scan3A_71  : i32 {
        %get3A = arith.index_cast %scan3A_119 : i32 to index
        %get3A_120 = arith.constant 0 : index
        %get3A_121 = tpu.vector_load %arg9[%get3A, %get3A_120] {strides = array<i32>} : memref<80x128xf32, #tpu.memory_space<vmem>>, vector<1x16xf32>,
        %get3A_122 = vector.shape_cast %get3A_121 : vector<1x16xf32> to vector<16xf32>
        %swap3A = arith.index_cast %scan3A_119 : i32 to index
        %swap3A_123 = arith.constant 0 : index
        %swap3A_124 = tpu.vector_load %arg12[%swap3A, %swap3A_123] {strides = array<i32>} : memref<80x16xf32, #tpu.memory_space<vmem>>, vector<1x16xf32>,
        %swap3A_125 = vector.shape_cast %swap3A_124 : vector<1x16xf32> to vector<16xf32>
        %swap3A_126 = vector.shape_cast %get3A_122 : vector<16xf32> to vector<1x16xf32>
        tpu.vector_store %arg12[%swap3A, %swap3A_123], %swap3A_126 {strides = array<i32>} : memref<80x16xf32, #tpu.memory_space<vmem>>, vector<1x16xf32>,
      }
      %scan3A_72 = arith.constant 80 : i32
      %mul3A_73 = arith.constant 80 : i32
      %mul3A_74 = arith.muli %mul3A_40, %mul3A_73 : i32
      %add3A_75 = arith.addi %mul3A_2, %mul3A_74 : i32
      "tpu.region"() ({
        %run_scoped3A = tpu.sem_alloc : memref<!tpu.dma_semaphore, #tpu.memory_space<semaphore_mem>>
        %dma_start3A_119 = arith.constant 0 : i32
        %dma_start3A_120 = tpu.memref_slice %arg5[%add3A_75, %dma_start3A_119] : memref<64000x128xf32, #tpu.memory_space<hbm>> -> memref<80x128xf32, #tpu.memory_space<hbm>>
        %dma_start3A_121 = arith.constant 0 : i32
        %dma_start3A_122 = tpu.memref_slice %arg5[%add3A_75, %dma_start3A_121] : memref<64000x128xf32, #tpu.memory_space<hbm>> -> memref<80x128xf32, #tpu.memory_space<hbm>>
        tpu.enqueue_dma source(%arg8 : memref<80x128xf32, #tpu.memory_space<vmem>>) target(%dma_start3A_122 : memref<80x128xf32, #tpu.memory_space<hbm>>) target_semaphore(%run_scoped3A : memref<!tpu.dma_semaphore, #tpu.memory_space<semaphore_mem>>)
        %dma_wait3A_123 = arith.constant 0 : i32
        %dma_wait3A_124 = tpu.memref_slice %arg5[%add3A_75, %dma_wait3A_123] : memref<64000x128xf32, #tpu.memory_space<hbm>> -> memref<80x128xf32, #tpu.memory_space<hbm>>
        %dma_wait3A_125 = arith.constant 0 : i32
        %dma_wait3A_126 = tpu.memref_slice %arg5[%add3A_75, %dma_wait3A_125] : memref<64000x128xf32, #tpu.memory_space<hbm>> -> memref<80x128xf32, #tpu.memory_space<hbm>>
        tpu.wait_dma2 semaphore(%run_scoped3A : memref<!tpu.dma_semaphore, #tpu.memory_space<semaphore_mem>>) src(%arg8 : memref<80x128xf32, #tpu.memory_space<vmem>>) dst(%dma_wait3A_126 : memref<80x128xf32, #tpu.memory_space<hbm>>)
        tpu.yield
      }) : () -> ()
      %mul3A_76 = arith.constant 80 : i32
      %mul3A_77 = arith.muli %mul3A_40, %mul3A_76 : i32
      %add3A_78 = arith.addi %mul3A_2, %mul3A_77 : i32
      "tpu.region"() ({
        %run_scoped3A = tpu.sem_alloc : memref<!tpu.dma_semaphore, #tpu.memory_space<semaphore_mem>>
        %dma_start3A_119 = arith.constant 0 : i32
        %dma_start3A_120 = tpu.memref_slice %arg6[%add3A_78, %dma_start3A_119] : memref<64000x16xf32, #tpu.memory_space<hbm>> -> memref<80x16xf32, #tpu.memory_space<hbm>>
        %dma_start3A_121 = arith.constant 0 : i32
        %dma_start3A_122 = tpu.memref_slice %arg6[%add3A_78, %dma_start3A_121] : memref<64000x16xf32, #tpu.memory_space<hbm>> -> memref<80x16xf32, #tpu.memory_space<hbm>>
        tpu.enqueue_dma source(%arg12 : memref<80x16xf32, #tpu.memory_space<vmem>>) target(%dma_start3A_122 : memref<80x16xf32, #tpu.memory_space<hbm>>) target_semaphore(%run_scoped3A : memref<!tpu.dma_semaphore, #tpu.memory_space<semaphore_mem>>)
        %dma_wait3A_123 = arith.constant 0 : i32
        %dma_wait3A_124 = tpu.memref_slice %arg6[%add3A_78, %dma_wait3A_123] : memref<64000x16xf32, #tpu.memory_space<hbm>> -> memref<80x16xf32, #tpu.memory_space<hbm>>
        %dma_wait3A_125 = arith.constant 0 : i32
        %dma_wait3A_126 = tpu.memref_slice %arg6[%add3A_78, %dma_wait3A_125] : memref<64000x16xf32, #tpu.memory_space<hbm>> -> memref<80x16xf32, #tpu.memory_space<hbm>>
        tpu.wait_dma2 semaphore(%run_scoped3A : memref<!tpu.dma_semaphore, #tpu.memory_space<semaphore_mem>>) src(%arg12 : memref<80x16xf32, #tpu.memory_space<vmem>>) dst(%dma_wait3A_126 : memref<80x16xf32, #tpu.memory_space<hbm>>)
        tpu.yield
      }) : () -> ()
      %add3A_79 = arith.constant 2 : i32
      %add3A_80 = arith.addi %mul3A_40, %add3A_79 : i32
      %mul3A_81 = arith.constant 80 : i32
      %mul3A_82 = arith.muli %add3A_80, %mul3A_81 : i32
      %dma_start3A_83 = tpu.memref_slice %arg7[%mul3A_82] : memref<2000xi32, #tpu.memory_space<vmem>> -> memref<80xi32, #tpu.memory_space<vmem>>
      %dma_start3A_84 = arith.constant 0 : i32
      %dma_start3A_85 = arith.constant 0 : i32
      %dma_start3A_86 = tpu.memref_slice %arg2[%dma_start3A_84, %dma_start3A_85] : memref<10000x128xf32, #tpu.memory_space<hbm>> -> memref<10000x128xf32, #tpu.memory_space<hbm>>
      tpu.enqueue_indirect_dma source(%dma_start3A_86 : memref<10000x128xf32, #tpu.memory_space<hbm>>) target(%arg8 : memref<80x128xf32, #tpu.memory_space<vmem>>) offsets(%dma_start3A_83 : memref<80xi32, #tpu.memory_space<vmem>>) semaphore(%arg13 : memref<!tpu.dma_semaphore, #tpu.memory_space<semaphore_mem>>)
      %mul3A_87 = arith.constant 80 : i32
      %mul3A_88 = arith.muli %add3A_80, %mul3A_87 : i32
      %dma_start3A_89 = tpu.memref_slice %arg7[%mul3A_88] : memref<2000xi32, #tpu.memory_space<vmem>> -> memref<80xi32, #tpu.memory_space<vmem>>
      %dma_start3A_90 = arith.constant 0 : i32
      %dma_start3A_91 = arith.constant 0 : i32
      %dma_start3A_92 = tpu.memref_slice %arg3[%dma_start3A_90, %dma_start3A_91] : memref<10000x128xf32, #tpu.memory_space<hbm>> -> memref<10000x128xf32, #tpu.memory_space<hbm>>
      tpu.enqueue_indirect_dma source(%dma_start3A_92 : memref<10000x128xf32, #tpu.memory_space<hbm>>) target(%arg9 : memref<80x128xf32, #tpu.memory_space<vmem>>) offsets(%dma_start3A_89 : memref<80xi32, #tpu.memory_space<vmem>>) semaphore(%arg14 : memref<!tpu.dma_semaphore, #tpu.memory_space<semaphore_mem>>)
      %dma_wait3A_93 = arith.constant 0 : i32
      %dma_wait3A_94 = arith.constant 0 : i32
      %dma_wait3A_95 = tpu.memref_slice %arg2[%dma_wait3A_93, %dma_wait3A_94] : memref<10000x128xf32, #tpu.memory_space<hbm>> -> memref<80x128xf32, #tpu.memory_space<hbm>>
      %dma_wait3A_96 = arith.constant 0 : i32
      %dma_wait3A_97 = arith.constant 0 : i32
      %dma_wait3A_98 = tpu.memref_slice %arg2[%dma_wait3A_96, %dma_wait3A_97] : memref<10000x128xf32, #tpu.memory_space<hbm>> -> memref<80x128xf32, #tpu.memory_space<hbm>>
      tpu.wait_dma2 semaphore(%arg15 : memref<!tpu.dma_semaphore, #tpu.memory_space<semaphore_mem>>) src(%dma_wait3A_98 : memref<80x128xf32, #tpu.memory_space<hbm>>) dst(%arg10 : memref<80x128xf32, #tpu.memory_space<vmem>>)
      %dma_wait3A_99 = arith.constant 0 : i32
      %dma_wait3A_100 = arith.constant 0 : i32
      %dma_wait3A_101 = tpu.memref_slice %arg3[%dma_wait3A_99, %dma_wait3A_100] : memref<10000x128xf32, #tpu.memory_space<hbm>> -> memref<80x128xf32, #tpu.memory_space<hbm>>
      %dma_wait3A_102 = arith.constant 0 : i32
      %dma_wait3A_103 = arith.constant 0 : i32
      %dma_wait3A_104 = tpu.memref_slice %arg3[%dma_wait3A_102, %dma_wait3A_103] : memref<10000x128xf32, #tpu.memory_space<hbm>> -> memref<80x128xf32, #tpu.memory_space<hbm>>
      tpu.wait_dma2 semaphore(%arg16 : memref<!tpu.dma_semaphore, #tpu.memory_space<semaphore_mem>>) src(%dma_wait3A_104 : memref<80x128xf32, #tpu.memory_space<hbm>>) dst(%arg11 : memref<80x128xf32, #tpu.memory_space<vmem>>)
      %add3A_105 = arith.constant 1 : i32
      %add3A_106 = arith.addi %mul3A_40, %add3A_105 : i32
      %scan3A_107 = arith.constant 0 : i32
      %scan3A_108 = arith.constant 0 : i32
      %scan3A_109 = arith.constant 80 : i32
      %scan3A_110 = arith.addi %scan3A_108, %scan3A_109 : i32
      %scan3A_111 = arith.constant 1 : i32
      scf.for %scan3A_119 = %scan3A_108 to %scan3A_110 step %scan3A_111  : i32 {
        %get3A = arith.index_cast %scan3A_119 : i32 to index
        %get3A_120 = arith.constant 0 : index
        %get3A_121 = tpu.vector_load %arg11[%get3A, %get3A_120] {strides = array<i32>} : memref<80x128xf32, #tpu.memory_space<vmem>>, vector<1x16xf32>,
        %get3A_122 = vector.shape_cast %get3A_121 : vector<1x16xf32> to vector<16xf32>
        %swap3A = arith.index_cast %scan3A_119 : i32 to index
        %swap3A_123 = arith.constant 0 : index
        %swap3A_124 = tpu.vector_load %arg12[%swap3A, %swap3A_123] {strides = array<i32>} : memref<80x16xf32, #tpu.memory_space<vmem>>, vector<1x16xf32>,
        %swap3A_125 = vector.shape_cast %swap3A_124 : vector<1x16xf32> to vector<16xf32>
        %swap3A_126 = vector.shape_cast %get3A_122 : vector<16xf32> to vector<1x16xf32>
        tpu.vector_store %arg12[%swap3A, %swap3A_123], %swap3A_126 {strides = array<i32>} : memref<80x16xf32, #tpu.memory_space<vmem>>, vector<1x16xf32>,
      }
      %scan3A_112 = arith.constant 80 : i32
      %mul3A_113 = arith.constant 80 : i32
      %mul3A_114 = arith.muli %add3A_106, %mul3A_113 : i32
      %add3A_115 = arith.addi %mul3A_2, %mul3A_114 : i32
      "tpu.region"() ({
        %run_scoped3A = tpu.sem_alloc : memref<!tpu.dma_semaphore, #tpu.memory_space<semaphore_mem>>
        %dma_start3A_119 = arith.constant 0 : i32
        %dma_start3A_120 = tpu.memref_slice %arg5[%add3A_115, %dma_start3A_119] : memref<64000x128xf32, #tpu.memory_space<hbm>> -> memref<80x128xf32, #tpu.memory_space<hbm>>
        %dma_start3A_121 = arith.constant 0 : i32
        %dma_start3A_122 = tpu.memref_slice %arg5[%add3A_115, %dma_start3A_121] : memref<64000x128xf32, #tpu.memory_space<hbm>> -> memref<80x128xf32, #tpu.memory_space<hbm>>
        tpu.enqueue_dma source(%arg10 : memref<80x128xf32, #tpu.memory_space<vmem>>) target(%dma_start3A_122 : memref<80x128xf32, #tpu.memory_space<hbm>>) target_semaphore(%run_scoped3A : memref<!tpu.dma_semaphore, #tpu.memory_space<semaphore_mem>>)
        %dma_wait3A_123 = arith.constant 0 : i32
        %dma_wait3A_124 = tpu.memref_slice %arg5[%add3A_115, %dma_wait3A_123] : memref<64000x128xf32, #tpu.memory_space<hbm>> -> memref<80x128xf32, #tpu.memory_space<hbm>>
        %dma_wait3A_125 = arith.constant 0 : i32
        %dma_wait3A_126 = tpu.memref_slice %arg5[%add3A_115, %dma_wait3A_125] : memref<64000x128xf32, #tpu.memory_space<hbm>> -> memref<80x128xf32, #tpu.memory_space<hbm>>
        tpu.wait_dma2 semaphore(%run_scoped3A : memref<!tpu.dma_semaphore, #tpu.memory_space<semaphore_mem>>) src(%arg10 : memref<80x128xf32, #tpu.memory_space<vmem>>) dst(%dma_wait3A_126 : memref<80x128xf32, #tpu.memory_space<hbm>>)
        tpu.yield
      }) : () -> ()
      %mul3A_116 = arith.constant 80 : i32
      %mul3A_117 = arith.muli %add3A_106, %mul3A_116 : i32
      %add3A_118 = arith.addi %mul3A_2, %mul3A_117 : i32
      "tpu.region"() ({
        %run_scoped3A = tpu.sem_alloc : memref<!tpu.dma_semaphore, #tpu.memory_space<semaphore_mem>>
        %dma_start3A_119 = arith.constant 0 : i32
        %dma_start3A_120 = tpu.memref_slice %arg6[%add3A_118, %dma_start3A_119] : memref<64000x16xf32, #tpu.memory_space<hbm>> -> memref<80x16xf32, #tpu.memory_space<hbm>>
        %dma_start3A_121 = arith.constant 0 : i32
        %dma_start3A_122 = tpu.memref_slice %arg6[%add3A_118, %dma_start3A_121] : memref<64000x16xf32, #tpu.memory_space<hbm>> -> memref<80x16xf32, #tpu.memory_space<hbm>>
        tpu.enqueue_dma source(%arg12 : memref<80x16xf32, #tpu.memory_space<vmem>>) target(%dma_start3A_122 : memref<80x16xf32, #tpu.memory_space<hbm>>) target_semaphore(%run_scoped3A : memref<!tpu.dma_semaphore, #tpu.memory_space<semaphore_mem>>)
        %dma_wait3A_123 = arith.constant 0 : i32
        %dma_wait3A_124 = tpu.memref_slice %arg6[%add3A_118, %dma_wait3A_123] : memref<64000x16xf32, #tpu.memory_space<hbm>> -> memref<80x16xf32, #tpu.memory_space<hbm>>
        %dma_wait3A_125 = arith.constant 0 : i32
        %dma_wait3A_126 = tpu.memref_slice %arg6[%add3A_118, %dma_wait3A_125] : memref<64000x16xf32, #tpu.memory_space<hbm>> -> memref<80x16xf32, #tpu.memory_space<hbm>>
        tpu.wait_dma2 semaphore(%run_scoped3A : memref<!tpu.dma_semaphore, #tpu.memory_space<semaphore_mem>>) src(%arg12 : memref<80x16xf32, #tpu.memory_space<vmem>>) dst(%dma_wait3A_126 : memref<80x16xf32, #tpu.memory_space<hbm>>)
        tpu.yield
      }) : () -> ()
    }
    %scan3A_16 = arith.constant 12 : i32
    %dma_wait3A = arith.constant 0 : i32
    %dma_wait3A_17 = arith.constant 0 : i32
    %dma_wait3A_18 = tpu.memref_slice %arg2[%dma_wait3A, %dma_wait3A_17] : memref<10000x128xf32, #tpu.memory_space<hbm>> -> memref<80x128xf32, #tpu.memory_space<hbm>>
    %dma_wait3A_19 = arith.constant 0 : i32
    %dma_wait3A_20 = arith.constant 0 : i32
    %dma_wait3A_21 = tpu.memref_slice %arg2[%dma_wait3A_19, %dma_wait3A_20] : memref<10000x128xf32, #tpu.memory_space<hbm>> -> memref<80x128xf32, #tpu.memory_space<hbm>>
    tpu.wait_dma2 semaphore(%arg13 : memref<!tpu.dma_semaphore, #tpu.memory_space<semaphore_mem>>) src(%dma_wait3A_21 : memref<80x128xf32, #tpu.memory_space<hbm>>) dst(%arg8 : memref<80x128xf32, #tpu.memory_space<vmem>>)
    %dma_wait3A_22 = arith.constant 0 : i32
    %dma_wait3A_23 = arith.constant 0 : i32
    %dma_wait3A_24 = tpu.memref_slice %arg3[%dma_wait3A_22, %dma_wait3A_23] : memref<10000x128xf32, #tpu.memory_space<hbm>> -> memref<80x128xf32, #tpu.memory_space<hbm>>
    %dma_wait3A_25 = arith.constant 0 : i32
    %dma_wait3A_26 = arith.constant 0 : i32
    %dma_wait3A_27 = tpu.memref_slice %arg3[%dma_wait3A_25, %dma_wait3A_26] : memref<10000x128xf32, #tpu.memory_space<hbm>> -> memref<80x128xf32, #tpu.memory_space<hbm>>
    tpu.wait_dma2 semaphore(%arg14 : memref<!tpu.dma_semaphore, #tpu.memory_space<semaphore_mem>>) src(%dma_wait3A_27 : memref<80x128xf32, #tpu.memory_space<hbm>>) dst(%arg9 : memref<80x128xf32, #tpu.memory_space<vmem>>)
    %scan3A_28 = arith.constant 0 : i32
    %scan3A_29 = arith.constant 0 : i32
    %scan3A_30 = arith.constant 80 : i32
    %scan3A_31 = arith.addi %scan3A_29, %scan3A_30 : i32
    %scan3A_32 = arith.constant 1 : i32
    scf.for %scan3A_38 = %scan3A_29 to %scan3A_31 step %scan3A_32  : i32 {
      %get3A = arith.index_cast %scan3A_38 : i32 to index
      %get3A_39 = arith.constant 0 : index
      %get3A_40 = tpu.vector_load %arg9[%get3A, %get3A_39] {strides = array<i32>} : memref<80x128xf32, #tpu.memory_space<vmem>>, vector<1x16xf32>,
      %get3A_41 = vector.shape_cast %get3A_40 : vector<1x16xf32> to vector<16xf32>
      %swap3A = arith.index_cast %scan3A_38 : i32 to index
      %swap3A_42 = arith.constant 0 : index
      %swap3A_43 = tpu.vector_load %arg12[%swap3A, %swap3A_42] {strides = array<i32>} : memref<80x16xf32, #tpu.memory_space<vmem>>, vector<1x16xf32>,
      %swap3A_44 = vector.shape_cast %swap3A_43 : vector<1x16xf32> to vector<16xf32>
      %swap3A_45 = vector.shape_cast %get3A_41 : vector<16xf32> to vector<1x16xf32>
      tpu.vector_store %arg12[%swap3A, %swap3A_42], %swap3A_45 {strides = array<i32>} : memref<80x16xf32, #tpu.memory_space<vmem>>, vector<1x16xf32>,
    }
    %scan3A_33 = arith.constant 80 : i32
    %add3A_34 = arith.constant 1920 : i32
    %add3A_35 = arith.addi %mul3A_2, %add3A_34 : i32
    "tpu.region"() ({
      %run_scoped3A = tpu.sem_alloc : memref<!tpu.dma_semaphore, #tpu.memory_space<semaphore_mem>>
      %dma_start3A_38 = arith.constant 0 : i32
      %dma_start3A_39 = tpu.memref_slice %arg5[%add3A_35, %dma_start3A_38] : memref<64000x128xf32, #tpu.memory_space<hbm>> -> memref<80x128xf32, #tpu.memory_space<hbm>>
      %dma_start3A_40 = arith.constant 0 : i32
      %dma_start3A_41 = tpu.memref_slice %arg5[%add3A_35, %dma_start3A_40] : memref<64000x128xf32, #tpu.memory_space<hbm>> -> memref<80x128xf32, #tpu.memory_space<hbm>>
      tpu.enqueue_dma source(%arg8 : memref<80x128xf32, #tpu.memory_space<vmem>>) target(%dma_start3A_41 : memref<80x128xf32, #tpu.memory_space<hbm>>) target_semaphore(%run_scoped3A : memref<!tpu.dma_semaphore, #tpu.memory_space<semaphore_mem>>)
      %dma_wait3A_42 = arith.constant 0 : i32
      %dma_wait3A_43 = tpu.memref_slice %arg5[%add3A_35, %dma_wait3A_42] : memref<64000x128xf32, #tpu.memory_space<hbm>> -> memref<80x128xf32, #tpu.memory_space<hbm>>
      %dma_wait3A_44 = arith.constant 0 : i32
      %dma_wait3A_45 = tpu.memref_slice %arg5[%add3A_35, %dma_wait3A_44] : memref<64000x128xf32, #tpu.memory_space<hbm>> -> memref<80x128xf32, #tpu.memory_space<hbm>>
      tpu.wait_dma2 semaphore(%run_scoped3A : memref<!tpu.dma_semaphore, #tpu.memory_space<semaphore_mem>>) src(%arg8 : memref<80x128xf32, #tpu.memory_space<vmem>>) dst(%dma_wait3A_45 : memref<80x128xf32, #tpu.memory_space<hbm>>)
      tpu.yield
    }) : () -> ()
    %add3A_36 = arith.constant 1920 : i32
    %add3A_37 = arith.addi %mul3A_2, %add3A_36 : i32
    "tpu.region"() ({
      %run_scoped3A = tpu.sem_alloc : memref<!tpu.dma_semaphore, #tpu.memory_space<semaphore_mem>>
      %dma_start3A_38 = arith.constant 0 : i32
      %dma_start3A_39 = tpu.memref_slice %arg6[%add3A_37, %dma_start3A_38] : memref<64000x16xf32, #tpu.memory_space<hbm>> -> memref<80x16xf32, #tpu.memory_space<hbm>>
      %dma_start3A_40 = arith.constant 0 : i32
      %dma_start3A_41 = tpu.memref_slice %arg6[%add3A_37, %dma_start3A_40] : memref<64000x16xf32, #tpu.memory_space<hbm>> -> memref<80x16xf32, #tpu.memory_space<hbm>>
      tpu.enqueue_dma source(%arg12 : memref<80x16xf32, #tpu.memory_space<vmem>>) target(%dma_start3A_41 : memref<80x16xf32, #tpu.memory_space<hbm>>) target_semaphore(%run_scoped3A : memref<!tpu.dma_semaphore, #tpu.memory_space<semaphore_mem>>)
      %dma_wait3A_42 = arith.constant 0 : i32
      %dma_wait3A_43 = tpu.memref_slice %arg6[%add3A_37, %dma_wait3A_42] : memref<64000x16xf32, #tpu.memory_space<hbm>> -> memref<80x16xf32, #tpu.memory_space<hbm>>
      %dma_wait3A_44 = arith.constant 0 : i32
      %dma_wait3A_45 = tpu.memref_slice %arg6[%add3A_37, %dma_wait3A_44] : memref<64000x16xf32, #tpu.memory_space<hbm>> -> memref<80x16xf32, #tpu.memory_space<hbm>>
      tpu.wait_dma2 semaphore(%run_scoped3A : memref<!tpu.dma_semaphore, #tpu.memory_space<semaphore_mem>>) src(%arg12 : memref<80x16xf32, #tpu.memory_space<vmem>>) dst(%dma_wait3A_45 : memref<80x16xf32, #tpu.memory_space<hbm>>)
      tpu.yield
    }) : () -> ()
    return
  }
}

#map = affine_map<(d0, d1) -> (0, 0)>
#map1 = affine_map<(d0, d1) -> (0)>
module attributes {stable_mosaic.version = 14 : i64} {
  func.func @k(%arg0: i32, %arg1: i32, %arg2: memref<10000x128xf32, #tpu.memory_space<hbm>>, %arg3: memref<10000x128xf32, #tpu.memory_space<hbm>>, %arg4: memref<64000xi32, #tpu.memory_space<hbm>>, %arg5: memref<64000x128xf32, #tpu.memory_space<hbm>>, %arg6: memref<64000x16xf32, #tpu.memory_space<hbm>>, %arg7: memref<2000xi32, #tpu.memory_space<vmem>>, %arg8: memref<80x128xf32, #tpu.memory_space<vmem>>, %arg9: memref<80x128xf32, #tpu.memory_space<vmem>>, %arg10: memref<80x128xf32, #tpu.memory_space<vmem>>, %arg11: memref<80x128xf32, #tpu.memory_space<vmem>>, %arg12: memref<80x16xf32, #tpu.memory_space<vmem>>, %arg13: memref<!tpu.dma_semaphore, #tpu.memory_space<semaphore_mem>>, %arg14: memref<!tpu.dma_semaphore, #tpu.memory_space<semaphore_mem>>, %arg15: memref<!tpu.dma_semaphore, #tpu.memory_space<semaphore_mem>>, %arg16: memref<!tpu.dma_semaphore, #tpu.memory_space<semaphore_mem>>) attributes {dimension_semantics = [#tpu.dimension_semantics<core_parallel>, #tpu.dimension_semantics<subcore_parallel>], iteration_bounds = array<i64: 2, 16>, scalar_prefetch = 0 : i64, scratch_operands = 10 : i64, tpu.core_type = #tpu.core_type<sc_vector_subcore>, window_params = [{transform_indices = #map}, {transform_indices = #map}, {transform_indices = #map1}, {transform_indices = #map}, {transform_indices = #map}]} {
    %mul3A = arith.constant 2 : i32
    %mul3A_0 = arith.muli %arg1, %mul3A : i32
    %add3A = arith.addi %mul3A_0, %arg0 : i32
    %mul3A_1 = arith.constant 2000 : i32
    %mul3A_2 = arith.muli %add3A, %mul3A_1 : i32
    "tpu.region"() ({
      %run_scoped3A = tpu.sem_alloc : memref<!tpu.dma_semaphore, #tpu.memory_space<semaphore_mem>>
      %dma_start3A_38 = tpu.memref_slice %arg4[%mul3A_2] : memref<64000xi32, #tpu.memory_space<hbm>> -> memref<2000xi32, #tpu.memory_space<hbm>>
      %dma_start3A_39 = tpu.memref_slice %arg4[%mul3A_2] : memref<64000xi32, #tpu.memory_space<hbm>> -> memref<2000xi32, #tpu.memory_space<hbm>>
      tpu.enqueue_dma source(%dma_start3A_39 : memref<2000xi32, #tpu.memory_space<hbm>>) target(%arg7 : memref<2000xi32, #tpu.memory_space<vmem>>) target_semaphore(%run_scoped3A : memref<!tpu.dma_semaphore, #tpu.memory_space<semaphore_mem>>)
      %dma_wait3A_40 = tpu.memref_slice %arg4[%mul3A_2] : memref<64000xi32, #tpu.memory_space<hbm>> -> memref<2000xi32, #tpu.memory_space<hbm>>
      %dma_wait3A_41 = tpu.memref_slice %arg4[%mul3A_2] : memref<64000xi32, #tpu.memory_space<hbm>> -> memref<2000xi32, #tpu.memory_space<hbm>>
      tpu.wait_dma2 semaphore(%run_scoped3A : memref<!tpu.dma_semaphore, #tpu.memory_space<semaphore_mem>>) src(%dma_wait3A_41 : memref<2000xi32, #tpu.memory_space<hbm>>) dst(%arg7 : memref<2000xi32, #tpu.memory_space<vmem>>)
      tpu.yield
    }) : () -> ()
    %dma_start3A = arith.constant 0 : i32
    %dma_start3A_3 = tpu.memref_slice %arg7[%dma_start3A] : memref<2000xi32, #tpu.memory_space<vmem>> -> memref<80xi32, #tpu.memory_space<vmem>>
    %dma_start3A_4 = arith.constant 0 : i32
    %dma_start3A_5 = arith.constant 0 : i32
    %dma_start3A_6 = tpu.memref_slice %arg2[%dma_start3A_4, %dma_start3A_5] : memref<10000x128xf32, #tpu.memory_space<hbm>> -> memref<10000x128xf32, #tpu.memory_space<hbm>>
    tpu.enqueue_indirect_dma source(%dma_start3A_6 : memref<10000x128xf32, #tpu.memory_space<hbm>>) target(%arg8 : memref<80x128xf32, #tpu.memory_space<vmem>>) offsets(%dma_start3A_3 : memref<80xi32, #tpu.memory_space<vmem>>) semaphore(%arg13 : memref<!tpu.dma_semaphore, #tpu.memory_space<semaphore_mem>>)
    %dma_start3A_7 = arith.constant 0 : i32
    %dma_start3A_8 = tpu.memref_slice %arg7[%dma_start3A_7] : memref<2000xi32, #tpu.memory_space<vmem>> -> memref<80xi32, #tpu.memory_space<vmem>>
    %dma_start3A_9 = arith.constant 0 : i32
    %dma_start3A_10 = arith.constant 0 : i32
    %dma_start3A_11 = tpu.memref_slice %arg3[%dma_start3A_9, %dma_start3A_10] : memref<10000x128xf32, #tpu.memory_space<hbm>> -> memref<10000x128xf32, #tpu.memory_space<hbm>>
    tpu.enqueue_indirect_dma source(%dma_start3A_11 : memref<10000x128xf32, #tpu.memory_space<hbm>>) target(%arg9 : memref<80x128xf32, #tpu.memory_space<vmem>>) offsets(%dma_start3A_8 : memref<80xi32, #tpu.memory_space<vmem>>) semaphore(%arg14 : memref<!tpu.dma_semaphore, #tpu.memory_space<semaphore_mem>>)
    %scan3A = arith.constant 0 : i32
    %scan3A_12 = arith.constant 0 : i32
    %scan3A_13 = arith.constant 12 : i32
    %scan3A_14 = arith.addi %scan3A_12, %scan3A_13 : i32
    %scan3A_15 = arith.constant 1 : i32
    scf.for %scan3A_38 = %scan3A_12 to %scan3A_14 step %scan3A_15  : i32 {
      %mul3A_39 = arith.constant 2 : i32
      %mul3A_40 = arith.muli %mul3A_39, %scan3A_38 : i32
      %add3A_41 = arith.constant 1 : i32
      %add3A_42 = arith.addi %mul3A_40, %add3A_41 : i32
      %mul3A_43 = arith.constant 80 : i32
      %mul3A_44 = arith.muli %add3A_42, %mul3A_43 : i32
      %dma_start3A_45 = tpu.memref_slice %arg7[%mul3A_44] : memref<2000xi32, #tpu.memory_space<vmem>> -> memref<80xi32, #tpu.memory_space<vmem>>
      %dma_start3A_46 = arith.constant 0 : i32
      %dma_start3A_47 = arith.constant 0 : i32
      %dma_start3A_48 = tpu.memref_slice %arg2[%dma_start3A_46, %dma_start3A_47] : memref<10000x128xf32, #tpu.memory_space<hbm>> -> memref<10000x128xf32, #tpu.memory_space<hbm>>
      tpu.enqueue_indirect_dma source(%dma_start3A_48 : memref<10000x128xf32, #tpu.memory_space<hbm>>) target(%arg10 : memref<80x128xf32, #tpu.memory_space<vmem>>) offsets(%dma_start3A_45 : memref<80xi32, #tpu.memory_space<vmem>>) semaphore(%arg15 : memref<!tpu.dma_semaphore, #tpu.memory_space<semaphore_mem>>)
      %mul3A_49 = arith.constant 80 : i32
      %mul3A_50 = arith.muli %add3A_42, %mul3A_49 : i32
      %dma_start3A_51 = tpu.memref_slice %arg7[%mul3A_50] : memref<2000xi32, #tpu.memory_space<vmem>> -> memref<80xi32, #tpu.memory_space<vmem>>
      %dma_start3A_52 = arith.constant 0 : i32
      %dma_start3A_53 = arith.constant 0 : i32
      %dma_start3A_54 = tpu.memref_slice %arg3[%dma_start3A_52, %dma_start3A_53] : memref<10000x128xf32, #tpu.memory_space<hbm>> -> memref<10000x128xf32, #tpu.memory_space<hbm>>
      tpu.enqueue_indirect_dma source(%dma_start3A_54 : memref<10000x128xf32, #tpu.memory_space<hbm>>) target(%arg11 : memref<80x128xf32, #tpu.memory_space<vmem>>) offsets(%dma_start3A_51 : memref<80xi32, #tpu.memory_space<vmem>>) semaphore(%arg16 : memref<!tpu.dma_semaphore, #tpu.memory_space<semaphore_mem>>)
      %dma_wait3A_55 = arith.constant 0 : i32
      %dma_wait3A_56 = arith.constant 0 : i32
      %dma_wait3A_57 = tpu.memref_slice %arg2[%dma_wait3A_55, %dma_wait3A_56] : memref<10000x128xf32, #tpu.memory_space<hbm>> -> memref<80x128xf32, #tpu.memory_space<hbm>>
      %dma_wait3A_58 = arith.constant 0 : i32
      %dma_wait3A_59 = arith.constant 0 : i32
      %dma_wait3A_60 = tpu.memref_slice %arg2[%dma_wait3A_58, %dma_wait3A_59] : memref<10000x128xf32, #tpu.memory_space<hbm>> -> memref<80x128xf32, #tpu.memory_space<hbm>>
      tpu.wait_dma2 semaphore(%arg13 : memref<!tpu.dma_semaphore, #tpu.memory_space<semaphore_mem>>) src(%dma_wait3A_60 : memref<80x128xf32, #tpu.memory_space<hbm>>) dst(%arg8 : memref<80x128xf32, #tpu.memory_space<vmem>>)
      %dma_wait3A_61 = arith.constant 0 : i32
      %dma_wait3A_62 = arith.constant 0 : i32
      %dma_wait3A_63 = tpu.memref_slice %arg3[%dma_wait3A_61, %dma_wait3A_62] : memref<10000x128xf32, #tpu.memory_space<hbm>> -> memref<80x128xf32, #tpu.memory_space<hbm>>
      %dma_wait3A_64 = arith.constant 0 : i32
      %dma_wait3A_65 = arith.constant 0 : i32
      %dma_wait3A_66 = tpu.memref_slice %arg3[%dma_wait3A_64, %dma_wait3A_65] : memref<10000x128xf32, #tpu.memory_space<hbm>> -> memref<80x128xf32, #tpu.memory_space<hbm>>
      tpu.wait_dma2 semaphore(%arg14 : memref<!tpu.dma_semaphore, #tpu.memory_space<semaphore_mem>>) src(%dma_wait3A_66 : memref<80x128xf32, #tpu.memory_space<hbm>>) dst(%arg9 : memref<80x128xf32, #tpu.memory_space<vmem>>)
      %scan3A_67 = arith.constant 0 : i32
      %scan3A_68 = arith.constant 0 : i32
      %scan3A_69 = arith.constant 80 : i32
      %scan3A_70 = arith.addi %scan3A_68, %scan3A_69 : i32
      %scan3A_71 = arith.constant 1 : i32
      scf.for %scan3A_119 = %scan3A_68 to %scan3A_70 step %scan3A_71  : i32 {
        %get3A = arith.index_cast %scan3A_119 : i32 to index
        %get3A_120 = arith.constant 0 : index
        %get3A_121 = tpu.vector_load %arg9[%get3A, %get3A_120] {strides = array<i32>} : memref<80x128xf32, #tpu.memory_space<vmem>>, vector<1x16xf32>,
        %get3A_122 = vector.shape_cast %get3A_121 : vector<1x16xf32> to vector<16xf32>
        %swap3A = arith.index_cast %scan3A_119 : i32 to index
        %swap3A_123 = arith.constant 0 : index
        %swap3A_124 = tpu.vector_load %arg12[%swap3A, %swap3A_123] {strides = array<i32>} : memref<80x16xf32, #tpu.memory_space<vmem>>, vector<1x16xf32>,
        %swap3A_125 = vector.shape_cast %swap3A_124 : vector<1x16xf32> to vector<16xf32>
        %swap3A_126 = vector.shape_cast %get3A_122 : vector<16xf32> to vector<1x16xf32>
        tpu.vector_store %arg12[%swap3A, %swap3A_123], %swap3A_126 {strides = array<i32>} : memref<80x16xf32, #tpu.memory_space<vmem>>, vector<1x16xf32>,
      }
      %scan3A_72 = arith.constant 80 : i32
      %mul3A_73 = arith.constant 80 : i32
      %mul3A_74 = arith.muli %mul3A_40, %mul3A_73 : i32
      %add3A_75 = arith.addi %mul3A_2, %mul3A_74 : i32
      "tpu.region"() ({
        %run_scoped3A = tpu.sem_alloc : memref<!tpu.dma_semaphore, #tpu.memory_space<semaphore_mem>>
        %dma_start3A_119 = arith.constant 0 : i32
        %dma_start3A_120 = tpu.memref_slice %arg5[%add3A_75, %dma_start3A_119] : memref<64000x128xf32, #tpu.memory_space<hbm>> -> memref<80x128xf32, #tpu.memory_space<hbm>>
        %dma_start3A_121 = arith.constant 0 : i32
        %dma_start3A_122 = tpu.memref_slice %arg5[%add3A_75, %dma_start3A_121] : memref<64000x128xf32, #tpu.memory_space<hbm>> -> memref<80x128xf32, #tpu.memory_space<hbm>>
        tpu.enqueue_dma source(%arg8 : memref<80x128xf32, #tpu.memory_space<vmem>>) target(%dma_start3A_122 : memref<80x128xf32, #tpu.memory_space<hbm>>) target_semaphore(%run_scoped3A : memref<!tpu.dma_semaphore, #tpu.memory_space<semaphore_mem>>)
        %dma_wait3A_123 = arith.constant 0 : i32
        %dma_wait3A_124 = tpu.memref_slice %arg5[%add3A_75, %dma_wait3A_123] : memref<64000x128xf32, #tpu.memory_space<hbm>> -> memref<80x128xf32, #tpu.memory_space<hbm>>
        %dma_wait3A_125 = arith.constant 0 : i32
        %dma_wait3A_126 = tpu.memref_slice %arg5[%add3A_75, %dma_wait3A_125] : memref<64000x128xf32, #tpu.memory_space<hbm>> -> memref<80x128xf32, #tpu.memory_space<hbm>>
        tpu.wait_dma2 semaphore(%run_scoped3A : memref<!tpu.dma_semaphore, #tpu.memory_space<semaphore_mem>>) src(%arg8 : memref<80x128xf32, #tpu.memory_space<vmem>>) dst(%dma_wait3A_126 : memref<80x128xf32, #tpu.memory_space<hbm>>)
        tpu.yield
      }) : () -> ()
      %mul3A_76 = arith.constant 80 : i32
      %mul3A_77 = arith.muli %mul3A_40, %mul3A_76 : i32
      %add3A_78 = arith.addi %mul3A_2, %mul3A_77 : i32
      "tpu.region"() ({
        %run_scoped3A = tpu.sem_alloc : memref<!tpu.dma_semaphore, #tpu.memory_space<semaphore_mem>>
        %dma_start3A_119 = arith.constant 0 : i32
        %dma_start3A_120 = tpu.memref_slice %arg6[%add3A_78, %dma_start3A_119] : memref<64000x16xf32, #tpu.memory_space<hbm>> -> memref<80x16xf32, #tpu.memory_space<hbm>>
        %dma_start3A_121 = arith.constant 0 : i32
        %dma_start3A_122 = tpu.memref_slice %arg6[%add3A_78, %dma_start3A_121] : memref<64000x16xf32, #tpu.memory_space<hbm>> -> memref<80x16xf32, #tpu.memory_space<hbm>>
        tpu.enqueue_dma source(%arg12 : memref<80x16xf32, #tpu.memory_space<vmem>>) target(%dma_start3A_122 : memref<80x16xf32, #tpu.memory_space<hbm>>) target_semaphore(%run_scoped3A : memref<!tpu.dma_semaphore, #tpu.memory_space<semaphore_mem>>)
        %dma_wait3A_123 = arith.constant 0 : i32
        %dma_wait3A_124 = tpu.memref_slice %arg6[%add3A_78, %dma_wait3A_123] : memref<64000x16xf32, #tpu.memory_space<hbm>> -> memref<80x16xf32, #tpu.memory_space<hbm>>
        %dma_wait3A_125 = arith.constant 0 : i32
        %dma_wait3A_126 = tpu.memref_slice %arg6[%add3A_78, %dma_wait3A_125] : memref<64000x16xf32, #tpu.memory_space<hbm>> -> memref<80x16xf32, #tpu.memory_space<hbm>>
        tpu.wait_dma2 semaphore(%run_scoped3A : memref<!tpu.dma_semaphore, #tpu.memory_space<semaphore_mem>>) src(%arg12 : memref<80x16xf32, #tpu.memory_space<vmem>>) dst(%dma_wait3A_126 : memref<80x16xf32, #tpu.memory_space<hbm>>)
        tpu.yield
      }) : () -> ()
      %add3A_79 = arith.constant 2 : i32
      %add3A_80 = arith.addi %mul3A_40, %add3A_79 : i32
      %mul3A_81 = arith.constant 80 : i32
      %mul3A_82 = arith.muli %add3A_80, %mul3A_81 : i32
      %dma_start3A_83 = tpu.memref_slice %arg7[%mul3A_82] : memref<2000xi32, #tpu.memory_space<vmem>> -> memref<80xi32, #tpu.memory_space<vmem>>
      %dma_start3A_84 = arith.constant 0 : i32
      %dma_start3A_85 = arith.constant 0 : i32
      %dma_start3A_86 = tpu.memref_slice %arg2[%dma_start3A_84, %dma_start3A_85] : memref<10000x128xf32, #tpu.memory_space<hbm>> -> memref<10000x128xf32, #tpu.memory_space<hbm>>
      tpu.enqueue_indirect_dma source(%dma_start3A_86 : memref<10000x128xf32, #tpu.memory_space<hbm>>) target(%arg8 : memref<80x128xf32, #tpu.memory_space<vmem>>) offsets(%dma_start3A_83 : memref<80xi32, #tpu.memory_space<vmem>>) semaphore(%arg13 : memref<!tpu.dma_semaphore, #tpu.memory_space<semaphore_mem>>)
      %mul3A_87 = arith.constant 80 : i32
      %mul3A_88 = arith.muli %add3A_80, %mul3A_87 : i32
      %dma_start3A_89 = tpu.memref_slice %arg7[%mul3A_88] : memref<2000xi32, #tpu.memory_space<vmem>> -> memref<80xi32, #tpu.memory_space<vmem>>
      %dma_start3A_90 = arith.constant 0 : i32
      %dma_start3A_91 = arith.constant 0 : i32
      %dma_start3A_92 = tpu.memref_slice %arg3[%dma_start3A_90, %dma_start3A_91] : memref<10000x128xf32, #tpu.memory_space<hbm>> -> memref<10000x128xf32, #tpu.memory_space<hbm>>
      tpu.enqueue_indirect_dma source(%dma_start3A_92 : memref<10000x128xf32, #tpu.memory_space<hbm>>) target(%arg9 : memref<80x128xf32, #tpu.memory_space<vmem>>) offsets(%dma_start3A_89 : memref<80xi32, #tpu.memory_space<vmem>>) semaphore(%arg14 : memref<!tpu.dma_semaphore, #tpu.memory_space<semaphore_mem>>)
      %dma_wait3A_93 = arith.constant 0 : i32
      %dma_wait3A_94 = arith.constant 0 : i32
      %dma_wait3A_95 = tpu.memref_slice %arg2[%dma_wait3A_93, %dma_wait3A_94] : memref<10000x128xf32, #tpu.memory_space<hbm>> -> memref<80x128xf32, #tpu.memory_space<hbm>>
      %dma_wait3A_96 = arith.constant 0 : i32
      %dma_wait3A_97 = arith.constant 0 : i32
      %dma_wait3A_98 = tpu.memref_slice %arg2[%dma_wait3A_96, %dma_wait3A_97] : memref<10000x128xf32, #tpu.memory_space<hbm>> -> memref<80x128xf32, #tpu.memory_space<hbm>>
      tpu.wait_dma2 semaphore(%arg15 : memref<!tpu.dma_semaphore, #tpu.memory_space<semaphore_mem>>) src(%dma_wait3A_98 : memref<80x128xf32, #tpu.memory_space<hbm>>) dst(%arg10 : memref<80x128xf32, #tpu.memory_space<vmem>>)
      %dma_wait3A_99 = arith.constant 0 : i32
      %dma_wait3A_100 = arith.constant 0 : i32
      %dma_wait3A_101 = tpu.memref_slice %arg3[%dma_wait3A_99, %dma_wait3A_100] : memref<10000x128xf32, #tpu.memory_space<hbm>> -> memref<80x128xf32, #tpu.memory_space<hbm>>
      %dma_wait3A_102 = arith.constant 0 : i32
      %dma_wait3A_103 = arith.constant 0 : i32
      %dma_wait3A_104 = tpu.memref_slice %arg3[%dma_wait3A_102, %dma_wait3A_103] : memref<10000x128xf32, #tpu.memory_space<hbm>> -> memref<80x128xf32, #tpu.memory_space<hbm>>
      tpu.wait_dma2 semaphore(%arg16 : memref<!tpu.dma_semaphore, #tpu.memory_space<semaphore_mem>>) src(%dma_wait3A_104 : memref<80x128xf32, #tpu.memory_space<hbm>>) dst(%arg11 : memref<80x128xf32, #tpu.memory_space<vmem>>)
      %add3A_105 = arith.constant 1 : i32
      %add3A_106 = arith.addi %mul3A_40, %add3A_105 : i32
      %scan3A_107 = arith.constant 0 : i32
      %scan3A_108 = arith.constant 0 : i32
      %scan3A_109 = arith.constant 80 : i32
      %scan3A_110 = arith.addi %scan3A_108, %scan3A_109 : i32
      %scan3A_111 = arith.constant 1 : i32
      scf.for %scan3A_119 = %scan3A_108 to %scan3A_110 step %scan3A_111  : i32 {
        %get3A = arith.index_cast %scan3A_119 : i32 to index
        %get3A_120 = arith.constant 0 : index
        %get3A_121 = tpu.vector_load %arg11[%get3A, %get3A_120] {strides = array<i32>} : memref<80x128xf32, #tpu.memory_space<vmem>>, vector<1x16xf32>,
        %get3A_122 = vector.shape_cast %get3A_121 : vector<1x16xf32> to vector<16xf32>
        %swap3A = arith.index_cast %scan3A_119 : i32 to index
        %swap3A_123 = arith.constant 0 : index
        %swap3A_124 = tpu.vector_load %arg12[%swap3A, %swap3A_123] {strides = array<i32>} : memref<80x16xf32, #tpu.memory_space<vmem>>, vector<1x16xf32>,
        %swap3A_125 = vector.shape_cast %swap3A_124 : vector<1x16xf32> to vector<16xf32>
        %swap3A_126 = vector.shape_cast %get3A_122 : vector<16xf32> to vector<1x16xf32>
        tpu.vector_store %arg12[%swap3A, %swap3A_123], %swap3A_126 {strides = array<i32>} : memref<80x16xf32, #tpu.memory_space<vmem>>, vector<1x16xf32>,
      }
      %scan3A_112 = arith.constant 80 : i32
      %mul3A_113 = arith.constant 80 : i32
      %mul3A_114 = arith.muli %add3A_106, %mul3A_113 : i32
      %add3A_115 = arith.addi %mul3A_2, %mul3A_114 : i32
      "tpu.region"() ({
        %run_scoped3A = tpu.sem_alloc : memref<!tpu.dma_semaphore, #tpu.memory_space<semaphore_mem>>
        %dma_start3A_119 = arith.constant 0 : i32
        %dma_start3A_120 = tpu.memref_slice %arg5[%add3A_115, %dma_start3A_119] : memref<64000x128xf32, #tpu.memory_space<hbm>> -> memref<80x128xf32, #tpu.memory_space<hbm>>
        %dma_start3A_121 = arith.constant 0 : i32
        %dma_start3A_122 = tpu.memref_slice %arg5[%add3A_115, %dma_start3A_121] : memref<64000x128xf32, #tpu.memory_space<hbm>> -> memref<80x128xf32, #tpu.memory_space<hbm>>
        tpu.enqueue_dma source(%arg10 : memref<80x128xf32, #tpu.memory_space<vmem>>) target(%dma_start3A_122 : memref<80x128xf32, #tpu.memory_space<hbm>>) target_semaphore(%run_scoped3A : memref<!tpu.dma_semaphore, #tpu.memory_space<semaphore_mem>>)
        %dma_wait3A_123 = arith.constant 0 : i32
        %dma_wait3A_124 = tpu.memref_slice %arg5[%add3A_115, %dma_wait3A_123] : memref<64000x128xf32, #tpu.memory_space<hbm>> -> memref<80x128xf32, #tpu.memory_space<hbm>>
        %dma_wait3A_125 = arith.constant 0 : i32
        %dma_wait3A_126 = tpu.memref_slice %arg5[%add3A_115, %dma_wait3A_125] : memref<64000x128xf32, #tpu.memory_space<hbm>> -> memref<80x128xf32, #tpu.memory_space<hbm>>
        tpu.wait_dma2 semaphore(%run_scoped3A : memref<!tpu.dma_semaphore, #tpu.memory_space<semaphore_mem>>) src(%arg10 : memref<80x128xf32, #tpu.memory_space<vmem>>) dst(%dma_wait3A_126 : memref<80x128xf32, #tpu.memory_space<hbm>>)
        tpu.yield
      }) : () -> ()
      %mul3A_116 = arith.constant 80 : i32
      %mul3A_117 = arith.muli %add3A_106, %mul3A_116 : i32
      %add3A_118 = arith.addi %mul3A_2, %mul3A_117 : i32
      "tpu.region"() ({
        %run_scoped3A = tpu.sem_alloc : memref<!tpu.dma_semaphore, #tpu.memory_space<semaphore_mem>>
        %dma_start3A_119 = arith.constant 0 : i32
        %dma_start3A_120 = tpu.memref_slice %arg6[%add3A_118, %dma_start3A_119] : memref<64000x16xf32, #tpu.memory_space<hbm>> -> memref<80x16xf32, #tpu.memory_space<hbm>>
        %dma_start3A_121 = arith.constant 0 : i32
        %dma_start3A_122 = tpu.memref_slice %arg6[%add3A_118, %dma_start3A_121] : memref<64000x16xf32, #tpu.memory_space<hbm>> -> memref<80x16xf32, #tpu.memory_space<hbm>>
        tpu.enqueue_dma source(%arg12 : memref<80x16xf32, #tpu.memory_space<vmem>>) target(%dma_start3A_122 : memref<80x16xf32, #tpu.memory_space<hbm>>) target_semaphore(%run_scoped3A : memref<!tpu.dma_semaphore, #tpu.memory_space<semaphore_mem>>)
        %dma_wait3A_123 = arith.constant 0 : i32
        %dma_wait3A_124 = tpu.memref_slice %arg6[%add3A_118, %dma_wait3A_123] : memref<64000x16xf32, #tpu.memory_space<hbm>> -> memref<80x16xf32, #tpu.memory_space<hbm>>
        %dma_wait3A_125 = arith.constant 0 : i32
        %dma_wait3A_126 = tpu.memref_slice %arg6[%add3A_118, %dma_wait3A_125] : memref<64000x16xf32, #tpu.memory_space<hbm>> -> memref<80x16xf32, #tpu.memory_space<hbm>>
        tpu.wait_dma2 semaphore(%run_scoped3A : memref<!tpu.dma_semaphore, #tpu.memory_space<semaphore_mem>>) src(%arg12 : memref<80x16xf32, #tpu.memory_space<vmem>>) dst(%dma_wait3A_126 : memref<80x16xf32, #tpu.memory_space<hbm>>)
        tpu.yield
      }) : () -> ()
    }
    %scan3A_16 = arith.constant 12 : i32
    %dma_wait3A = arith.constant 0 : i32
    %dma_wait3A_17 = arith.constant 0 : i32
    %dma_wait3A_18 = tpu.memref_slice %arg2[%dma_wait3A, %dma_wait3A_17] : memref<10000x128xf32, #tpu.memory_space<hbm>> -> memref<80x128xf32, #tpu.memory_space<hbm>>
    %dma_wait3A_19 = arith.constant 0 : i32
    %dma_wait3A_20 = arith.constant 0 : i32
    %dma_wait3A_21 = tpu.memref_slice %arg2[%dma_wait3A_19, %dma_wait3A_20] : memref<10000x128xf32, #tpu.memory_space<hbm>> -> memref<80x128xf32, #tpu.memory_space<hbm>>
    tpu.wait_dma2 semaphore(%arg13 : memref<!tpu.dma_semaphore, #tpu.memory_space<semaphore_mem>>) src(%dma_wait3A_21 : memref<80x128xf32, #tpu.memory_space<hbm>>) dst(%arg8 : memref<80x128xf32, #tpu.memory_space<vmem>>)
    %dma_wait3A_22 = arith.constant 0 : i32
    %dma_wait3A_23 = arith.constant 0 : i32
    %dma_wait3A_24 = tpu.memref_slice %arg3[%dma_wait3A_22, %dma_wait3A_23] : memref<10000x128xf32, #tpu.memory_space<hbm>> -> memref<80x128xf32, #tpu.memory_space<hbm>>
    %dma_wait3A_25 = arith.constant 0 : i32
    %dma_wait3A_26 = arith.constant 0 : i32
    %dma_wait3A_27 = tpu.memref_slice %arg3[%dma_wait3A_25, %dma_wait3A_26] : memref<10000x128xf32, #tpu.memory_space<hbm>> -> memref<80x128xf32, #tpu.memory_space<hbm>>
    tpu.wait_dma2 semaphore(%arg14 : memref<!tpu.dma_semaphore, #tpu.memory_space<semaphore_mem>>) src(%dma_wait3A_27 : memref<80x128xf32, #tpu.memory_space<hbm>>) dst(%arg9 : memref<80x128xf32, #tpu.memory_space<vmem>>)
    %scan3A_28 = arith.constant 0 : i32
    %scan3A_29 = arith.constant 0 : i32
    %scan3A_30 = arith.constant 80 : i32
    %scan3A_31 = arith.addi %scan3A_29, %scan3A_30 : i32
    %scan3A_32 = arith.constant 1 : i32
    scf.for %scan3A_38 = %scan3A_29 to %scan3A_31 step %scan3A_32  : i32 {
      %get3A = arith.index_cast %scan3A_38 : i32 to index
      %get3A_39 = arith.constant 0 : index
      %get3A_40 = tpu.vector_load %arg9[%get3A, %get3A_39] {strides = array<i32>} : memref<80x128xf32, #tpu.memory_space<vmem>>, vector<1x16xf32>,
      %get3A_41 = vector.shape_cast %get3A_40 : vector<1x16xf32> to vector<16xf32>
      %swap3A = arith.index_cast %scan3A_38 : i32 to index
      %swap3A_42 = arith.constant 0 : index
      %swap3A_43 = tpu.vector_load %arg12[%swap3A, %swap3A_42] {strides = array<i32>} : memref<80x16xf32, #tpu.memory_space<vmem>>, vector<1x16xf32>,
      %swap3A_44 = vector.shape_cast %swap3A_43 : vector<1x16xf32> to vector<16xf32>
      %swap3A_45 = vector.shape_cast %get3A_41 : vector<16xf32> to vector<1x16xf32>
      tpu.vector_store %arg12[%swap3A, %swap3A_42], %swap3A_45 {strides = array<i32>} : memref<80x16xf32, #tpu.memory_space<vmem>>, vector<1x16xf32>,
    }
    %scan3A_33 = arith.constant 80 : i32
    %add3A_34 = arith.constant 1920 : i32
    %add3A_35 = arith.addi %mul3A_2, %add3A_34 : i32
    "tpu.region"() ({
      %run_scoped3A = tpu.sem_alloc : memref<!tpu.dma_semaphore, #tpu.memory_space<semaphore_mem>>
      %dma_start3A_38 = arith.constant 0 : i32
      %dma_start3A_39 = tpu.memref_slice %arg5[%add3A_35, %dma_start3A_38] : memref<64000x128xf32, #tpu.memory_space<hbm>> -> memref<80x128xf32, #tpu.memory_space<hbm>>
      %dma_start3A_40 = arith.constant 0 : i32
      %dma_start3A_41 = tpu.memref_slice %arg5[%add3A_35, %dma_start3A_40] : memref<64000x128xf32, #tpu.memory_space<hbm>> -> memref<80x128xf32, #tpu.memory_space<hbm>>
      tpu.enqueue_dma source(%arg8 : memref<80x128xf32, #tpu.memory_space<vmem>>) target(%dma_start3A_41 : memref<80x128xf32, #tpu.memory_space<hbm>>) target_semaphore(%run_scoped3A : memref<!tpu.dma_semaphore, #tpu.memory_space<semaphore_mem>>)
      %dma_wait3A_42 = arith.constant 0 : i32
      %dma_wait3A_43 = tpu.memref_slice %arg5[%add3A_35, %dma_wait3A_42] : memref<64000x128xf32, #tpu.memory_space<hbm>> -> memref<80x128xf32, #tpu.memory_space<hbm>>
      %dma_wait3A_44 = arith.constant 0 : i32
      %dma_wait3A_45 = tpu.memref_slice %arg5[%add3A_35, %dma_wait3A_44] : memref<64000x128xf32, #tpu.memory_space<hbm>> -> memref<80x128xf32, #tpu.memory_space<hbm>>
      tpu.wait_dma2 semaphore(%run_scoped3A : memref<!tpu.dma_semaphore, #tpu.memory_space<semaphore_mem>>) src(%arg8 : memref<80x128xf32, #tpu.memory_space<vmem>>) dst(%dma_wait3A_45 : memref<80x128xf32, #tpu.memory_space<hbm>>)
      tpu.yield
    }) : () -> ()
    %add3A_36 = arith.constant 1920 : i32
    %add3A_37 = arith.addi %mul3A_2, %add3A_36 : i32
    "tpu.region"() ({
      %run_scoped3A = tpu.sem_alloc : memref<!tpu.dma_semaphore, #tpu.memory_space<semaphore_mem>>
      %dma_start3A_38 = arith.constant 0 : i32
      %dma_start3A_39 = tpu.memref_slice %arg6[%add3A_37, %dma_start3A_38] : memref<64000x16xf32, #tpu.memory_space<hbm>> -> memref<80x16xf32, #tpu.memory_space<hbm>>
      %dma_start3A_40 = arith.constant 0 : i32
      %dma_start3A_41 = tpu.memref_slice %arg6[%add3A_37, %dma_start3A_40] : memref<64000x16xf32, #tpu.memory_space<hbm>> -> memref<80x16xf32, #tpu.memory_space<hbm>>
      tpu.enqueue_dma source(%arg12 : memref<80x16xf32, #tpu.memory_space<vmem>>) target(%dma_start3A_41 : memref<80x16xf32, #tpu.memory_space<hbm>>) target_semaphore(%run_scoped3A : memref<!tpu.dma_semaphore, #tpu.memory_space<semaphore_mem>>)
      %dma_wait3A_42 = arith.constant 0 : i32
      %dma_wait3A_43 = tpu.memref_slice %arg6[%add3A_37, %dma_wait3A_42] : memref<64000x16xf32, #tpu.memory_space<hbm>> -> memref<80x16xf32, #tpu.memory_space<hbm>>
      %dma_wait3A_44 = arith.constant 0 : i32
      %dma_wait3A_45 = tpu.memref_slice %arg6[%add3A_37, %dma_wait3A_44] : memref<64000x16xf32, #tpu.memory_space<hbm>> -> memref<80x16xf32, #tpu.memory_space<hbm>>
      tpu.wait_dma2 semaphore(%run_scoped3A : memref<!tpu.dma_semaphore, #tpu.memory_space<semaphore_mem>>) src(%arg12 : memref<80x16xf32, #tpu.memory_space<vmem>>) dst(%dma_wait3A_45 : memref<80x16xf32, #tpu.memory_space<hbm>>)
      tpu.yield
    }) : () -> ()
    return
  }
}

#map = affine_map<(d0, d1) -> (0, 0)>
#map1 = affine_map<(d0, d1) -> (0)>
module attributes {stable_mosaic.version = 14 : i64} {
  func.func @k(%arg0: i32, %arg1: i32, %arg2: memref<10000x128xf32, #tpu.memory_space<hbm>>, %arg3: memref<10000x128xf32, #tpu.memory_space<hbm>>, %arg4: memref<64000xi32, #tpu.memory_space<hbm>>, %arg5: memref<64000x128xf32, #tpu.memory_space<hbm>>, %arg6: memref<64000x16xf32, #tpu.memory_space<hbm>>, %arg7: memref<2000xi32, #tpu.memory_space<vmem>>, %arg8: memref<80x128xf32, #tpu.memory_space<vmem>>, %arg9: memref<80x128xf32, #tpu.memory_space<vmem>>, %arg10: memref<80x128xf32, #tpu.memory_space<vmem>>, %arg11: memref<80x128xf32, #tpu.memory_space<vmem>>, %arg12: memref<80x16xf32, #tpu.memory_space<vmem>>, %arg13: memref<!tpu.dma_semaphore, #tpu.memory_space<semaphore_mem>>, %arg14: memref<!tpu.dma_semaphore, #tpu.memory_space<semaphore_mem>>, %arg15: memref<!tpu.dma_semaphore, #tpu.memory_space<semaphore_mem>>, %arg16: memref<!tpu.dma_semaphore, #tpu.memory_space<semaphore_mem>>) attributes {dimension_semantics = [#tpu.dimension_semantics<core_parallel>, #tpu.dimension_semantics<subcore_parallel>], iteration_bounds = array<i64: 2, 16>, scalar_prefetch = 0 : i64, scratch_operands = 10 : i64, tpu.core_type = #tpu.core_type<sc_vector_subcore>, window_params = [{transform_indices = #map}, {transform_indices = #map}, {transform_indices = #map1}, {transform_indices = #map}, {transform_indices = #map}]} {
    %mul3A = arith.constant 2 : i32
    %mul3A_0 = arith.muli %arg1, %mul3A : i32
    %add3A = arith.addi %mul3A_0, %arg0 : i32
    %mul3A_1 = arith.constant 2000 : i32
    %mul3A_2 = arith.muli %add3A, %mul3A_1 : i32
    "tpu.region"() ({
      %run_scoped3A = tpu.sem_alloc : memref<!tpu.dma_semaphore, #tpu.memory_space<semaphore_mem>>
      %dma_start3A_38 = tpu.memref_slice %arg4[%mul3A_2] : memref<64000xi32, #tpu.memory_space<hbm>> -> memref<2000xi32, #tpu.memory_space<hbm>>
      %dma_start3A_39 = tpu.memref_slice %arg4[%mul3A_2] : memref<64000xi32, #tpu.memory_space<hbm>> -> memref<2000xi32, #tpu.memory_space<hbm>>
      tpu.enqueue_dma source(%dma_start3A_39 : memref<2000xi32, #tpu.memory_space<hbm>>) target(%arg7 : memref<2000xi32, #tpu.memory_space<vmem>>) target_semaphore(%run_scoped3A : memref<!tpu.dma_semaphore, #tpu.memory_space<semaphore_mem>>)
      %dma_wait3A_40 = tpu.memref_slice %arg4[%mul3A_2] : memref<64000xi32, #tpu.memory_space<hbm>> -> memref<2000xi32, #tpu.memory_space<hbm>>
      %dma_wait3A_41 = tpu.memref_slice %arg4[%mul3A_2] : memref<64000xi32, #tpu.memory_space<hbm>> -> memref<2000xi32, #tpu.memory_space<hbm>>
      tpu.wait_dma2 semaphore(%run_scoped3A : memref<!tpu.dma_semaphore, #tpu.memory_space<semaphore_mem>>) src(%dma_wait3A_41 : memref<2000xi32, #tpu.memory_space<hbm>>) dst(%arg7 : memref<2000xi32, #tpu.memory_space<vmem>>)
      tpu.yield
    }) : () -> ()
    %dma_start3A = arith.constant 0 : i32
    %dma_start3A_3 = tpu.memref_slice %arg7[%dma_start3A] : memref<2000xi32, #tpu.memory_space<vmem>> -> memref<80xi32, #tpu.memory_space<vmem>>
    %dma_start3A_4 = arith.constant 0 : i32
    %dma_start3A_5 = arith.constant 0 : i32
    %dma_start3A_6 = tpu.memref_slice %arg2[%dma_start3A_4, %dma_start3A_5] : memref<10000x128xf32, #tpu.memory_space<hbm>> -> memref<10000x128xf32, #tpu.memory_space<hbm>>
    tpu.enqueue_indirect_dma source(%dma_start3A_6 : memref<10000x128xf32, #tpu.memory_space<hbm>>) target(%arg8 : memref<80x128xf32, #tpu.memory_space<vmem>>) offsets(%dma_start3A_3 : memref<80xi32, #tpu.memory_space<vmem>>) semaphore(%arg13 : memref<!tpu.dma_semaphore, #tpu.memory_space<semaphore_mem>>)
    %dma_start3A_7 = arith.constant 0 : i32
    %dma_start3A_8 = tpu.memref_slice %arg7[%dma_start3A_7] : memref<2000xi32, #tpu.memory_space<vmem>> -> memref<80xi32, #tpu.memory_space<vmem>>
    %dma_start3A_9 = arith.constant 0 : i32
    %dma_start3A_10 = arith.constant 0 : i32
    %dma_start3A_11 = tpu.memref_slice %arg3[%dma_start3A_9, %dma_start3A_10] : memref<10000x128xf32, #tpu.memory_space<hbm>> -> memref<10000x128xf32, #tpu.memory_space<hbm>>
    tpu.enqueue_indirect_dma source(%dma_start3A_11 : memref<10000x128xf32, #tpu.memory_space<hbm>>) target(%arg9 : memref<80x128xf32, #tpu.memory_space<vmem>>) offsets(%dma_start3A_8 : memref<80xi32, #tpu.memory_space<vmem>>) semaphore(%arg14 : memref<!tpu.dma_semaphore, #tpu.memory_space<semaphore_mem>>)
    %scan3A = arith.constant 0 : i32
    %scan3A_12 = arith.constant 0 : i32
    %scan3A_13 = arith.constant 12 : i32
    %scan3A_14 = arith.addi %scan3A_12, %scan3A_13 : i32
    %scan3A_15 = arith.constant 1 : i32
    scf.for %scan3A_38 = %scan3A_12 to %scan3A_14 step %scan3A_15  : i32 {
      %mul3A_39 = arith.constant 2 : i32
      %mul3A_40 = arith.muli %mul3A_39, %scan3A_38 : i32
      %add3A_41 = arith.constant 1 : i32
      %add3A_42 = arith.addi %mul3A_40, %add3A_41 : i32
      %mul3A_43 = arith.constant 80 : i32
      %mul3A_44 = arith.muli %add3A_42, %mul3A_43 : i32
      %dma_start3A_45 = tpu.memref_slice %arg7[%mul3A_44] : memref<2000xi32, #tpu.memory_space<vmem>> -> memref<80xi32, #tpu.memory_space<vmem>>
      %dma_start3A_46 = arith.constant 0 : i32
      %dma_start3A_47 = arith.constant 0 : i32
      %dma_start3A_48 = tpu.memref_slice %arg2[%dma_start3A_46, %dma_start3A_47] : memref<10000x128xf32, #tpu.memory_space<hbm>> -> memref<10000x128xf32, #tpu.memory_space<hbm>>
      tpu.enqueue_indirect_dma source(%dma_start3A_48 : memref<10000x128xf32, #tpu.memory_space<hbm>>) target(%arg10 : memref<80x128xf32, #tpu.memory_space<vmem>>) offsets(%dma_start3A_45 : memref<80xi32, #tpu.memory_space<vmem>>) semaphore(%arg15 : memref<!tpu.dma_semaphore, #tpu.memory_space<semaphore_mem>>)
      %mul3A_49 = arith.constant 80 : i32
      %mul3A_50 = arith.muli %add3A_42, %mul3A_49 : i32
      %dma_start3A_51 = tpu.memref_slice %arg7[%mul3A_50] : memref<2000xi32, #tpu.memory_space<vmem>> -> memref<80xi32, #tpu.memory_space<vmem>>
      %dma_start3A_52 = arith.constant 0 : i32
      %dma_start3A_53 = arith.constant 0 : i32
      %dma_start3A_54 = tpu.memref_slice %arg3[%dma_start3A_52, %dma_start3A_53] : memref<10000x128xf32, #tpu.memory_space<hbm>> -> memref<10000x128xf32, #tpu.memory_space<hbm>>
      tpu.enqueue_indirect_dma source(%dma_start3A_54 : memref<10000x128xf32, #tpu.memory_space<hbm>>) target(%arg11 : memref<80x128xf32, #tpu.memory_space<vmem>>) offsets(%dma_start3A_51 : memref<80xi32, #tpu.memory_space<vmem>>) semaphore(%arg16 : memref<!tpu.dma_semaphore, #tpu.memory_space<semaphore_mem>>)
      %dma_wait3A_55 = arith.constant 0 : i32
      %dma_wait3A_56 = arith.constant 0 : i32
      %dma_wait3A_57 = tpu.memref_slice %arg2[%dma_wait3A_55, %dma_wait3A_56] : memref<10000x128xf32, #tpu.memory_space<hbm>> -> memref<80x128xf32, #tpu.memory_space<hbm>>
      %dma_wait3A_58 = arith.constant 0 : i32
      %dma_wait3A_59 = arith.constant 0 : i32
      %dma_wait3A_60 = tpu.memref_slice %arg2[%dma_wait3A_58, %dma_wait3A_59] : memref<10000x128xf32, #tpu.memory_space<hbm>> -> memref<80x128xf32, #tpu.memory_space<hbm>>
      tpu.wait_dma2 semaphore(%arg13 : memref<!tpu.dma_semaphore, #tpu.memory_space<semaphore_mem>>) src(%dma_wait3A_60 : memref<80x128xf32, #tpu.memory_space<hbm>>) dst(%arg8 : memref<80x128xf32, #tpu.memory_space<vmem>>)
      %dma_wait3A_61 = arith.constant 0 : i32
      %dma_wait3A_62 = arith.constant 0 : i32
      %dma_wait3A_63 = tpu.memref_slice %arg3[%dma_wait3A_61, %dma_wait3A_62] : memref<10000x128xf32, #tpu.memory_space<hbm>> -> memref<80x128xf32, #tpu.memory_space<hbm>>
      %dma_wait3A_64 = arith.constant 0 : i32
      %dma_wait3A_65 = arith.constant 0 : i32
      %dma_wait3A_66 = tpu.memref_slice %arg3[%dma_wait3A_64, %dma_wait3A_65] : memref<10000x128xf32, #tpu.memory_space<hbm>> -> memref<80x128xf32, #tpu.memory_space<hbm>>
      tpu.wait_dma2 semaphore(%arg14 : memref<!tpu.dma_semaphore, #tpu.memory_space<semaphore_mem>>) src(%dma_wait3A_66 : memref<80x128xf32, #tpu.memory_space<hbm>>) dst(%arg9 : memref<80x128xf32, #tpu.memory_space<vmem>>)
      %scan3A_67 = arith.constant 0 : i32
      %scan3A_68 = arith.constant 0 : i32
      %scan3A_69 = arith.constant 80 : i32
      %scan3A_70 = arith.addi %scan3A_68, %scan3A_69 : i32
      %scan3A_71 = arith.constant 1 : i32
      scf.for %scan3A_119 = %scan3A_68 to %scan3A_70 step %scan3A_71  : i32 {
        %get3A = arith.index_cast %scan3A_119 : i32 to index
        %get3A_120 = arith.constant 0 : index
        %get3A_121 = tpu.vector_load %arg9[%get3A, %get3A_120] {strides = array<i32>} : memref<80x128xf32, #tpu.memory_space<vmem>>, vector<1x16xf32>,
        %get3A_122 = vector.shape_cast %get3A_121 : vector<1x16xf32> to vector<16xf32>
        %swap3A = arith.index_cast %scan3A_119 : i32 to index
        %swap3A_123 = arith.constant 0 : index
        %swap3A_124 = tpu.vector_load %arg12[%swap3A, %swap3A_123] {strides = array<i32>} : memref<80x16xf32, #tpu.memory_space<vmem>>, vector<1x16xf32>,
        %swap3A_125 = vector.shape_cast %swap3A_124 : vector<1x16xf32> to vector<16xf32>
        %swap3A_126 = vector.shape_cast %get3A_122 : vector<16xf32> to vector<1x16xf32>
        tpu.vector_store %arg12[%swap3A, %swap3A_123], %swap3A_126 {strides = array<i32>} : memref<80x16xf32, #tpu.memory_space<vmem>>, vector<1x16xf32>,
      }
      %scan3A_72 = arith.constant 80 : i32
      %mul3A_73 = arith.constant 80 : i32
      %mul3A_74 = arith.muli %mul3A_40, %mul3A_73 : i32
      %add3A_75 = arith.addi %mul3A_2, %mul3A_74 : i32
      "tpu.region"() ({
        %run_scoped3A = tpu.sem_alloc : memref<!tpu.dma_semaphore, #tpu.memory_space<semaphore_mem>>
        %dma_start3A_119 = arith.constant 0 : i32
        %dma_start3A_120 = tpu.memref_slice %arg5[%add3A_75, %dma_start3A_119] : memref<64000x128xf32, #tpu.memory_space<hbm>> -> memref<80x128xf32, #tpu.memory_space<hbm>>
        %dma_start3A_121 = arith.constant 0 : i32
        %dma_start3A_122 = tpu.memref_slice %arg5[%add3A_75, %dma_start3A_121] : memref<64000x128xf32, #tpu.memory_space<hbm>> -> memref<80x128xf32, #tpu.memory_space<hbm>>
        tpu.enqueue_dma source(%arg8 : memref<80x128xf32, #tpu.memory_space<vmem>>) target(%dma_start3A_122 : memref<80x128xf32, #tpu.memory_space<hbm>>) target_semaphore(%run_scoped3A : memref<!tpu.dma_semaphore, #tpu.memory_space<semaphore_mem>>)
        %dma_wait3A_123 = arith.constant 0 : i32
        %dma_wait3A_124 = tpu.memref_slice %arg5[%add3A_75, %dma_wait3A_123] : memref<64000x128xf32, #tpu.memory_space<hbm>> -> memref<80x128xf32, #tpu.memory_space<hbm>>
        %dma_wait3A_125 = arith.constant 0 : i32
        %dma_wait3A_126 = tpu.memref_slice %arg5[%add3A_75, %dma_wait3A_125] : memref<64000x128xf32, #tpu.memory_space<hbm>> -> memref<80x128xf32, #tpu.memory_space<hbm>>
        tpu.wait_dma2 semaphore(%run_scoped3A : memref<!tpu.dma_semaphore, #tpu.memory_space<semaphore_mem>>) src(%arg8 : memref<80x128xf32, #tpu.memory_space<vmem>>) dst(%dma_wait3A_126 : memref<80x128xf32, #tpu.memory_space<hbm>>)
        tpu.yield
      }) : () -> ()
      %mul3A_76 = arith.constant 80 : i32
      %mul3A_77 = arith.muli %mul3A_40, %mul3A_76 : i32
      %add3A_78 = arith.addi %mul3A_2, %mul3A_77 : i32
      "tpu.region"() ({
        %run_scoped3A = tpu.sem_alloc : memref<!tpu.dma_semaphore, #tpu.memory_space<semaphore_mem>>
        %dma_start3A_119 = arith.constant 0 : i32
        %dma_start3A_120 = tpu.memref_slice %arg6[%add3A_78, %dma_start3A_119] : memref<64000x16xf32, #tpu.memory_space<hbm>> -> memref<80x16xf32, #tpu.memory_space<hbm>>
        %dma_start3A_121 = arith.constant 0 : i32
        %dma_start3A_122 = tpu.memref_slice %arg6[%add3A_78, %dma_start3A_121] : memref<64000x16xf32, #tpu.memory_space<hbm>> -> memref<80x16xf32, #tpu.memory_space<hbm>>
        tpu.enqueue_dma source(%arg12 : memref<80x16xf32, #tpu.memory_space<vmem>>) target(%dma_start3A_122 : memref<80x16xf32, #tpu.memory_space<hbm>>) target_semaphore(%run_scoped3A : memref<!tpu.dma_semaphore, #tpu.memory_space<semaphore_mem>>)
        %dma_wait3A_123 = arith.constant 0 : i32
        %dma_wait3A_124 = tpu.memref_slice %arg6[%add3A_78, %dma_wait3A_123] : memref<64000x16xf32, #tpu.memory_space<hbm>> -> memref<80x16xf32, #tpu.memory_space<hbm>>
        %dma_wait3A_125 = arith.constant 0 : i32
        %dma_wait3A_126 = tpu.memref_slice %arg6[%add3A_78, %dma_wait3A_125] : memref<64000x16xf32, #tpu.memory_space<hbm>> -> memref<80x16xf32, #tpu.memory_space<hbm>>
        tpu.wait_dma2 semaphore(%run_scoped3A : memref<!tpu.dma_semaphore, #tpu.memory_space<semaphore_mem>>) src(%arg12 : memref<80x16xf32, #tpu.memory_space<vmem>>) dst(%dma_wait3A_126 : memref<80x16xf32, #tpu.memory_space<hbm>>)
        tpu.yield
      }) : () -> ()
      %add3A_79 = arith.constant 2 : i32
      %add3A_80 = arith.addi %mul3A_40, %add3A_79 : i32
      %mul3A_81 = arith.constant 80 : i32
      %mul3A_82 = arith.muli %add3A_80, %mul3A_81 : i32
      %dma_start3A_83 = tpu.memref_slice %arg7[%mul3A_82] : memref<2000xi32, #tpu.memory_space<vmem>> -> memref<80xi32, #tpu.memory_space<vmem>>
      %dma_start3A_84 = arith.constant 0 : i32
      %dma_start3A_85 = arith.constant 0 : i32
      %dma_start3A_86 = tpu.memref_slice %arg2[%dma_start3A_84, %dma_start3A_85] : memref<10000x128xf32, #tpu.memory_space<hbm>> -> memref<10000x128xf32, #tpu.memory_space<hbm>>
      tpu.enqueue_indirect_dma source(%dma_start3A_86 : memref<10000x128xf32, #tpu.memory_space<hbm>>) target(%arg8 : memref<80x128xf32, #tpu.memory_space<vmem>>) offsets(%dma_start3A_83 : memref<80xi32, #tpu.memory_space<vmem>>) semaphore(%arg13 : memref<!tpu.dma_semaphore, #tpu.memory_space<semaphore_mem>>)
      %mul3A_87 = arith.constant 80 : i32
      %mul3A_88 = arith.muli %add3A_80, %mul3A_87 : i32
      %dma_start3A_89 = tpu.memref_slice %arg7[%mul3A_88] : memref<2000xi32, #tpu.memory_space<vmem>> -> memref<80xi32, #tpu.memory_space<vmem>>
      %dma_start3A_90 = arith.constant 0 : i32
      %dma_start3A_91 = arith.constant 0 : i32
      %dma_start3A_92 = tpu.memref_slice %arg3[%dma_start3A_90, %dma_start3A_91] : memref<10000x128xf32, #tpu.memory_space<hbm>> -> memref<10000x128xf32, #tpu.memory_space<hbm>>
      tpu.enqueue_indirect_dma source(%dma_start3A_92 : memref<10000x128xf32, #tpu.memory_space<hbm>>) target(%arg9 : memref<80x128xf32, #tpu.memory_space<vmem>>) offsets(%dma_start3A_89 : memref<80xi32, #tpu.memory_space<vmem>>) semaphore(%arg14 : memref<!tpu.dma_semaphore, #tpu.memory_space<semaphore_mem>>)
      %dma_wait3A_93 = arith.constant 0 : i32
      %dma_wait3A_94 = arith.constant 0 : i32
      %dma_wait3A_95 = tpu.memref_slice %arg2[%dma_wait3A_93, %dma_wait3A_94] : memref<10000x128xf32, #tpu.memory_space<hbm>> -> memref<80x128xf32, #tpu.memory_space<hbm>>
      %dma_wait3A_96 = arith.constant 0 : i32
      %dma_wait3A_97 = arith.constant 0 : i32
      %dma_wait3A_98 = tpu.memref_slice %arg2[%dma_wait3A_96, %dma_wait3A_97] : memref<10000x128xf32, #tpu.memory_space<hbm>> -> memref<80x128xf32, #tpu.memory_space<hbm>>
      tpu.wait_dma2 semaphore(%arg15 : memref<!tpu.dma_semaphore, #tpu.memory_space<semaphore_mem>>) src(%dma_wait3A_98 : memref<80x128xf32, #tpu.memory_space<hbm>>) dst(%arg10 : memref<80x128xf32, #tpu.memory_space<vmem>>)
      %dma_wait3A_99 = arith.constant 0 : i32
      %dma_wait3A_100 = arith.constant 0 : i32
      %dma_wait3A_101 = tpu.memref_slice %arg3[%dma_wait3A_99, %dma_wait3A_100] : memref<10000x128xf32, #tpu.memory_space<hbm>> -> memref<80x128xf32, #tpu.memory_space<hbm>>
      %dma_wait3A_102 = arith.constant 0 : i32
      %dma_wait3A_103 = arith.constant 0 : i32
      %dma_wait3A_104 = tpu.memref_slice %arg3[%dma_wait3A_102, %dma_wait3A_103] : memref<10000x128xf32, #tpu.memory_space<hbm>> -> memref<80x128xf32, #tpu.memory_space<hbm>>
      tpu.wait_dma2 semaphore(%arg16 : memref<!tpu.dma_semaphore, #tpu.memory_space<semaphore_mem>>) src(%dma_wait3A_104 : memref<80x128xf32, #tpu.memory_space<hbm>>) dst(%arg11 : memref<80x128xf32, #tpu.memory_space<vmem>>)
      %add3A_105 = arith.constant 1 : i32
      %add3A_106 = arith.addi %mul3A_40, %add3A_105 : i32
      %scan3A_107 = arith.constant 0 : i32
      %scan3A_108 = arith.constant 0 : i32
      %scan3A_109 = arith.constant 80 : i32
      %scan3A_110 = arith.addi %scan3A_108, %scan3A_109 : i32
      %scan3A_111 = arith.constant 1 : i32
      scf.for %scan3A_119 = %scan3A_108 to %scan3A_110 step %scan3A_111  : i32 {
        %get3A = arith.index_cast %scan3A_119 : i32 to index
        %get3A_120 = arith.constant 0 : index
        %get3A_121 = tpu.vector_load %arg11[%get3A, %get3A_120] {strides = array<i32>} : memref<80x128xf32, #tpu.memory_space<vmem>>, vector<1x16xf32>,
        %get3A_122 = vector.shape_cast %get3A_121 : vector<1x16xf32> to vector<16xf32>
        %swap3A = arith.index_cast %scan3A_119 : i32 to index
        %swap3A_123 = arith.constant 0 : index
        %swap3A_124 = tpu.vector_load %arg12[%swap3A, %swap3A_123] {strides = array<i32>} : memref<80x16xf32, #tpu.memory_space<vmem>>, vector<1x16xf32>,
        %swap3A_125 = vector.shape_cast %swap3A_124 : vector<1x16xf32> to vector<16xf32>
        %swap3A_126 = vector.shape_cast %get3A_122 : vector<16xf32> to vector<1x16xf32>
        tpu.vector_store %arg12[%swap3A, %swap3A_123], %swap3A_126 {strides = array<i32>} : memref<80x16xf32, #tpu.memory_space<vmem>>, vector<1x16xf32>,
      }
      %scan3A_112 = arith.constant 80 : i32
      %mul3A_113 = arith.constant 80 : i32
      %mul3A_114 = arith.muli %add3A_106, %mul3A_113 : i32
      %add3A_115 = arith.addi %mul3A_2, %mul3A_114 : i32
      "tpu.region"() ({
        %run_scoped3A = tpu.sem_alloc : memref<!tpu.dma_semaphore, #tpu.memory_space<semaphore_mem>>
        %dma_start3A_119 = arith.constant 0 : i32
        %dma_start3A_120 = tpu.memref_slice %arg5[%add3A_115, %dma_start3A_119] : memref<64000x128xf32, #tpu.memory_space<hbm>> -> memref<80x128xf32, #tpu.memory_space<hbm>>
        %dma_start3A_121 = arith.constant 0 : i32
        %dma_start3A_122 = tpu.memref_slice %arg5[%add3A_115, %dma_start3A_121] : memref<64000x128xf32, #tpu.memory_space<hbm>> -> memref<80x128xf32, #tpu.memory_space<hbm>>
        tpu.enqueue_dma source(%arg10 : memref<80x128xf32, #tpu.memory_space<vmem>>) target(%dma_start3A_122 : memref<80x128xf32, #tpu.memory_space<hbm>>) target_semaphore(%run_scoped3A : memref<!tpu.dma_semaphore, #tpu.memory_space<semaphore_mem>>)
        %dma_wait3A_123 = arith.constant 0 : i32
        %dma_wait3A_124 = tpu.memref_slice %arg5[%add3A_115, %dma_wait3A_123] : memref<64000x128xf32, #tpu.memory_space<hbm>> -> memref<80x128xf32, #tpu.memory_space<hbm>>
        %dma_wait3A_125 = arith.constant 0 : i32
        %dma_wait3A_126 = tpu.memref_slice %arg5[%add3A_115, %dma_wait3A_125] : memref<64000x128xf32, #tpu.memory_space<hbm>> -> memref<80x128xf32, #tpu.memory_space<hbm>>
        tpu.wait_dma2 semaphore(%run_scoped3A : memref<!tpu.dma_semaphore, #tpu.memory_space<semaphore_mem>>) src(%arg10 : memref<80x128xf32, #tpu.memory_space<vmem>>) dst(%dma_wait3A_126 : memref<80x128xf32, #tpu.memory_space<hbm>>)
        tpu.yield
      }) : () -> ()
      %mul3A_116 = arith.constant 80 : i32
      %mul3A_117 = arith.muli %add3A_106, %mul3A_116 : i32
      %add3A_118 = arith.addi %mul3A_2, %mul3A_117 : i32
      "tpu.region"() ({
        %run_scoped3A = tpu.sem_alloc : memref<!tpu.dma_semaphore, #tpu.memory_space<semaphore_mem>>
        %dma_start3A_119 = arith.constant 0 : i32
        %dma_start3A_120 = tpu.memref_slice %arg6[%add3A_118, %dma_start3A_119] : memref<64000x16xf32, #tpu.memory_space<hbm>> -> memref<80x16xf32, #tpu.memory_space<hbm>>
        %dma_start3A_121 = arith.constant 0 : i32
        %dma_start3A_122 = tpu.memref_slice %arg6[%add3A_118, %dma_start3A_121] : memref<64000x16xf32, #tpu.memory_space<hbm>> -> memref<80x16xf32, #tpu.memory_space<hbm>>
        tpu.enqueue_dma source(%arg12 : memref<80x16xf32, #tpu.memory_space<vmem>>) target(%dma_start3A_122 : memref<80x16xf32, #tpu.memory_space<hbm>>) target_semaphore(%run_scoped3A : memref<!tpu.dma_semaphore, #tpu.memory_space<semaphore_mem>>)
        %dma_wait3A_123 = arith.constant 0 : i32
        %dma_wait3A_124 = tpu.memref_slice %arg6[%add3A_118, %dma_wait3A_123] : memref<64000x16xf32, #tpu.memory_space<hbm>> -> memref<80x16xf32, #tpu.memory_space<hbm>>
        %dma_wait3A_125 = arith.constant 0 : i32
        %dma_wait3A_126 = tpu.memref_slice %arg6[%add3A_118, %dma_wait3A_125] : memref<64000x16xf32, #tpu.memory_space<hbm>> -> memref<80x16xf32, #tpu.memory_space<hbm>>
        tpu.wait_dma2 semaphore(%run_scoped3A : memref<!tpu.dma_semaphore, #tpu.memory_space<semaphore_mem>>) src(%arg12 : memref<80x16xf32, #tpu.memory_space<vmem>>) dst(%dma_wait3A_126 : memref<80x16xf32, #tpu.memory_space<hbm>>)
        tpu.yield
      }) : () -> ()
    }
    %scan3A_16 = arith.constant 12 : i32
    %dma_wait3A = arith.constant 0 : i32
    %dma_wait3A_17 = arith.constant 0 : i32
    %dma_wait3A_18 = tpu.memref_slice %arg2[%dma_wait3A, %dma_wait3A_17] : memref<10000x128xf32, #tpu.memory_space<hbm>> -> memref<80x128xf32, #tpu.memory_space<hbm>>
    %dma_wait3A_19 = arith.constant 0 : i32
    %dma_wait3A_20 = arith.constant 0 : i32
    %dma_wait3A_21 = tpu.memref_slice %arg2[%dma_wait3A_19, %dma_wait3A_20] : memref<10000x128xf32, #tpu.memory_space<hbm>> -> memref<80x128xf32, #tpu.memory_space<hbm>>
    tpu.wait_dma2 semaphore(%arg13 : memref<!tpu.dma_semaphore, #tpu.memory_space<semaphore_mem>>) src(%dma_wait3A_21 : memref<80x128xf32, #tpu.memory_space<hbm>>) dst(%arg8 : memref<80x128xf32, #tpu.memory_space<vmem>>)
    %dma_wait3A_22 = arith.constant 0 : i32
    %dma_wait3A_23 = arith.constant 0 : i32
    %dma_wait3A_24 = tpu.memref_slice %arg3[%dma_wait3A_22, %dma_wait3A_23] : memref<10000x128xf32, #tpu.memory_space<hbm>> -> memref<80x128xf32, #tpu.memory_space<hbm>>
    %dma_wait3A_25 = arith.constant 0 : i32
    %dma_wait3A_26 = arith.constant 0 : i32
    %dma_wait3A_27 = tpu.memref_slice %arg3[%dma_wait3A_25, %dma_wait3A_26] : memref<10000x128xf32, #tpu.memory_space<hbm>> -> memref<80x128xf32, #tpu.memory_space<hbm>>
    tpu.wait_dma2 semaphore(%arg14 : memref<!tpu.dma_semaphore, #tpu.memory_space<semaphore_mem>>) src(%dma_wait3A_27 : memref<80x128xf32, #tpu.memory_space<hbm>>) dst(%arg9 : memref<80x128xf32, #tpu.memory_space<vmem>>)
    %scan3A_28 = arith.constant 0 : i32
    %scan3A_29 = arith.constant 0 : i32
    %scan3A_30 = arith.constant 80 : i32
    %scan3A_31 = arith.addi %scan3A_29, %scan3A_30 : i32
    %scan3A_32 = arith.constant 1 : i32
    scf.for %scan3A_38 = %scan3A_29 to %scan3A_31 step %scan3A_32  : i32 {
      %get3A = arith.index_cast %scan3A_38 : i32 to index
      %get3A_39 = arith.constant 0 : index
      %get3A_40 = tpu.vector_load %arg9[%get3A, %get3A_39] {strides = array<i32>} : memref<80x128xf32, #tpu.memory_space<vmem>>, vector<1x16xf32>,
      %get3A_41 = vector.shape_cast %get3A_40 : vector<1x16xf32> to vector<16xf32>
      %swap3A = arith.index_cast %scan3A_38 : i32 to index
      %swap3A_42 = arith.constant 0 : index
      %swap3A_43 = tpu.vector_load %arg12[%swap3A, %swap3A_42] {strides = array<i32>} : memref<80x16xf32, #tpu.memory_space<vmem>>, vector<1x16xf32>,
      %swap3A_44 = vector.shape_cast %swap3A_43 : vector<1x16xf32> to vector<16xf32>
      %swap3A_45 = vector.shape_cast %get3A_41 : vector<16xf32> to vector<1x16xf32>
      tpu.vector_store %arg12[%swap3A, %swap3A_42], %swap3A_45 {strides = array<i32>} : memref<80x16xf32, #tpu.memory_space<vmem>>, vector<1x16xf32>,
    }
    %scan3A_33 = arith.constant 80 : i32
    %add3A_34 = arith.constant 1920 : i32
    %add3A_35 = arith.addi %mul3A_2, %add3A_34 : i32
    "tpu.region"() ({
      %run_scoped3A = tpu.sem_alloc : memref<!tpu.dma_semaphore, #tpu.memory_space<semaphore_mem>>
      %dma_start3A_38 = arith.constant 0 : i32
      %dma_start3A_39 = tpu.memref_slice %arg5[%add3A_35, %dma_start3A_38] : memref<64000x128xf32, #tpu.memory_space<hbm>> -> memref<80x128xf32, #tpu.memory_space<hbm>>
      %dma_start3A_40 = arith.constant 0 : i32
      %dma_start3A_41 = tpu.memref_slice %arg5[%add3A_35, %dma_start3A_40] : memref<64000x128xf32, #tpu.memory_space<hbm>> -> memref<80x128xf32, #tpu.memory_space<hbm>>
      tpu.enqueue_dma source(%arg8 : memref<80x128xf32, #tpu.memory_space<vmem>>) target(%dma_start3A_41 : memref<80x128xf32, #tpu.memory_space<hbm>>) target_semaphore(%run_scoped3A : memref<!tpu.dma_semaphore, #tpu.memory_space<semaphore_mem>>)
      %dma_wait3A_42 = arith.constant 0 : i32
      %dma_wait3A_43 = tpu.memref_slice %arg5[%add3A_35, %dma_wait3A_42] : memref<64000x128xf32, #tpu.memory_space<hbm>> -> memref<80x128xf32, #tpu.memory_space<hbm>>
      %dma_wait3A_44 = arith.constant 0 : i32
      %dma_wait3A_45 = tpu.memref_slice %arg5[%add3A_35, %dma_wait3A_44] : memref<64000x128xf32, #tpu.memory_space<hbm>> -> memref<80x128xf32, #tpu.memory_space<hbm>>
      tpu.wait_dma2 semaphore(%run_scoped3A : memref<!tpu.dma_semaphore, #tpu.memory_space<semaphore_mem>>) src(%arg8 : memref<80x128xf32, #tpu.memory_space<vmem>>) dst(%dma_wait3A_45 : memref<80x128xf32, #tpu.memory_space<hbm>>)
      tpu.yield
    }) : () -> ()
    %add3A_36 = arith.constant 1920 : i32
    %add3A_37 = arith.addi %mul3A_2, %add3A_36 : i32
    "tpu.region"() ({
      %run_scoped3A = tpu.sem_alloc : memref<!tpu.dma_semaphore, #tpu.memory_space<semaphore_mem>>
      %dma_start3A_38 = arith.constant 0 : i32
      %dma_start3A_39 = tpu.memref_slice %arg6[%add3A_37, %dma_start3A_38] : memref<64000x16xf32, #tpu.memory_space<hbm>> -> memref<80x16xf32, #tpu.memory_space<hbm>>
      %dma_start3A_40 = arith.constant 0 : i32
      %dma_start3A_41 = tpu.memref_slice %arg6[%add3A_37, %dma_start3A_40] : memref<64000x16xf32, #tpu.memory_space<hbm>> -> memref<80x16xf32, #tpu.memory_space<hbm>>
      tpu.enqueue_dma source(%arg12 : memref<80x16xf32, #tpu.memory_space<vmem>>) target(%dma_start3A_41 : memref<80x16xf32, #tpu.memory_space<hbm>>) target_semaphore(%run_scoped3A : memref<!tpu.dma_semaphore, #tpu.memory_space<semaphore_mem>>)
      %dma_wait3A_42 = arith.constant 0 : i32
      %dma_wait3A_43 = tpu.memref_slice %arg6[%add3A_37, %dma_wait3A_42] : memref<64000x16xf32, #tpu.memory_space<hbm>> -> memref<80x16xf32, #tpu.memory_space<hbm>>
      %dma_wait3A_44 = arith.constant 0 : i32
      %dma_wait3A_45 = tpu.memref_slice %arg6[%add3A_37, %dma_wait3A_44] : memref<64000x16xf32, #tpu.memory_space<hbm>> -> memref<80x16xf32, #tpu.memory_space<hbm>>
      tpu.wait_dma2 semaphore(%run_scoped3A : memref<!tpu.dma_semaphore, #tpu.memory_space<semaphore_mem>>) src(%arg12 : memref<80x16xf32, #tpu.memory_space<vmem>>) dst(%dma_wait3A_45 : memref<80x16xf32, #tpu.memory_space<hbm>>)
      tpu.yield
    }) : () -> ()
    return
  }
}

#map = affine_map<(d0, d1) -> (0, 0)>
#map1 = affine_map<(d0, d1) -> (0)>
module attributes {stable_mosaic.version = 14 : i64} {
  func.func @k(%arg0: i32, %arg1: i32, %arg2: memref<10000x128xf32, #tpu.memory_space<hbm>>, %arg3: memref<10000x128xf32, #tpu.memory_space<hbm>>, %arg4: memref<64000xi32, #tpu.memory_space<hbm>>, %arg5: memref<64000x128xf32, #tpu.memory_space<hbm>>, %arg6: memref<64000x16xf32, #tpu.memory_space<hbm>>, %arg7: memref<2000xi32, #tpu.memory_space<vmem>>, %arg8: memref<80x128xf32, #tpu.memory_space<vmem>>, %arg9: memref<80x128xf32, #tpu.memory_space<vmem>>, %arg10: memref<80x128xf32, #tpu.memory_space<vmem>>, %arg11: memref<80x128xf32, #tpu.memory_space<vmem>>, %arg12: memref<80x16xf32, #tpu.memory_space<vmem>>, %arg13: memref<!tpu.dma_semaphore, #tpu.memory_space<semaphore_mem>>, %arg14: memref<!tpu.dma_semaphore, #tpu.memory_space<semaphore_mem>>, %arg15: memref<!tpu.dma_semaphore, #tpu.memory_space<semaphore_mem>>, %arg16: memref<!tpu.dma_semaphore, #tpu.memory_space<semaphore_mem>>) attributes {dimension_semantics = [#tpu.dimension_semantics<core_parallel>, #tpu.dimension_semantics<subcore_parallel>], iteration_bounds = array<i64: 2, 16>, scalar_prefetch = 0 : i64, scratch_operands = 10 : i64, tpu.core_type = #tpu.core_type<sc_vector_subcore>, window_params = [{transform_indices = #map}, {transform_indices = #map}, {transform_indices = #map1}, {transform_indices = #map}, {transform_indices = #map}]} {
    %mul3A = arith.constant 2 : i32
    %mul3A_0 = arith.muli %arg1, %mul3A : i32
    %add3A = arith.addi %mul3A_0, %arg0 : i32
    %mul3A_1 = arith.constant 2000 : i32
    %mul3A_2 = arith.muli %add3A, %mul3A_1 : i32
    "tpu.region"() ({
      %run_scoped3A = tpu.sem_alloc : memref<!tpu.dma_semaphore, #tpu.memory_space<semaphore_mem>>
      %dma_start3A_38 = tpu.memref_slice %arg4[%mul3A_2] : memref<64000xi32, #tpu.memory_space<hbm>> -> memref<2000xi32, #tpu.memory_space<hbm>>
      %dma_start3A_39 = tpu.memref_slice %arg4[%mul3A_2] : memref<64000xi32, #tpu.memory_space<hbm>> -> memref<2000xi32, #tpu.memory_space<hbm>>
      tpu.enqueue_dma source(%dma_start3A_39 : memref<2000xi32, #tpu.memory_space<hbm>>) target(%arg7 : memref<2000xi32, #tpu.memory_space<vmem>>) target_semaphore(%run_scoped3A : memref<!tpu.dma_semaphore, #tpu.memory_space<semaphore_mem>>)
      %dma_wait3A_40 = tpu.memref_slice %arg4[%mul3A_2] : memref<64000xi32, #tpu.memory_space<hbm>> -> memref<2000xi32, #tpu.memory_space<hbm>>
      %dma_wait3A_41 = tpu.memref_slice %arg4[%mul3A_2] : memref<64000xi32, #tpu.memory_space<hbm>> -> memref<2000xi32, #tpu.memory_space<hbm>>
      tpu.wait_dma2 semaphore(%run_scoped3A : memref<!tpu.dma_semaphore, #tpu.memory_space<semaphore_mem>>) src(%dma_wait3A_41 : memref<2000xi32, #tpu.memory_space<hbm>>) dst(%arg7 : memref<2000xi32, #tpu.memory_space<vmem>>)
      tpu.yield
    }) : () -> ()
    %dma_start3A = arith.constant 0 : i32
    %dma_start3A_3 = tpu.memref_slice %arg7[%dma_start3A] : memref<2000xi32, #tpu.memory_space<vmem>> -> memref<80xi32, #tpu.memory_space<vmem>>
    %dma_start3A_4 = arith.constant 0 : i32
    %dma_start3A_5 = arith.constant 0 : i32
    %dma_start3A_6 = tpu.memref_slice %arg2[%dma_start3A_4, %dma_start3A_5] : memref<10000x128xf32, #tpu.memory_space<hbm>> -> memref<10000x128xf32, #tpu.memory_space<hbm>>
    tpu.enqueue_indirect_dma source(%dma_start3A_6 : memref<10000x128xf32, #tpu.memory_space<hbm>>) target(%arg8 : memref<80x128xf32, #tpu.memory_space<vmem>>) offsets(%dma_start3A_3 : memref<80xi32, #tpu.memory_space<vmem>>) semaphore(%arg13 : memref<!tpu.dma_semaphore, #tpu.memory_space<semaphore_mem>>)
    %dma_start3A_7 = arith.constant 0 : i32
    %dma_start3A_8 = tpu.memref_slice %arg7[%dma_start3A_7] : memref<2000xi32, #tpu.memory_space<vmem>> -> memref<80xi32, #tpu.memory_space<vmem>>
    %dma_start3A_9 = arith.constant 0 : i32
    %dma_start3A_10 = arith.constant 0 : i32
    %dma_start3A_11 = tpu.memref_slice %arg3[%dma_start3A_9, %dma_start3A_10] : memref<10000x128xf32, #tpu.memory_space<hbm>> -> memref<10000x128xf32, #tpu.memory_space<hbm>>
    tpu.enqueue_indirect_dma source(%dma_start3A_11 : memref<10000x128xf32, #tpu.memory_space<hbm>>) target(%arg9 : memref<80x128xf32, #tpu.memory_space<vmem>>) offsets(%dma_start3A_8 : memref<80xi32, #tpu.memory_space<vmem>>) semaphore(%arg14 : memref<!tpu.dma_semaphore, #tpu.memory_space<semaphore_mem>>)
    %scan3A = arith.constant 0 : i32
    %scan3A_12 = arith.constant 0 : i32
    %scan3A_13 = arith.constant 12 : i32
    %scan3A_14 = arith.addi %scan3A_12, %scan3A_13 : i32
    %scan3A_15 = arith.constant 1 : i32
    scf.for %scan3A_38 = %scan3A_12 to %scan3A_14 step %scan3A_15  : i32 {
      %mul3A_39 = arith.constant 2 : i32
      %mul3A_40 = arith.muli %mul3A_39, %scan3A_38 : i32
      %add3A_41 = arith.constant 1 : i32
      %add3A_42 = arith.addi %mul3A_40, %add3A_41 : i32
      %mul3A_43 = arith.constant 80 : i32
      %mul3A_44 = arith.muli %add3A_42, %mul3A_43 : i32
      %dma_start3A_45 = tpu.memref_slice %arg7[%mul3A_44] : memref<2000xi32, #tpu.memory_space<vmem>> -> memref<80xi32, #tpu.memory_space<vmem>>
      %dma_start3A_46 = arith.constant 0 : i32
      %dma_start3A_47 = arith.constant 0 : i32
      %dma_start3A_48 = tpu.memref_slice %arg2[%dma_start3A_46, %dma_start3A_47] : memref<10000x128xf32, #tpu.memory_space<hbm>> -> memref<10000x128xf32, #tpu.memory_space<hbm>>
      tpu.enqueue_indirect_dma source(%dma_start3A_48 : memref<10000x128xf32, #tpu.memory_space<hbm>>) target(%arg10 : memref<80x128xf32, #tpu.memory_space<vmem>>) offsets(%dma_start3A_45 : memref<80xi32, #tpu.memory_space<vmem>>) semaphore(%arg15 : memref<!tpu.dma_semaphore, #tpu.memory_space<semaphore_mem>>)
      %mul3A_49 = arith.constant 80 : i32
      %mul3A_50 = arith.muli %add3A_42, %mul3A_49 : i32
      %dma_start3A_51 = tpu.memref_slice %arg7[%mul3A_50] : memref<2000xi32, #tpu.memory_space<vmem>> -> memref<80xi32, #tpu.memory_space<vmem>>
      %dma_start3A_52 = arith.constant 0 : i32
      %dma_start3A_53 = arith.constant 0 : i32
      %dma_start3A_54 = tpu.memref_slice %arg3[%dma_start3A_52, %dma_start3A_53] : memref<10000x128xf32, #tpu.memory_space<hbm>> -> memref<10000x128xf32, #tpu.memory_space<hbm>>
      tpu.enqueue_indirect_dma source(%dma_start3A_54 : memref<10000x128xf32, #tpu.memory_space<hbm>>) target(%arg11 : memref<80x128xf32, #tpu.memory_space<vmem>>) offsets(%dma_start3A_51 : memref<80xi32, #tpu.memory_space<vmem>>) semaphore(%arg16 : memref<!tpu.dma_semaphore, #tpu.memory_space<semaphore_mem>>)
      %dma_wait3A_55 = arith.constant 0 : i32
      %dma_wait3A_56 = arith.constant 0 : i32
      %dma_wait3A_57 = tpu.memref_slice %arg2[%dma_wait3A_55, %dma_wait3A_56] : memref<10000x128xf32, #tpu.memory_space<hbm>> -> memref<80x128xf32, #tpu.memory_space<hbm>>
      %dma_wait3A_58 = arith.constant 0 : i32
      %dma_wait3A_59 = arith.constant 0 : i32
      %dma_wait3A_60 = tpu.memref_slice %arg2[%dma_wait3A_58, %dma_wait3A_59] : memref<10000x128xf32, #tpu.memory_space<hbm>> -> memref<80x128xf32, #tpu.memory_space<hbm>>
      tpu.wait_dma2 semaphore(%arg13 : memref<!tpu.dma_semaphore, #tpu.memory_space<semaphore_mem>>) src(%dma_wait3A_60 : memref<80x128xf32, #tpu.memory_space<hbm>>) dst(%arg8 : memref<80x128xf32, #tpu.memory_space<vmem>>)
      %dma_wait3A_61 = arith.constant 0 : i32
      %dma_wait3A_62 = arith.constant 0 : i32
      %dma_wait3A_63 = tpu.memref_slice %arg3[%dma_wait3A_61, %dma_wait3A_62] : memref<10000x128xf32, #tpu.memory_space<hbm>> -> memref<80x128xf32, #tpu.memory_space<hbm>>
      %dma_wait3A_64 = arith.constant 0 : i32
      %dma_wait3A_65 = arith.constant 0 : i32
      %dma_wait3A_66 = tpu.memref_slice %arg3[%dma_wait3A_64, %dma_wait3A_65] : memref<10000x128xf32, #tpu.memory_space<hbm>> -> memref<80x128xf32, #tpu.memory_space<hbm>>
      tpu.wait_dma2 semaphore(%arg14 : memref<!tpu.dma_semaphore, #tpu.memory_space<semaphore_mem>>) src(%dma_wait3A_66 : memref<80x128xf32, #tpu.memory_space<hbm>>) dst(%arg9 : memref<80x128xf32, #tpu.memory_space<vmem>>)
      %scan3A_67 = arith.constant 0 : i32
      %scan3A_68 = arith.constant 0 : i32
      %scan3A_69 = arith.constant 80 : i32
      %scan3A_70 = arith.addi %scan3A_68, %scan3A_69 : i32
      %scan3A_71 = arith.constant 1 : i32
      scf.for %scan3A_119 = %scan3A_68 to %scan3A_70 step %scan3A_71  : i32 {
        %get3A = arith.index_cast %scan3A_119 : i32 to index
        %get3A_120 = arith.constant 0 : index
        %get3A_121 = tpu.vector_load %arg9[%get3A, %get3A_120] {strides = array<i32>} : memref<80x128xf32, #tpu.memory_space<vmem>>, vector<1x16xf32>,
        %get3A_122 = vector.shape_cast %get3A_121 : vector<1x16xf32> to vector<16xf32>
        %swap3A = arith.index_cast %scan3A_119 : i32 to index
        %swap3A_123 = arith.constant 0 : index
        %swap3A_124 = tpu.vector_load %arg12[%swap3A, %swap3A_123] {strides = array<i32>} : memref<80x16xf32, #tpu.memory_space<vmem>>, vector<1x16xf32>,
        %swap3A_125 = vector.shape_cast %swap3A_124 : vector<1x16xf32> to vector<16xf32>
        %swap3A_126 = vector.shape_cast %get3A_122 : vector<16xf32> to vector<1x16xf32>
        tpu.vector_store %arg12[%swap3A, %swap3A_123], %swap3A_126 {strides = array<i32>} : memref<80x16xf32, #tpu.memory_space<vmem>>, vector<1x16xf32>,
      }
      %scan3A_72 = arith.constant 80 : i32
      %mul3A_73 = arith.constant 80 : i32
      %mul3A_74 = arith.muli %mul3A_40, %mul3A_73 : i32
      %add3A_75 = arith.addi %mul3A_2, %mul3A_74 : i32
      "tpu.region"() ({
        %run_scoped3A = tpu.sem_alloc : memref<!tpu.dma_semaphore, #tpu.memory_space<semaphore_mem>>
        %dma_start3A_119 = arith.constant 0 : i32
        %dma_start3A_120 = tpu.memref_slice %arg5[%add3A_75, %dma_start3A_119] : memref<64000x128xf32, #tpu.memory_space<hbm>> -> memref<80x128xf32, #tpu.memory_space<hbm>>
        %dma_start3A_121 = arith.constant 0 : i32
        %dma_start3A_122 = tpu.memref_slice %arg5[%add3A_75, %dma_start3A_121] : memref<64000x128xf32, #tpu.memory_space<hbm>> -> memref<80x128xf32, #tpu.memory_space<hbm>>
        tpu.enqueue_dma source(%arg8 : memref<80x128xf32, #tpu.memory_space<vmem>>) target(%dma_start3A_122 : memref<80x128xf32, #tpu.memory_space<hbm>>) target_semaphore(%run_scoped3A : memref<!tpu.dma_semaphore, #tpu.memory_space<semaphore_mem>>)
        %dma_wait3A_123 = arith.constant 0 : i32
        %dma_wait3A_124 = tpu.memref_slice %arg5[%add3A_75, %dma_wait3A_123] : memref<64000x128xf32, #tpu.memory_space<hbm>> -> memref<80x128xf32, #tpu.memory_space<hbm>>
        %dma_wait3A_125 = arith.constant 0 : i32
        %dma_wait3A_126 = tpu.memref_slice %arg5[%add3A_75, %dma_wait3A_125] : memref<64000x128xf32, #tpu.memory_space<hbm>> -> memref<80x128xf32, #tpu.memory_space<hbm>>
        tpu.wait_dma2 semaphore(%run_scoped3A : memref<!tpu.dma_semaphore, #tpu.memory_space<semaphore_mem>>) src(%arg8 : memref<80x128xf32, #tpu.memory_space<vmem>>) dst(%dma_wait3A_126 : memref<80x128xf32, #tpu.memory_space<hbm>>)
        tpu.yield
      }) : () -> ()
      %mul3A_76 = arith.constant 80 : i32
      %mul3A_77 = arith.muli %mul3A_40, %mul3A_76 : i32
      %add3A_78 = arith.addi %mul3A_2, %mul3A_77 : i32
      "tpu.region"() ({
        %run_scoped3A = tpu.sem_alloc : memref<!tpu.dma_semaphore, #tpu.memory_space<semaphore_mem>>
        %dma_start3A_119 = arith.constant 0 : i32
        %dma_start3A_120 = tpu.memref_slice %arg6[%add3A_78, %dma_start3A_119] : memref<64000x16xf32, #tpu.memory_space<hbm>> -> memref<80x16xf32, #tpu.memory_space<hbm>>
        %dma_start3A_121 = arith.constant 0 : i32
        %dma_start3A_122 = tpu.memref_slice %arg6[%add3A_78, %dma_start3A_121] : memref<64000x16xf32, #tpu.memory_space<hbm>> -> memref<80x16xf32, #tpu.memory_space<hbm>>
        tpu.enqueue_dma source(%arg12 : memref<80x16xf32, #tpu.memory_space<vmem>>) target(%dma_start3A_122 : memref<80x16xf32, #tpu.memory_space<hbm>>) target_semaphore(%run_scoped3A : memref<!tpu.dma_semaphore, #tpu.memory_space<semaphore_mem>>)
        %dma_wait3A_123 = arith.constant 0 : i32
        %dma_wait3A_124 = tpu.memref_slice %arg6[%add3A_78, %dma_wait3A_123] : memref<64000x16xf32, #tpu.memory_space<hbm>> -> memref<80x16xf32, #tpu.memory_space<hbm>>
        %dma_wait3A_125 = arith.constant 0 : i32
        %dma_wait3A_126 = tpu.memref_slice %arg6[%add3A_78, %dma_wait3A_125] : memref<64000x16xf32, #tpu.memory_space<hbm>> -> memref<80x16xf32, #tpu.memory_space<hbm>>
        tpu.wait_dma2 semaphore(%run_scoped3A : memref<!tpu.dma_semaphore, #tpu.memory_space<semaphore_mem>>) src(%arg12 : memref<80x16xf32, #tpu.memory_space<vmem>>) dst(%dma_wait3A_126 : memref<80x16xf32, #tpu.memory_space<hbm>>)
        tpu.yield
      }) : () -> ()
      %add3A_79 = arith.constant 2 : i32
      %add3A_80 = arith.addi %mul3A_40, %add3A_79 : i32
      %mul3A_81 = arith.constant 80 : i32
      %mul3A_82 = arith.muli %add3A_80, %mul3A_81 : i32
      %dma_start3A_83 = tpu.memref_slice %arg7[%mul3A_82] : memref<2000xi32, #tpu.memory_space<vmem>> -> memref<80xi32, #tpu.memory_space<vmem>>
      %dma_start3A_84 = arith.constant 0 : i32
      %dma_start3A_85 = arith.constant 0 : i32
      %dma_start3A_86 = tpu.memref_slice %arg2[%dma_start3A_84, %dma_start3A_85] : memref<10000x128xf32, #tpu.memory_space<hbm>> -> memref<10000x128xf32, #tpu.memory_space<hbm>>
      tpu.enqueue_indirect_dma source(%dma_start3A_86 : memref<10000x128xf32, #tpu.memory_space<hbm>>) target(%arg8 : memref<80x128xf32, #tpu.memory_space<vmem>>) offsets(%dma_start3A_83 : memref<80xi32, #tpu.memory_space<vmem>>) semaphore(%arg13 : memref<!tpu.dma_semaphore, #tpu.memory_space<semaphore_mem>>)
      %mul3A_87 = arith.constant 80 : i32
      %mul3A_88 = arith.muli %add3A_80, %mul3A_87 : i32
      %dma_start3A_89 = tpu.memref_slice %arg7[%mul3A_88] : memref<2000xi32, #tpu.memory_space<vmem>> -> memref<80xi32, #tpu.memory_space<vmem>>
      %dma_start3A_90 = arith.constant 0 : i32
      %dma_start3A_91 = arith.constant 0 : i32
      %dma_start3A_92 = tpu.memref_slice %arg3[%dma_start3A_90, %dma_start3A_91] : memref<10000x128xf32, #tpu.memory_space<hbm>> -> memref<10000x128xf32, #tpu.memory_space<hbm>>
      tpu.enqueue_indirect_dma source(%dma_start3A_92 : memref<10000x128xf32, #tpu.memory_space<hbm>>) target(%arg9 : memref<80x128xf32, #tpu.memory_space<vmem>>) offsets(%dma_start3A_89 : memref<80xi32, #tpu.memory_space<vmem>>) semaphore(%arg14 : memref<!tpu.dma_semaphore, #tpu.memory_space<semaphore_mem>>)
      %dma_wait3A_93 = arith.constant 0 : i32
      %dma_wait3A_94 = arith.constant 0 : i32
      %dma_wait3A_95 = tpu.memref_slice %arg2[%dma_wait3A_93, %dma_wait3A_94] : memref<10000x128xf32, #tpu.memory_space<hbm>> -> memref<80x128xf32, #tpu.memory_space<hbm>>
      %dma_wait3A_96 = arith.constant 0 : i32
      %dma_wait3A_97 = arith.constant 0 : i32
      %dma_wait3A_98 = tpu.memref_slice %arg2[%dma_wait3A_96, %dma_wait3A_97] : memref<10000x128xf32, #tpu.memory_space<hbm>> -> memref<80x128xf32, #tpu.memory_space<hbm>>
      tpu.wait_dma2 semaphore(%arg15 : memref<!tpu.dma_semaphore, #tpu.memory_space<semaphore_mem>>) src(%dma_wait3A_98 : memref<80x128xf32, #tpu.memory_space<hbm>>) dst(%arg10 : memref<80x128xf32, #tpu.memory_space<vmem>>)
      %dma_wait3A_99 = arith.constant 0 : i32
      %dma_wait3A_100 = arith.constant 0 : i32
      %dma_wait3A_101 = tpu.memref_slice %arg3[%dma_wait3A_99, %dma_wait3A_100] : memref<10000x128xf32, #tpu.memory_space<hbm>> -> memref<80x128xf32, #tpu.memory_space<hbm>>
      %dma_wait3A_102 = arith.constant 0 : i32
      %dma_wait3A_103 = arith.constant 0 : i32
      %dma_wait3A_104 = tpu.memref_slice %arg3[%dma_wait3A_102, %dma_wait3A_103] : memref<10000x128xf32, #tpu.memory_space<hbm>> -> memref<80x128xf32, #tpu.memory_space<hbm>>
      tpu.wait_dma2 semaphore(%arg16 : memref<!tpu.dma_semaphore, #tpu.memory_space<semaphore_mem>>) src(%dma_wait3A_104 : memref<80x128xf32, #tpu.memory_space<hbm>>) dst(%arg11 : memref<80x128xf32, #tpu.memory_space<vmem>>)
      %add3A_105 = arith.constant 1 : i32
      %add3A_106 = arith.addi %mul3A_40, %add3A_105 : i32
      %scan3A_107 = arith.constant 0 : i32
      %scan3A_108 = arith.constant 0 : i32
      %scan3A_109 = arith.constant 80 : i32
      %scan3A_110 = arith.addi %scan3A_108, %scan3A_109 : i32
      %scan3A_111 = arith.constant 1 : i32
      scf.for %scan3A_119 = %scan3A_108 to %scan3A_110 step %scan3A_111  : i32 {
        %get3A = arith.index_cast %scan3A_119 : i32 to index
        %get3A_120 = arith.constant 0 : index
        %get3A_121 = tpu.vector_load %arg11[%get3A, %get3A_120] {strides = array<i32>} : memref<80x128xf32, #tpu.memory_space<vmem>>, vector<1x16xf32>,
        %get3A_122 = vector.shape_cast %get3A_121 : vector<1x16xf32> to vector<16xf32>
        %swap3A = arith.index_cast %scan3A_119 : i32 to index
        %swap3A_123 = arith.constant 0 : index
        %swap3A_124 = tpu.vector_load %arg12[%swap3A, %swap3A_123] {strides = array<i32>} : memref<80x16xf32, #tpu.memory_space<vmem>>, vector<1x16xf32>,
        %swap3A_125 = vector.shape_cast %swap3A_124 : vector<1x16xf32> to vector<16xf32>
        %swap3A_126 = vector.shape_cast %get3A_122 : vector<16xf32> to vector<1x16xf32>
        tpu.vector_store %arg12[%swap3A, %swap3A_123], %swap3A_126 {strides = array<i32>} : memref<80x16xf32, #tpu.memory_space<vmem>>, vector<1x16xf32>,
      }
      %scan3A_112 = arith.constant 80 : i32
      %mul3A_113 = arith.constant 80 : i32
      %mul3A_114 = arith.muli %add3A_106, %mul3A_113 : i32
      %add3A_115 = arith.addi %mul3A_2, %mul3A_114 : i32
      "tpu.region"() ({
        %run_scoped3A = tpu.sem_alloc : memref<!tpu.dma_semaphore, #tpu.memory_space<semaphore_mem>>
        %dma_start3A_119 = arith.constant 0 : i32
        %dma_start3A_120 = tpu.memref_slice %arg5[%add3A_115, %dma_start3A_119] : memref<64000x128xf32, #tpu.memory_space<hbm>> -> memref<80x128xf32, #tpu.memory_space<hbm>>
        %dma_start3A_121 = arith.constant 0 : i32
        %dma_start3A_122 = tpu.memref_slice %arg5[%add3A_115, %dma_start3A_121] : memref<64000x128xf32, #tpu.memory_space<hbm>> -> memref<80x128xf32, #tpu.memory_space<hbm>>
        tpu.enqueue_dma source(%arg10 : memref<80x128xf32, #tpu.memory_space<vmem>>) target(%dma_start3A_122 : memref<80x128xf32, #tpu.memory_space<hbm>>) target_semaphore(%run_scoped3A : memref<!tpu.dma_semaphore, #tpu.memory_space<semaphore_mem>>)
        %dma_wait3A_123 = arith.constant 0 : i32
        %dma_wait3A_124 = tpu.memref_slice %arg5[%add3A_115, %dma_wait3A_123] : memref<64000x128xf32, #tpu.memory_space<hbm>> -> memref<80x128xf32, #tpu.memory_space<hbm>>
        %dma_wait3A_125 = arith.constant 0 : i32
        %dma_wait3A_126 = tpu.memref_slice %arg5[%add3A_115, %dma_wait3A_125] : memref<64000x128xf32, #tpu.memory_space<hbm>> -> memref<80x128xf32, #tpu.memory_space<hbm>>
        tpu.wait_dma2 semaphore(%run_scoped3A : memref<!tpu.dma_semaphore, #tpu.memory_space<semaphore_mem>>) src(%arg10 : memref<80x128xf32, #tpu.memory_space<vmem>>) dst(%dma_wait3A_126 : memref<80x128xf32, #tpu.memory_space<hbm>>)
        tpu.yield
      }) : () -> ()
      %mul3A_116 = arith.constant 80 : i32
      %mul3A_117 = arith.muli %add3A_106, %mul3A_116 : i32
      %add3A_118 = arith.addi %mul3A_2, %mul3A_117 : i32
      "tpu.region"() ({
        %run_scoped3A = tpu.sem_alloc : memref<!tpu.dma_semaphore, #tpu.memory_space<semaphore_mem>>
        %dma_start3A_119 = arith.constant 0 : i32
        %dma_start3A_120 = tpu.memref_slice %arg6[%add3A_118, %dma_start3A_119] : memref<64000x16xf32, #tpu.memory_space<hbm>> -> memref<80x16xf32, #tpu.memory_space<hbm>>
        %dma_start3A_121 = arith.constant 0 : i32
        %dma_start3A_122 = tpu.memref_slice %arg6[%add3A_118, %dma_start3A_121] : memref<64000x16xf32, #tpu.memory_space<hbm>> -> memref<80x16xf32, #tpu.memory_space<hbm>>
        tpu.enqueue_dma source(%arg12 : memref<80x16xf32, #tpu.memory_space<vmem>>) target(%dma_start3A_122 : memref<80x16xf32, #tpu.memory_space<hbm>>) target_semaphore(%run_scoped3A : memref<!tpu.dma_semaphore, #tpu.memory_space<semaphore_mem>>)
        %dma_wait3A_123 = arith.constant 0 : i32
        %dma_wait3A_124 = tpu.memref_slice %arg6[%add3A_118, %dma_wait3A_123] : memref<64000x16xf32, #tpu.memory_space<hbm>> -> memref<80x16xf32, #tpu.memory_space<hbm>>
        %dma_wait3A_125 = arith.constant 0 : i32
        %dma_wait3A_126 = tpu.memref_slice %arg6[%add3A_118, %dma_wait3A_125] : memref<64000x16xf32, #tpu.memory_space<hbm>> -> memref<80x16xf32, #tpu.memory_space<hbm>>
        tpu.wait_dma2 semaphore(%run_scoped3A : memref<!tpu.dma_semaphore, #tpu.memory_space<semaphore_mem>>) src(%arg12 : memref<80x16xf32, #tpu.memory_space<vmem>>) dst(%dma_wait3A_126 : memref<80x16xf32, #tpu.memory_space<hbm>>)
        tpu.yield
      }) : () -> ()
    }
    %scan3A_16 = arith.constant 12 : i32
    %dma_wait3A = arith.constant 0 : i32
    %dma_wait3A_17 = arith.constant 0 : i32
    %dma_wait3A_18 = tpu.memref_slice %arg2[%dma_wait3A, %dma_wait3A_17] : memref<10000x128xf32, #tpu.memory_space<hbm>> -> memref<80x128xf32, #tpu.memory_space<hbm>>
    %dma_wait3A_19 = arith.constant 0 : i32
    %dma_wait3A_20 = arith.constant 0 : i32
    %dma_wait3A_21 = tpu.memref_slice %arg2[%dma_wait3A_19, %dma_wait3A_20] : memref<10000x128xf32, #tpu.memory_space<hbm>> -> memref<80x128xf32, #tpu.memory_space<hbm>>
    tpu.wait_dma2 semaphore(%arg13 : memref<!tpu.dma_semaphore, #tpu.memory_space<semaphore_mem>>) src(%dma_wait3A_21 : memref<80x128xf32, #tpu.memory_space<hbm>>) dst(%arg8 : memref<80x128xf32, #tpu.memory_space<vmem>>)
    %dma_wait3A_22 = arith.constant 0 : i32
    %dma_wait3A_23 = arith.constant 0 : i32
    %dma_wait3A_24 = tpu.memref_slice %arg3[%dma_wait3A_22, %dma_wait3A_23] : memref<10000x128xf32, #tpu.memory_space<hbm>> -> memref<80x128xf32, #tpu.memory_space<hbm>>
    %dma_wait3A_25 = arith.constant 0 : i32
    %dma_wait3A_26 = arith.constant 0 : i32
    %dma_wait3A_27 = tpu.memref_slice %arg3[%dma_wait3A_25, %dma_wait3A_26] : memref<10000x128xf32, #tpu.memory_space<hbm>> -> memref<80x128xf32, #tpu.memory_space<hbm>>
    tpu.wait_dma2 semaphore(%arg14 : memref<!tpu.dma_semaphore, #tpu.memory_space<semaphore_mem>>) src(%dma_wait3A_27 : memref<80x128xf32, #tpu.memory_space<hbm>>) dst(%arg9 : memref<80x128xf32, #tpu.memory_space<vmem>>)
    %scan3A_28 = arith.constant 0 : i32
    %scan3A_29 = arith.constant 0 : i32
    %scan3A_30 = arith.constant 80 : i32
    %scan3A_31 = arith.addi %scan3A_29, %scan3A_30 : i32
    %scan3A_32 = arith.constant 1 : i32
    scf.for %scan3A_38 = %scan3A_29 to %scan3A_31 step %scan3A_32  : i32 {
      %get3A = arith.index_cast %scan3A_38 : i32 to index
      %get3A_39 = arith.constant 0 : index
      %get3A_40 = tpu.vector_load %arg9[%get3A, %get3A_39] {strides = array<i32>} : memref<80x128xf32, #tpu.memory_space<vmem>>, vector<1x16xf32>,
      %get3A_41 = vector.shape_cast %get3A_40 : vector<1x16xf32> to vector<16xf32>
      %swap3A = arith.index_cast %scan3A_38 : i32 to index
      %swap3A_42 = arith.constant 0 : index
      %swap3A_43 = tpu.vector_load %arg12[%swap3A, %swap3A_42] {strides = array<i32>} : memref<80x16xf32, #tpu.memory_space<vmem>>, vector<1x16xf32>,
      %swap3A_44 = vector.shape_cast %swap3A_43 : vector<1x16xf32> to vector<16xf32>
      %swap3A_45 = vector.shape_cast %get3A_41 : vector<16xf32> to vector<1x16xf32>
      tpu.vector_store %arg12[%swap3A, %swap3A_42], %swap3A_45 {strides = array<i32>} : memref<80x16xf32, #tpu.memory_space<vmem>>, vector<1x16xf32>,
    }
    %scan3A_33 = arith.constant 80 : i32
    %add3A_34 = arith.constant 1920 : i32
    %add3A_35 = arith.addi %mul3A_2, %add3A_34 : i32
    "tpu.region"() ({
      %run_scoped3A = tpu.sem_alloc : memref<!tpu.dma_semaphore, #tpu.memory_space<semaphore_mem>>
      %dma_start3A_38 = arith.constant 0 : i32
      %dma_start3A_39 = tpu.memref_slice %arg5[%add3A_35, %dma_start3A_38] : memref<64000x128xf32, #tpu.memory_space<hbm>> -> memref<80x128xf32, #tpu.memory_space<hbm>>
      %dma_start3A_40 = arith.constant 0 : i32
      %dma_start3A_41 = tpu.memref_slice %arg5[%add3A_35, %dma_start3A_40] : memref<64000x128xf32, #tpu.memory_space<hbm>> -> memref<80x128xf32, #tpu.memory_space<hbm>>
      tpu.enqueue_dma source(%arg8 : memref<80x128xf32, #tpu.memory_space<vmem>>) target(%dma_start3A_41 : memref<80x128xf32, #tpu.memory_space<hbm>>) target_semaphore(%run_scoped3A : memref<!tpu.dma_semaphore, #tpu.memory_space<semaphore_mem>>)
      %dma_wait3A_42 = arith.constant 0 : i32
      %dma_wait3A_43 = tpu.memref_slice %arg5[%add3A_35, %dma_wait3A_42] : memref<64000x128xf32, #tpu.memory_space<hbm>> -> memref<80x128xf32, #tpu.memory_space<hbm>>
      %dma_wait3A_44 = arith.constant 0 : i32
      %dma_wait3A_45 = tpu.memref_slice %arg5[%add3A_35, %dma_wait3A_44] : memref<64000x128xf32, #tpu.memory_space<hbm>> -> memref<80x128xf32, #tpu.memory_space<hbm>>
      tpu.wait_dma2 semaphore(%run_scoped3A : memref<!tpu.dma_semaphore, #tpu.memory_space<semaphore_mem>>) src(%arg8 : memref<80x128xf32, #tpu.memory_space<vmem>>) dst(%dma_wait3A_45 : memref<80x128xf32, #tpu.memory_space<hbm>>)
      tpu.yield
    }) : () -> ()
    %add3A_36 = arith.constant 1920 : i32
    %add3A_37 = arith.addi %mul3A_2, %add3A_36 : i32
    "tpu.region"() ({
      %run_scoped3A = tpu.sem_alloc : memref<!tpu.dma_semaphore, #tpu.memory_space<semaphore_mem>>
      %dma_start3A_38 = arith.constant 0 : i32
      %dma_start3A_39 = tpu.memref_slice %arg6[%add3A_37, %dma_start3A_38] : memref<64000x16xf32, #tpu.memory_space<hbm>> -> memref<80x16xf32, #tpu.memory_space<hbm>>
      %dma_start3A_40 = arith.constant 0 : i32
      %dma_start3A_41 = tpu.memref_slice %arg6[%add3A_37, %dma_start3A_40] : memref<64000x16xf32, #tpu.memory_space<hbm>> -> memref<80x16xf32, #tpu.memory_space<hbm>>
      tpu.enqueue_dma source(%arg12 : memref<80x16xf32, #tpu.memory_space<vmem>>) target(%dma_start3A_41 : memref<80x16xf32, #tpu.memory_space<hbm>>) target_semaphore(%run_scoped3A : memref<!tpu.dma_semaphore, #tpu.memory_space<semaphore_mem>>)
      %dma_wait3A_42 = arith.constant 0 : i32
      %dma_wait3A_43 = tpu.memref_slice %arg6[%add3A_37, %dma_wait3A_42] : memref<64000x16xf32, #tpu.memory_space<hbm>> -> memref<80x16xf32, #tpu.memory_space<hbm>>
      %dma_wait3A_44 = arith.constant 0 : i32
      %dma_wait3A_45 = tpu.memref_slice %arg6[%add3A_37, %dma_wait3A_44] : memref<64000x16xf32, #tpu.memory_space<hbm>> -> memref<80x16xf32, #tpu.memory_space<hbm>>
      tpu.wait_dma2 semaphore(%run_scoped3A : memref<!tpu.dma_semaphore, #tpu.memory_space<semaphore_mem>>) src(%arg12 : memref<80x16xf32, #tpu.memory_space<vmem>>) dst(%dma_wait3A_45 : memref<80x16xf32, #tpu.memory_space<hbm>>)
      tpu.yield
    }) : () -> ()
    return
  }
}

module attributes {stable_mosaic.version = 14 : i64} {
  func.func @_tc_body(%arg0: i32, %arg1: memref<80x128xf32, #tpu.memory_space<vmem>>, %arg2: memref<2560x128xf32, #tpu.memory_space<vmem>>, %arg3: memref<2560x16xf32, #tpu.memory_space<vmem>>, %arg4: memref<80x16xf32, #tpu.memory_space<vmem>>, %arg5: memref<2560x80xf32, #tpu.memory_space<vmem>>, %arg6: memref<1x5x512xi32, #tpu.memory_space<vmem>>, %arg7: memref<16x48xf32, #tpu.memory_space<vmem>>, %arg8: memref<16x48xf32, #tpu.memory_space<vmem>>, %arg9: memref<48x16xf32, #tpu.memory_space<vmem>>, %arg10: memref<48x128xf32, #tpu.memory_space<vmem>>, %arg11: memref<1x16xf32, #tpu.memory_space<vmem>>, %arg12: memref<128x128xf32, #tpu.memory_space<vmem>>, %arg13: memref<1x128xf32, #tpu.memory_space<vmem>>, %arg14: memref<128x512xf32, #tpu.memory_space<vmem>>, %arg15: memref<1x512xf32, #tpu.memory_space<vmem>>, %arg16: memref<16x128xf32, #tpu.memory_space<vmem>>, %arg17: memref<1x128xf32, #tpu.memory_space<vmem>>, %arg18: memref<128x128xf32, #tpu.memory_space<vmem>>, %arg19: memref<1x128xf32, #tpu.memory_space<vmem>>, %arg20: memref<128x128xf32, #tpu.memory_space<vmem>>, %arg21: memref<1x128xf32, #tpu.memory_space<vmem>>, %arg22: memref<128x128xf32, #tpu.memory_space<vmem>>, %arg23: memref<1x128xf32, #tpu.memory_space<vmem>>, %arg24: memref<128x128xf32, #tpu.memory_space<vmem>>, %arg25: memref<1x128xf32, #tpu.memory_space<vmem>>, %arg26: memref<128x128xf32, #tpu.memory_space<vmem>>, %arg27: memref<1x128xf32, #tpu.memory_space<vmem>>, %arg28: memref<512x128xf32, #tpu.memory_space<vmem>>, %arg29: memref<1x128xf32, #tpu.memory_space<vmem>>, %arg30: memref<128x128xf32, #tpu.memory_space<vmem>>, %arg31: memref<1x128xf32, #tpu.memory_space<vmem>>, %arg32: memref<1x128xf32, #tpu.memory_space<vmem>>, %arg33: memref<1x128xf32, #tpu.memory_space<vmem>>, %arg34: memref<80x128xf32, #tpu.memory_space<vmem>>) attributes {dimension_semantics = [#tpu.dimension_semantics<arbitrary>], iteration_bounds = array<i64: 25>, scalar_prefetch = 0 : i64, scratch_operands = 0 : i64, tpu.core_type = #tpu.core_type<tc>, window_params = [{transform_indices = @transform_0, window_bounds = array<i64: 80, 128>}, {transform_indices = @transform_1, window_bounds = array<i64: 2560, 128>}, {transform_indices = @transform_2, window_bounds = array<i64: 2560, 16>}, {transform_indices = @transform_3, window_bounds = array<i64: 80, 16>}, {pipeline_mode = #tpu.pipeline_mode<synchronous>, transform_indices = @transform_4, window_bounds = array<i64: 2560, 80>}, {transform_indices = @transform_5, window_bounds = array<i64: 1, 5, 512>}, {pipeline_mode = #tpu.pipeline_mode<synchronous>, transform_indices = @transform_6, window_bounds = array<i64: 16, 48>}, {pipeline_mode = #tpu.pipeline_mode<synchronous>, transform_indices = @transform_7, window_bounds = array<i64: 16, 48>}, {pipeline_mode = #tpu.pipeline_mode<synchronous>, transform_indices = @transform_8, window_bounds = array<i64: 48, 16>}, {pipeline_mode = #tpu.pipeline_mode<synchronous>, transform_indices = @transform_9, window_bounds = array<i64: 48, 128>}, {pipeline_mode = #tpu.pipeline_mode<synchronous>, transform_indices = @transform_10, window_bounds = array<i64: 1, 16>}, {pipeline_mode = #tpu.pipeline_mode<synchronous>, transform_indices = @transform_11, window_bounds = array<i64: 128, 128>}, {pipeline_mode = #tpu.pipeline_mode<synchronous>, transform_indices = @transform_12, window_bounds = array<i64: 1, 128>}, {pipeline_mode = #tpu.pipeline_mode<synchronous>, transform_indices = @transform_13, window_bounds = array<i64: 128, 512>}, {pipeline_mode = #tpu.pipeline_mode<synchronous>, transform_indices = @transform_14, window_bounds = array<i64: 1, 512>}, {pipeline_mode = #tpu.pipeline_mode<synchronous>, transform_indices = @transform_15, window_bounds = array<i64: 16, 128>}, {pipeline_mode = #tpu.pipeline_mode<synchronous>, transform_indices = @transform_16, window_bounds = array<i64: 1, 128>}, {pipeline_mode = #tpu.pipeline_mode<synchronous>, transform_indices = @transform_17, window_bounds = array<i64: 128, 128>}, {pipeline_mode = #tpu.pipeline_mode<synchronous>, transform_indices = @transform_18, window_bounds = array<i64: 1, 128>}, {pipeline_mode = #tpu.pipeline_mode<synchronous>, transform_indices = @transform_19, window_bounds = array<i64: 128, 128>}, {pipeline_mode = #tpu.pipeline_mode<synchronous>, transform_indices = @transform_20, window_bounds = array<i64: 1, 128>}, {pipeline_mode = #tpu.pipeline_mode<synchronous>, transform_indices = @transform_21, window_bounds = array<i64: 128, 128>}, {pipeline_mode = #tpu.pipeline_mode<synchronous>, transform_indices = @transform_22, window_bounds = array<i64: 1, 128>}, {pipeline_mode = #tpu.pipeline_mode<synchronous>, transform_indices = @transform_23, window_bounds = array<i64: 128, 128>}, {pipeline_mode = #tpu.pipeline_mode<synchronous>, transform_indices = @transform_24, window_bounds = array<i64: 1, 128>}, {pipeline_mode = #tpu.pipeline_mode<synchronous>, transform_indices = @transform_25, window_bounds = array<i64: 128, 128>}, {pipeline_mode = #tpu.pipeline_mode<synchronous>, transform_indices = @transform_26, window_bounds = array<i64: 1, 128>}, {pipeline_mode = #tpu.pipeline_mode<synchronous>, transform_indices = @transform_27, window_bounds = array<i64: 512, 128>}, {pipeline_mode = #tpu.pipeline_mode<synchronous>, transform_indices = @transform_28, window_bounds = array<i64: 1, 128>}, {pipeline_mode = #tpu.pipeline_mode<synchronous>, transform_indices = @transform_29, window_bounds = array<i64: 128, 128>}, {pipeline_mode = #tpu.pipeline_mode<synchronous>, transform_indices = @transform_30, window_bounds = array<i64: 1, 128>}, {pipeline_mode = #tpu.pipeline_mode<synchronous>, transform_indices = @transform_31, window_bounds = array<i64: 1, 128>}, {pipeline_mode = #tpu.pipeline_mode<synchronous>, transform_indices = @transform_32, window_bounds = array<i64: 1, 128>}, {transform_indices = @transform_33, window_bounds = array<i64: 80, 128>}]} {
    %get3A = arith.constant 0 : index
    %get3A_0 = arith.constant 0 : index
    %get3A_1 = vector.load %arg1[%get3A, %get3A_0] : memref<80x128xf32, #tpu.memory_space<vmem>>, vector<80x128xf32>
    %get3A_2 = arith.constant 0 : index
    %get3A_3 = arith.constant 0 : index
    %get3A_4 = vector.load %arg12[%get3A_2, %get3A_3] : memref<128x128xf32, #tpu.memory_space<vmem>>, vector<128x128xf32>
    %dot_general3A = arith.constant dense<0.000000e+00> : vector<80x128xf32>
    %dot_general3A_5 = tpu.matmul %get3A_1, %get3A_4, %dot_general3A {dimension_numbers = #tpu.dot_dimension_numbers<[1], [0], [0], [1], [0, 0, 1, 1], [], []>, transpose_lhs_hint = false} : vector<80x128xf32>, vector<128x128xf32>, vector<80x128xf32> -> vector<80x128xf32>
    %get3A_6 = arith.constant 0 : index
    %get3A_7 = arith.constant 0 : index
    %get3A_8 = vector.load %arg13[%get3A_6, %get3A_7] : memref<1x128xf32, #tpu.memory_space<vmem>>, vector<1x128xf32>
    %add3A = vector.broadcast %get3A_8 : vector<1x128xf32> to vector<80x128xf32>
    %add3A_9 = arith.addf %dot_general3A_5, %add3A : vector<80x128xf32>
    %gt3A = arith.constant 0.000000e+00 : f32
    %gt3A_10 = vector.broadcast %gt3A : f32 to vector<80x128xf32>
    %gt3A_11 = arith.cmpf ogt, %add3A_9, %gt3A_10 : vector<80x128xf32>
    %min3A = arith.constant 0.000000e+00 : f32
    %min3A_12 = vector.broadcast %min3A : f32 to vector<80x128xf32>
    %min3A_13 = arith.minimumf %add3A_9, %min3A_12 : vector<80x128xf32>
    %exp3A = math.exp %min3A_13 : vector<80x128xf32>
    %sub3A = arith.constant 1.000000e+00 : f32
    %sub3A_14 = vector.broadcast %sub3A : f32 to vector<80x128xf32>
    %sub3A_15 = arith.subf %exp3A, %sub3A_14 : vector<80x128xf32>
    %select_n3A = arith.select %gt3A_11, %add3A_9, %sub3A_15 : vector<80x128xi1>, vector<80x128xf32>
    %get3A_16 = arith.constant 0 : index
    %get3A_17 = arith.constant 0 : index
    %get3A_18 = vector.load %arg14[%get3A_16, %get3A_17] : memref<128x512xf32, #tpu.memory_space<vmem>>, vector<128x512xf32>
    %dot_general3A_19 = arith.constant dense<0.000000e+00> : vector<80x512xf32>
    %dot_general3A_20 = tpu.matmul %select_n3A, %get3A_18, %dot_general3A_19 {dimension_numbers = #tpu.dot_dimension_numbers<[1], [0], [0], [1], [0, 0, 1, 1], [], []>, transpose_lhs_hint = false} : vector<80x128xf32>, vector<128x512xf32>, vector<80x512xf32> -> vector<80x512xf32>
    %get3A_21 = arith.constant 0 : index
    %get3A_22 = arith.constant 0 : index
    %get3A_23 = vector.load %arg15[%get3A_21, %get3A_22] : memref<1x512xf32, #tpu.memory_space<vmem>>, vector<1x512xf32>
    %add3A_24 = vector.broadcast %get3A_23 : vector<1x512xf32> to vector<80x512xf32>
    %add3A_25 = arith.addf %dot_general3A_20, %add3A_24 : vector<80x512xf32>
    %mul3A = arith.constant 0.0883883461 : f32
    %mul3A_26 = vector.broadcast %mul3A : f32 to vector<80x512xf32>
    %mul3A_27 = arith.mulf %add3A_25, %mul3A_26 : vector<80x512xf32>
    %get3A_28 = arith.constant 0 : index
    %get3A_29 = arith.constant 0 : index
    %get3A_30 = vector.load %arg4[%get3A_28, %get3A_29] : memref<80x16xf32, #tpu.memory_space<vmem>>, vector<80x16xf32>
    %get3A_31 = arith.constant 0 : index
    %get3A_32 = arith.constant 0 : index
    %get3A_33 = vector.load %arg5[%get3A_31, %get3A_32] : memref<2560x80xf32, #tpu.memory_space<vmem>>, vector<2560x80xf32>
    %dot_general3A_34 = arith.constant dense<0.000000e+00> : vector<2560x16xf32>
    %dot_general3A_35 = tpu.matmul %get3A_33, %get3A_30, %dot_general3A_34 {dimension_numbers = #tpu.dot_dimension_numbers<[1], [0], [0], [1], [0, 0, 1, 1], [], []>, transpose_lhs_hint = false} : vector<2560x80xf32>, vector<80x16xf32>, vector<2560x16xf32> -> vector<2560x16xf32>
    %get3A_36 = arith.constant 0 : index
    %get3A_37 = arith.constant 0 : index
    %get3A_38 = vector.load %arg3[%get3A_36, %get3A_37] : memref<2560x16xf32, #tpu.memory_space<vmem>>, vector<2560x16xf32>
    %get3A_39 = arith.constant 0 : index
    %get3A_40 = arith.constant 0 : index
    %get3A_41 = vector.load %arg11[%get3A_39, %get3A_40] : memref<1x16xf32, #tpu.memory_space<vmem>>, vector<1x16xf32>
    %mul3A_42 = vector.broadcast %get3A_41 : vector<1x16xf32> to vector<2560x16xf32>
    %mul3A_43 = arith.mulf %dot_general3A_35, %mul3A_42 : vector<2560x16xf32>
    %sub3A_44 = arith.subf %get3A_38, %mul3A_43 : vector<2560x16xf32>
    %get3A_45 = arith.constant 0 : index
    %get3A_46 = arith.constant 0 : index
    %get3A_47 = vector.load %arg7[%get3A_45, %get3A_46] : memref<16x48xf32, #tpu.memory_space<vmem>>, vector<16x48xf32>
    %dot_general3A_48 = arith.constant dense<0.000000e+00> : vector<2560x48xf32>
    %dot_general3A_49 = tpu.matmul %dot_general3A_35, %get3A_47, %dot_general3A_48 {dimension_numbers = #tpu.dot_dimension_numbers<[1], [0], [0], [1], [0, 0, 1, 1], [], []>, transpose_lhs_hint = false} : vector<2560x16xf32>, vector<16x48xf32>, vector<2560x48xf32> -> vector<2560x48xf32>
    %get3A_50 = arith.constant 0 : index
    %get3A_51 = arith.constant 0 : index
    %get3A_52 = vector.load %arg8[%get3A_50, %get3A_51] : memref<16x48xf32, #tpu.memory_space<vmem>>, vector<16x48xf32>
    %dot_general3A_53 = arith.constant dense<0.000000e+00> : vector<2560x48xf32>
    %dot_general3A_54 = tpu.matmul %sub3A_44, %get3A_52, %dot_general3A_53 {dimension_numbers = #tpu.dot_dimension_numbers<[1], [0], [0], [1], [0, 0, 1, 1], [], []>, transpose_lhs_hint = false} : vector<2560x16xf32>, vector<16x48xf32>, vector<2560x48xf32> -> vector<2560x48xf32>
    %mul3A_55 = arith.mulf %dot_general3A_49, %dot_general3A_54 : vector<2560x48xf32>
    %get3A_56 = arith.constant 0 : index
    %get3A_57 = arith.constant 0 : index
    %get3A_58 = vector.load %arg9[%get3A_56, %get3A_57] : memref<48x16xf32, #tpu.memory_space<vmem>>, vector<48x16xf32>
    %dot_general3A_59 = arith.constant dense<0.000000e+00> : vector<2560x16xf32>
    %dot_general3A_60 = tpu.matmul %mul3A_55, %get3A_58, %dot_general3A_59 {dimension_numbers = #tpu.dot_dimension_numbers<[1], [0], [0], [1], [0, 0, 1, 1], [], []>, transpose_lhs_hint = false} : vector<2560x48xf32>, vector<48x16xf32>, vector<2560x16xf32> -> vector<2560x16xf32>
    %get3A_61 = arith.constant 0 : index
    %get3A_62 = arith.constant 0 : index
    %get3A_63 = vector.load %arg16[%get3A_61, %get3A_62] : memref<16x128xf32, #tpu.memory_space<vmem>>, vector<16x128xf32>
    %dot_general3A_64 = arith.constant dense<0.000000e+00> : vector<2560x128xf32>
    %dot_general3A_65 = tpu.matmul %dot_general3A_60, %get3A_63, %dot_general3A_64 {dimension_numbers = #tpu.dot_dimension_numbers<[1], [0], [0], [1], [0, 0, 1, 1], [], []>, transpose_lhs_hint = false} : vector<2560x16xf32>, vector<16x128xf32>, vector<2560x128xf32> -> vector<2560x128xf32>
    %get3A_66 = arith.constant 0 : index
    %get3A_67 = arith.constant 0 : index
    %get3A_68 = vector.load %arg17[%get3A_66, %get3A_67] : memref<1x128xf32, #tpu.memory_space<vmem>>, vector<1x128xf32>
    %add3A_69 = vector.broadcast %get3A_68 : vector<1x128xf32> to vector<2560x128xf32>
    %add3A_70 = arith.addf %dot_general3A_65, %add3A_69 : vector<2560x128xf32>
    %mul3A_71 = arith.mulf %dot_general3A_54, %dot_general3A_54 : vector<2560x48xf32>
    %get3A_72 = arith.constant 0 : index
    %get3A_73 = arith.constant 0 : index
    %get3A_74 = vector.load %arg10[%get3A_72, %get3A_73] : memref<48x128xf32, #tpu.memory_space<vmem>>, vector<48x128xf32>
    %dot_general3A_75 = arith.constant dense<0.000000e+00> : vector<2560x128xf32>
    %dot_general3A_76 = tpu.matmul %mul3A_71, %get3A_74, %dot_general3A_75 {dimension_numbers = #tpu.dot_dimension_numbers<[1], [0], [0], [1], [0, 0, 1, 1], [], []>, transpose_lhs_hint = false} : vector<2560x48xf32>, vector<48x128xf32>, vector<2560x128xf32> -> vector<2560x128xf32>
    %exp3A_77 = math.exp %dot_general3A_76 : vector<2560x128xf32>
    %gt3A_78 = arith.constant 0.000000e+00 : f32
    %gt3A_79 = vector.broadcast %gt3A_78 : f32 to vector<2560x128xf32>
    %gt3A_80 = arith.cmpf ogt, %add3A_70, %gt3A_79 : vector<2560x128xf32>
    %min3A_81 = arith.constant 0.000000e+00 : f32
    %min3A_82 = vector.broadcast %min3A_81 : f32 to vector<2560x128xf32>
    %min3A_83 = arith.minimumf %add3A_70, %min3A_82 : vector<2560x128xf32>
    %exp3A_84 = math.exp %min3A_83 : vector<2560x128xf32>
    %sub3A_85 = arith.constant 1.000000e+00 : f32
    %sub3A_86 = vector.broadcast %sub3A_85 : f32 to vector<2560x128xf32>
    %sub3A_87 = arith.subf %exp3A_84, %sub3A_86 : vector<2560x128xf32>
    %select_n3A_88 = arith.select %gt3A_80, %add3A_70, %sub3A_87 : vector<2560x128xi1>, vector<2560x128xf32>
    %get3A_89 = arith.constant 0 : index
    %get3A_90 = arith.constant 0 : index
    %get3A_91 = vector.load %arg18[%get3A_89, %get3A_90] : memref<128x128xf32, #tpu.memory_space<vmem>>, vector<128x128xf32>
    %dot_general3A_92 = arith.constant dense<0.000000e+00> : vector<2560x128xf32>
    %dot_general3A_93 = tpu.matmul %select_n3A_88, %get3A_91, %dot_general3A_92 {dimension_numbers = #tpu.dot_dimension_numbers<[1], [0], [0], [1], [0, 0, 1, 1], [], []>, transpose_lhs_hint = false} : vector<2560x128xf32>, vector<128x128xf32>, vector<2560x128xf32> -> vector<2560x128xf32>
    %get3A_94 = arith.constant 0 : index
    %get3A_95 = arith.constant 0 : index
    %get3A_96 = vector.load %arg19[%get3A_94, %get3A_95] : memref<1x128xf32, #tpu.memory_space<vmem>>, vector<1x128xf32>
    %add3A_97 = vector.broadcast %get3A_96 : vector<1x128xf32> to vector<2560x128xf32>
    %add3A_98 = arith.addf %dot_general3A_93, %add3A_97 : vector<2560x128xf32>
    %mul3A_99 = arith.mulf %add3A_98, %exp3A_77 : vector<2560x128xf32>
    %get3A_100 = arith.constant 0 : index
    %get3A_101 = arith.constant 0 : index
    %get3A_102 = vector.load %arg2[%get3A_100, %get3A_101] : memref<2560x128xf32, #tpu.memory_space<vmem>>, vector<2560x128xf32>
    %mul3A_103 = arith.mulf %mul3A_99, %get3A_102 : vector<2560x128xf32>
    %iota3A = tpu.iota {dimensions = array<i32: 0>} : vector<64x512xi32>
    %iota3A_104 = tpu.iota {dimensions = array<i32: 1>} : vector<64x512xi32>
    %jit3A = arith.constant 16 : i32
    %eq3A = arith.constant 0 : i32
    %eq3A_105 = arith.cmpi eq, %jit3A, %eq3A : i32
    %jit3A_106 = arith.constant 1 : i32
    %select_n3A_107 = arith.select %eq3A_105, %jit3A_106, %jit3A : i32
    %rem3A = vector.broadcast %select_n3A_107 : i32 to vector<64x512xi32>
    %rem3A_108 = arith.remsi %iota3A, %rem3A : vector<64x512xi32>
    %ne3A = arith.constant 0 : i32
    %ne3A_109 = vector.broadcast %ne3A : i32 to vector<64x512xi32>
    %ne3A_110 = arith.cmpi ne, %rem3A_108, %ne3A_109 : vector<64x512xi32>
    %lt3A = arith.constant 0 : i32
    %lt3A_111 = vector.broadcast %lt3A : i32 to vector<64x512xi32>
    %lt3A_112 = arith.cmpi slt, %rem3A_108, %lt3A_111 : vector<64x512xi32>
    %lt3A_113 = arith.constant 0 : i32
    %lt3A_114 = arith.cmpi slt, %select_n3A_107, %lt3A_113 : i32
    %ne3A_115 = vector.broadcast %lt3A_114 : i1 to vector<64x512xi1>
    %ne3A_116 = vector.broadcast %ne3A_115 : vector<64x512xi1> to vector<64x512xi1>
    %ne3A_117 = arith.xori %lt3A_112, %ne3A_116 : vector<64x512xi1>
    %and3A = arith.andi %ne3A_117, %ne3A_110 : vector<64x512xi1>
    %add3A_118 = vector.broadcast %select_n3A_107 : i32 to vector<64x512xi32>
    %add3A_119 = arith.addi %rem3A_108, %add3A_118 : vector<64x512xi32>
    %select_n3A_120 = arith.select %and3A, %add3A_119, %rem3A_108 : vector<64x512xi1>, vector<64x512xi32>
    %jit3A_121 = arith.constant 32 : i32
    %div3A = vector.broadcast %jit3A_121 : i32 to vector<64x512xi32>
    %div3A_122 = arith.divsi %iota3A_104, %div3A : vector<64x512xi32>
    %sign3A = arith.constant 0 : i32
    %sign3A_123 = vector.broadcast %sign3A : i32 to vector<64x512xi32>
    %sign3A_124 = arith.cmpi sgt, %iota3A_104, %sign3A_123 : vector<64x512xi32>
    %sign3A_125 = arith.extui %sign3A_124 : vector<64x512xi1> to vector<64x512xi32>
    %sign3A_126 = arith.constant 0 : i32
    %sign3A_127 = vector.broadcast %sign3A_126 : i32 to vector<64x512xi32>
    %sign3A_128 = arith.cmpi slt, %iota3A_104, %sign3A_127 : vector<64x512xi32>
    %sign3A_129 = arith.extui %sign3A_128 : vector<64x512xi1> to vector<64x512xi32>
    %sign3A_130 = arith.subi %sign3A_125, %sign3A_129 : vector<64x512xi32>
    %sign3A_131 = arith.constant 0 : i32
    %sign3A_132 = arith.cmpi sgt, %jit3A_121, %sign3A_131 : i32
    %sign3A_133 = arith.extui %sign3A_132 : i1 to i32
    %sign3A_134 = arith.constant 0 : i32
    %sign3A_135 = arith.cmpi slt, %jit3A_121, %sign3A_134 : i32
    %sign3A_136 = arith.extui %sign3A_135 : i1 to i32
    %sign3A_137 = arith.subi %sign3A_133, %sign3A_136 : i32
    %ne3A_138 = vector.broadcast %sign3A_137 : i32 to vector<64x512xi32>
    %ne3A_139 = arith.cmpi ne, %sign3A_130, %ne3A_138 : vector<64x512xi32>
    %rem3A_140 = vector.broadcast %jit3A_121 : i32 to vector<64x512xi32>
    %rem3A_141 = arith.remsi %iota3A_104, %rem3A_140 : vector<64x512xi32>
    %ne3A_142 = arith.constant 0 : i32
    %ne3A_143 = vector.broadcast %ne3A_142 : i32 to vector<64x512xi32>
    %ne3A_144 = arith.cmpi ne, %rem3A_141, %ne3A_143 : vector<64x512xi32>
    %and3A_145 = arith.andi %ne3A_139, %ne3A_144 : vector<64x512xi1>
    %sub3A_146 = arith.constant 1 : i32
    %sub3A_147 = vector.broadcast %sub3A_146 : i32 to vector<64x512xi32>
    %sub3A_148 = arith.subi %div3A_122, %sub3A_147 : vector<64x512xi32>
    %select_n3A_149 = arith.select %and3A_145, %sub3A_148, %div3A_122 : vector<64x512xi1>, vector<64x512xi32>
    %eq3A_150 = arith.cmpi eq, %select_n3A_120, %select_n3A_149 : vector<64x512xi32>
    %get3A_151 = arith.constant 0 : index
    %get3A_152 = arith.constant 0 : index
    %get3A_153 = vector.load %arg20[%get3A_151, %get3A_152] : memref<128x128xf32, #tpu.memory_space<vmem>>, vector<128x128xf32>
    %dot_general3A_154 = arith.constant dense<0.000000e+00> : vector<2560x128xf32>
    %dot_general3A_155 = tpu.matmul %mul3A_103, %get3A_153, %dot_general3A_154 {dimension_numbers = #tpu.dot_dimension_numbers<[1], [0], [0], [1], [0, 0, 1, 1], [], []>, transpose_lhs_hint = false} : vector<2560x128xf32>, vector<128x128xf32>, vector<2560x128xf32> -> vector<2560x128xf32>
    %get3A_156 = arith.constant 0 : index
    %get3A_157 = arith.constant 0 : index
    %get3A_158 = vector.load %arg21[%get3A_156, %get3A_157] : memref<1x128xf32, #tpu.memory_space<vmem>>, vector<1x128xf32>
    %add3A_159 = vector.broadcast %get3A_158 : vector<1x128xf32> to vector<2560x128xf32>
    %add3A_160 = arith.addf %dot_general3A_155, %add3A_159 : vector<2560x128xf32>
    %gt3A_161 = arith.constant 0.000000e+00 : f32
    %gt3A_162 = vector.broadcast %gt3A_161 : f32 to vector<2560x128xf32>
    %gt3A_163 = arith.cmpf ogt, %add3A_160, %gt3A_162 : vector<2560x128xf32>
    %min3A_164 = arith.constant 0.000000e+00 : f32
    %min3A_165 = vector.broadcast %min3A_164 : f32 to vector<2560x128xf32>
    %min3A_166 = arith.minimumf %add3A_160, %min3A_165 : vector<2560x128xf32>
    %exp3A_167 = math.exp %min3A_166 : vector<2560x128xf32>
    %sub3A_168 = arith.constant 1.000000e+00 : f32
    %sub3A_169 = vector.broadcast %sub3A_168 : f32 to vector<2560x128xf32>
    %sub3A_170 = arith.subf %exp3A_167, %sub3A_169 : vector<2560x128xf32>
    %select_n3A_171 = arith.select %gt3A_163, %add3A_160, %sub3A_170 : vector<2560x128xi1>, vector<2560x128xf32>
    %get3A_172 = arith.constant 0 : index
    %get3A_173 = arith.constant 0 : index
    %get3A_174 = vector.load %arg22[%get3A_172, %get3A_173] : memref<128x128xf32, #tpu.memory_space<vmem>>, vector<128x128xf32>
    %dot_general3A_175 = arith.constant dense<0.000000e+00> : vector<2560x128xf32>
    %dot_general3A_176 = tpu.matmul %select_n3A_171, %get3A_174, %dot_general3A_175 {dimension_numbers = #tpu.dot_dimension_numbers<[1], [0], [0], [1], [0, 0, 1, 1], [], []>, transpose_lhs_hint = false} : vector<2560x128xf32>, vector<128x128xf32>, vector<2560x128xf32> -> vector<2560x128xf32>
    %get3A_177 = arith.constant 0 : index
    %get3A_178 = arith.constant 0 : index
    %get3A_179 = vector.load %arg23[%get3A_177, %get3A_178] : memref<1x128xf32, #tpu.memory_space<vmem>>, vector<1x128xf32>
    %add3A_180 = vector.broadcast %get3A_179 : vector<1x128xf32> to vector<2560x128xf32>
    %add3A_181 = arith.addf %dot_general3A_176, %add3A_180 : vector<2560x128xf32>
    %get3A_182 = arith.constant 0 : index
    %get3A_183 = arith.constant 0 : index
    %get3A_184 = vector.load %arg24[%get3A_182, %get3A_183] : memref<128x128xf32, #tpu.memory_space<vmem>>, vector<128x128xf32>
    %dot_general3A_185 = arith.constant dense<0.000000e+00> : vector<2560x128xf32>
    %dot_general3A_186 = tpu.matmul %mul3A_103, %get3A_184, %dot_general3A_185 {dimension_numbers = #tpu.dot_dimension_numbers<[1], [0], [0], [1], [0, 0, 1, 1], [], []>, transpose_lhs_hint = false} : vector<2560x128xf32>, vector<128x128xf32>, vector<2560x128xf32> -> vector<2560x128xf32>
    %get3A_187 = arith.constant 0 : index
    %get3A_188 = arith.constant 0 : index
    %get3A_189 = vector.load %arg25[%get3A_187, %get3A_188] : memref<1x128xf32, #tpu.memory_space<vmem>>, vector<1x128xf32>
    %add3A_190 = vector.broadcast %get3A_189 : vector<1x128xf32> to vector<2560x128xf32>
    %add3A_191 = arith.addf %dot_general3A_186, %add3A_190 : vector<2560x128xf32>
    %gt3A_192 = arith.constant 0.000000e+00 : f32
    %gt3A_193 = vector.broadcast %gt3A_192 : f32 to vector<2560x128xf32>
    %gt3A_194 = arith.cmpf ogt, %add3A_191, %gt3A_193 : vector<2560x128xf32>
    %min3A_195 = arith.constant 0.000000e+00 : f32
    %min3A_196 = vector.broadcast %min3A_195 : f32 to vector<2560x128xf32>
    %min3A_197 = arith.minimumf %add3A_191, %min3A_196 : vector<2560x128xf32>
    %exp3A_198 = math.exp %min3A_197 : vector<2560x128xf32>
    %sub3A_199 = arith.constant 1.000000e+00 : f32
    %sub3A_200 = vector.broadcast %sub3A_199 : f32 to vector<2560x128xf32>
    %sub3A_201 = arith.subf %exp3A_198, %sub3A_200 : vector<2560x128xf32>
    %select_n3A_202 = arith.select %gt3A_194, %add3A_191, %sub3A_201 : vector<2560x128xi1>, vector<2560x128xf32>
    %get3A_203 = arith.constant 0 : index
    %get3A_204 = arith.constant 0 : index
    %get3A_205 = vector.load %arg26[%get3A_203, %get3A_204] : memref<128x128xf32, #tpu.memory_space<vmem>>, vector<128x128xf32>
    %dot_general3A_206 = arith.constant dense<0.000000e+00> : vector<2560x128xf32>
    %dot_general3A_207 = tpu.matmul %select_n3A_202, %get3A_205, %dot_general3A_206 {dimension_numbers = #tpu.dot_dimension_numbers<[1], [0], [0], [1], [0, 0, 1, 1], [], []>, transpose_lhs_hint = false} : vector<2560x128xf32>, vector<128x128xf32>, vector<2560x128xf32> -> vector<2560x128xf32>
    %get3A_208 = arith.constant 0 : index
    %get3A_209 = arith.constant 0 : index
    %get3A_210 = vector.load %arg27[%get3A_208, %get3A_209] : memref<1x128xf32, #tpu.memory_space<vmem>>, vector<1x128xf32>
    %add3A_211 = vector.broadcast %get3A_210 : vector<1x128xf32> to vector<2560x128xf32>
    %add3A_212 = arith.addf %dot_general3A_207, %add3A_211 : vector<2560x128xf32>
    %slice3A = vector.extract_strided_slice %mul3A_27 {offsets = [0, 0], sizes = [16, 512], strides = [1, 1]} : vector<80x512xf32> to vector<16x512xf32>
    %slice3A_213 = vector.extract_strided_slice %slice3A {offsets = [0, 0], sizes = [16, 128], strides = [1, 1]} : vector<16x512xf32> to vector<16x128xf32>
    %slice3A_214 = vector.extract_strided_slice %slice3A {offsets = [0, 128], sizes = [16, 128], strides = [1, 1]} : vector<16x512xf32> to vector<16x128xf32>
    %slice3A_215 = vector.extract_strided_slice %slice3A {offsets = [0, 256], sizes = [16, 128], strides = [1, 1]} : vector<16x512xf32> to vector<16x128xf32>
    %slice3A_216 = vector.extract_strided_slice %slice3A {offsets = [0, 384], sizes = [16, 128], strides = [1, 1]} : vector<16x512xf32> to vector<16x128xf32>
    %concatenate3A = tpu.concatenate %slice3A_213, %slice3A_214, %slice3A_215, %slice3A_216 in 0 : vector<16x128xf32>, vector<16x128xf32>, vector<16x128xf32>, vector<16x128xf32> -> vector<64x128xf32>
    %slice3A_217 = vector.extract_strided_slice %add3A_181 {offsets = [0, 0], sizes = [512, 128], strides = [1, 1]} : vector<2560x128xf32> to vector<512x128xf32>
    %slice3A_218 = vector.extract_strided_slice %add3A_212 {offsets = [0, 0], sizes = [512, 128], strides = [1, 1]} : vector<2560x128xf32> to vector<512x128xf32>
    %dot_general3A_219 = arith.constant dense<0.000000e+00> : vector<64x512xf32>
    %dot_general3A_220 = tpu.matmul %concatenate3A, %slice3A_217, %dot_general3A_219 {dimension_numbers = #tpu.dot_dimension_numbers<[1], [1], [0], [0], [0, 0, 1, 0], [], []>, transpose_lhs_hint = false} : vector<64x128xf32>, vector<512x128xf32>, vector<64x512xf32> -> vector<64x512xf32>
    %get3A_221 = arith.constant 0 : index
    %get3A_222 = arith.constant 0 : index
    %get3A_223 = arith.constant 0 : index
    %get3A_224 = vector.load %arg6[%get3A_221, %get3A_222, %get3A_223] : memref<1x5x512xi32, #tpu.memory_space<vmem>>, vector<1x1x512xi32>
    %get3A_225 = vector.shape_cast %get3A_224 : vector<1x1x512xi32> to vector<512xi32>
    %broadcast_in_dim3A = vector.shape_cast %get3A_225 : vector<512xi32> to vector<1x512xi32>
    %ne3A_226 = arith.constant 0 : i32
    %ne3A_227 = vector.broadcast %ne3A_226 : i32 to vector<1x512xi32>
    %ne3A_228 = arith.cmpi ne, %broadcast_in_dim3A, %ne3A_227 : vector<1x512xi32>
    %and3A_229 = vector.broadcast %ne3A_228 : vector<1x512xi1> to vector<64x512xi1>
    %and3A_230 = arith.andi %eq3A_150, %and3A_229 : vector<64x512xi1>
    %reduce_max3A = arith.constant dense<0xFF800000> : vector<64xf32>
    %reduce_max3A_231 = vector.multi_reduction <maximumf>, %dot_general3A_220, %reduce_max3A [1] : vector<64x512xf32> to vector<64xf32>
    %broadcast_in_dim3A_232 = vector.shape_cast %reduce_max3A_231 : vector<64xf32> to vector<64x1xf32>
    %sub3A_233 = vector.broadcast %broadcast_in_dim3A_232 : vector<64x1xf32> to vector<64x512xf32>
    %sub3A_234 = arith.subf %dot_general3A_220, %sub3A_233 : vector<64x512xf32>
    %exp3A_235 = math.exp %sub3A_234 : vector<64x512xf32>
    %convert_element_type3A = arith.extui %and3A_230 : vector<64x512xi1> to vector<64x512xi32>
    %convert_element_type3A_236 = arith.sitofp %convert_element_type3A : vector<64x512xi32> to vector<64x512xf32>
    %mul3A_237 = arith.mulf %exp3A_235, %convert_element_type3A_236 : vector<64x512xf32>
    %reduce_sum3A = arith.constant dense<0.000000e+00> : vector<64xf32>
    %reduce_sum3A_238 = vector.multi_reduction <add>, %mul3A_237, %reduce_sum3A [1] : vector<64x512xf32> to vector<64xf32>
    %broadcast_in_dim3A_239 = vector.shape_cast %reduce_sum3A_238 : vector<64xf32> to vector<64x1xf32>
    %dot_general3A_240 = arith.constant dense<0.000000e+00> : vector<64x128xf32>
    %dot_general3A_241 = tpu.matmul %mul3A_237, %slice3A_218, %dot_general3A_240 {dimension_numbers = #tpu.dot_dimension_numbers<[1], [0], [0], [1], [0, 0, 1, 1], [], []>, transpose_lhs_hint = false} : vector<64x512xf32>, vector<512x128xf32>, vector<64x128xf32> -> vector<64x128xf32>
    %div3A_242 = vector.broadcast %broadcast_in_dim3A_239 : vector<64x1xf32> to vector<64x128xf32>
    %div3A_243 = arith.divf %dot_general3A_241, %div3A_242 : vector<64x128xf32>
    %slice3A_244 = vector.extract_strided_slice %div3A_243 {offsets = [0, 0], sizes = [16, 128], strides = [1, 1]} : vector<64x128xf32> to vector<16x128xf32>
    %slice3A_245 = vector.extract_strided_slice %div3A_243 {offsets = [16, 0], sizes = [16, 128], strides = [1, 1]} : vector<64x128xf32> to vector<16x128xf32>
    %slice3A_246 = vector.extract_strided_slice %div3A_243 {offsets = [32, 0], sizes = [16, 128], strides = [1, 1]} : vector<64x128xf32> to vector<16x128xf32>
    %slice3A_247 = vector.extract_strided_slice %div3A_243 {offsets = [48, 0], sizes = [16, 128], strides = [1, 1]} : vector<64x128xf32> to vector<16x128xf32>
    %concatenate3A_248 = tpu.concatenate %slice3A_244, %slice3A_245, %slice3A_246, %slice3A_247 in 1 : vector<16x128xf32>, vector<16x128xf32>, vector<16x128xf32>, vector<16x128xf32> -> vector<16x512xf32>
    %slice3A_249 = vector.extract_strided_slice %mul3A_27 {offsets = [16, 0], sizes = [16, 512], strides = [1, 1]} : vector<80x512xf32> to vector<16x512xf32>
    %slice3A_250 = vector.extract_strided_slice %slice3A_249 {offsets = [0, 0], sizes = [16, 128], strides = [1, 1]} : vector<16x512xf32> to vector<16x128xf32>
    %slice3A_251 = vector.extract_strided_slice %slice3A_249 {offsets = [0, 128], sizes = [16, 128], strides = [1, 1]} : vector<16x512xf32> to vector<16x128xf32>
    %slice3A_252 = vector.extract_strided_slice %slice3A_249 {offsets = [0, 256], sizes = [16, 128], strides = [1, 1]} : vector<16x512xf32> to vector<16x128xf32>
    %slice3A_253 = vector.extract_strided_slice %slice3A_249 {offsets = [0, 384], sizes = [16, 128], strides = [1, 1]} : vector<16x512xf32> to vector<16x128xf32>
    %concatenate3A_254 = tpu.concatenate %slice3A_250, %slice3A_251, %slice3A_252, %slice3A_253 in 0 : vector<16x128xf32>, vector<16x128xf32>, vector<16x128xf32>, vector<16x128xf32> -> vector<64x128xf32>
    %slice3A_255 = vector.extract_strided_slice %add3A_181 {offsets = [512, 0], sizes = [512, 128], strides = [1, 1]} : vector<2560x128xf32> to vector<512x128xf32>
    %slice3A_256 = vector.extract_strided_slice %add3A_212 {offsets = [512, 0], sizes = [512, 128], strides = [1, 1]} : vector<2560x128xf32> to vector<512x128xf32>
    %dot_general3A_257 = arith.constant dense<0.000000e+00> : vector<64x512xf32>
    %dot_general3A_258 = tpu.matmul %concatenate3A_254, %slice3A_255, %dot_general3A_257 {dimension_numbers = #tpu.dot_dimension_numbers<[1], [1], [0], [0], [0, 0, 1, 0], [], []>, transpose_lhs_hint = false} : vector<64x128xf32>, vector<512x128xf32>, vector<64x512xf32> -> vector<64x512xf32>
    %get3A_259 = arith.constant 0 : index
    %get3A_260 = arith.constant 1 : index
    %get3A_261 = arith.constant 0 : index
    %get3A_262 = vector.load %arg6[%get3A_259, %get3A_260, %get3A_261] : memref<1x5x512xi32, #tpu.memory_space<vmem>>, vector<1x1x512xi32>
    %get3A_263 = vector.shape_cast %get3A_262 : vector<1x1x512xi32> to vector<512xi32>
    %broadcast_in_dim3A_264 = vector.shape_cast %get3A_263 : vector<512xi32> to vector<1x512xi32>
    %ne3A_265 = arith.constant 0 : i32
    %ne3A_266 = vector.broadcast %ne3A_265 : i32 to vector<1x512xi32>
    %ne3A_267 = arith.cmpi ne, %broadcast_in_dim3A_264, %ne3A_266 : vector<1x512xi32>
    %and3A_268 = vector.broadcast %ne3A_267 : vector<1x512xi1> to vector<64x512xi1>
    %and3A_269 = arith.andi %eq3A_150, %and3A_268 : vector<64x512xi1>
    %reduce_max3A_270 = arith.constant dense<0xFF800000> : vector<64xf32>
    %reduce_max3A_271 = vector.multi_reduction <maximumf>, %dot_general3A_258, %reduce_max3A_270 [1] : vector<64x512xf32> to vector<64xf32>
    %broadcast_in_dim3A_272 = vector.shape_cast %reduce_max3A_271 : vector<64xf32> to vector<64x1xf32>
    %sub3A_273 = vector.broadcast %broadcast_in_dim3A_272 : vector<64x1xf32> to vector<64x512xf32>
    %sub3A_274 = arith.subf %dot_general3A_258, %sub3A_273 : vector<64x512xf32>
    %exp3A_275 = math.exp %sub3A_274 : vector<64x512xf32>
    %convert_element_type3A_276 = arith.extui %and3A_269 : vector<64x512xi1> to vector<64x512xi32>
    %convert_element_type3A_277 = arith.sitofp %convert_element_type3A_276 : vector<64x512xi32> to vector<64x512xf32>
    %mul3A_278 = arith.mulf %exp3A_275, %convert_element_type3A_277 : vector<64x512xf32>
    %reduce_sum3A_279 = arith.constant dense<0.000000e+00> : vector<64xf32>
    %reduce_sum3A_280 = vector.multi_reduction <add>, %mul3A_278, %reduce_sum3A_279 [1] : vector<64x512xf32> to vector<64xf32>
    %broadcast_in_dim3A_281 = vector.shape_cast %reduce_sum3A_280 : vector<64xf32> to vector<64x1xf32>
    %dot_general3A_282 = arith.constant dense<0.000000e+00> : vector<64x128xf32>
    %dot_general3A_283 = tpu.matmul %mul3A_278, %slice3A_256, %dot_general3A_282 {dimension_numbers = #tpu.dot_dimension_numbers<[1], [0], [0], [1], [0, 0, 1, 1], [], []>, transpose_lhs_hint = false} : vector<64x512xf32>, vector<512x128xf32>, vector<64x128xf32> -> vector<64x128xf32>
    %div3A_284 = vector.broadcast %broadcast_in_dim3A_281 : vector<64x1xf32> to vector<64x128xf32>
    %div3A_285 = arith.divf %dot_general3A_283, %div3A_284 : vector<64x128xf32>
    %slice3A_286 = vector.extract_strided_slice %div3A_285 {offsets = [0, 0], sizes = [16, 128], strides = [1, 1]} : vector<64x128xf32> to vector<16x128xf32>
    %slice3A_287 = vector.extract_strided_slice %div3A_285 {offsets = [16, 0], sizes = [16, 128], strides = [1, 1]} : vector<64x128xf32> to vector<16x128xf32>
    %slice3A_288 = vector.extract_strided_slice %div3A_285 {offsets = [32, 0], sizes = [16, 128], strides = [1, 1]} : vector<64x128xf32> to vector<16x128xf32>
    %slice3A_289 = vector.extract_strided_slice %div3A_285 {offsets = [48, 0], sizes = [16, 128], strides = [1, 1]} : vector<64x128xf32> to vector<16x128xf32>
    %concatenate3A_290 = tpu.concatenate %slice3A_286, %slice3A_287, %slice3A_288, %slice3A_289 in 1 : vector<16x128xf32>, vector<16x128xf32>, vector<16x128xf32>, vector<16x128xf32> -> vector<16x512xf32>
    %slice3A_291 = vector.extract_strided_slice %mul3A_27 {offsets = [32, 0], sizes = [16, 512], strides = [1, 1]} : vector<80x512xf32> to vector<16x512xf32>
    %slice3A_292 = vector.extract_strided_slice %slice3A_291 {offsets = [0, 0], sizes = [16, 128], strides = [1, 1]} : vector<16x512xf32> to vector<16x128xf32>
    %slice3A_293 = vector.extract_strided_slice %slice3A_291 {offsets = [0, 128], sizes = [16, 128], strides = [1, 1]} : vector<16x512xf32> to vector<16x128xf32>
    %slice3A_294 = vector.extract_strided_slice %slice3A_291 {offsets = [0, 256], sizes = [16, 128], strides = [1, 1]} : vector<16x512xf32> to vector<16x128xf32>
    %slice3A_295 = vector.extract_strided_slice %slice3A_291 {offsets = [0, 384], sizes = [16, 128], strides = [1, 1]} : vector<16x512xf32> to vector<16x128xf32>
    %concatenate3A_296 = tpu.concatenate %slice3A_292, %slice3A_293, %slice3A_294, %slice3A_295 in 0 : vector<16x128xf32>, vector<16x128xf32>, vector<16x128xf32>, vector<16x128xf32> -> vector<64x128xf32>
    %slice3A_297 = vector.extract_strided_slice %add3A_181 {offsets = [1024, 0], sizes = [512, 128], strides = [1, 1]} : vector<2560x128xf32> to vector<512x128xf32>
    %slice3A_298 = vector.extract_strided_slice %add3A_212 {offsets = [1024, 0], sizes = [512, 128], strides = [1, 1]} : vector<2560x128xf32> to vector<512x128xf32>
    %dot_general3A_299 = arith.constant dense<0.000000e+00> : vector<64x512xf32>
    %dot_general3A_300 = tpu.matmul %concatenate3A_296, %slice3A_297, %dot_general3A_299 {dimension_numbers = #tpu.dot_dimension_numbers<[1], [1], [0], [0], [0, 0, 1, 0], [], []>, transpose_lhs_hint = false} : vector<64x128xf32>, vector<512x128xf32>, vector<64x512xf32> -> vector<64x512xf32>
    %get3A_301 = arith.constant 0 : index
    %get3A_302 = arith.constant 2 : index
    %get3A_303 = arith.constant 0 : index
    %get3A_304 = vector.load %arg6[%get3A_301, %get3A_302, %get3A_303] : memref<1x5x512xi32, #tpu.memory_space<vmem>>, vector<1x1x512xi32>
    %get3A_305 = vector.shape_cast %get3A_304 : vector<1x1x512xi32> to vector<512xi32>
    %broadcast_in_dim3A_306 = vector.shape_cast %get3A_305 : vector<512xi32> to vector<1x512xi32>
    %ne3A_307 = arith.constant 0 : i32
    %ne3A_308 = vector.broadcast %ne3A_307 : i32 to vector<1x512xi32>
    %ne3A_309 = arith.cmpi ne, %broadcast_in_dim3A_306, %ne3A_308 : vector<1x512xi32>
    %and3A_310 = vector.broadcast %ne3A_309 : vector<1x512xi1> to vector<64x512xi1>
    %and3A_311 = arith.andi %eq3A_150, %and3A_310 : vector<64x512xi1>
    %reduce_max3A_312 = arith.constant dense<0xFF800000> : vector<64xf32>
    %reduce_max3A_313 = vector.multi_reduction <maximumf>, %dot_general3A_300, %reduce_max3A_312 [1] : vector<64x512xf32> to vector<64xf32>
    %broadcast_in_dim3A_314 = vector.shape_cast %reduce_max3A_313 : vector<64xf32> to vector<64x1xf32>
    %sub3A_315 = vector.broadcast %broadcast_in_dim3A_314 : vector<64x1xf32> to vector<64x512xf32>
    %sub3A_316 = arith.subf %dot_general3A_300, %sub3A_315 : vector<64x512xf32>
    %exp3A_317 = math.exp %sub3A_316 : vector<64x512xf32>
    %convert_element_type3A_318 = arith.extui %and3A_311 : vector<64x512xi1> to vector<64x512xi32>
    %convert_element_type3A_319 = arith.sitofp %convert_element_type3A_318 : vector<64x512xi32> to vector<64x512xf32>
    %mul3A_320 = arith.mulf %exp3A_317, %convert_element_type3A_319 : vector<64x512xf32>
    %reduce_sum3A_321 = arith.constant dense<0.000000e+00> : vector<64xf32>
    %reduce_sum3A_322 = vector.multi_reduction <add>, %mul3A_320, %reduce_sum3A_321 [1] : vector<64x512xf32> to vector<64xf32>
    %broadcast_in_dim3A_323 = vector.shape_cast %reduce_sum3A_322 : vector<64xf32> to vector<64x1xf32>
    %dot_general3A_324 = arith.constant dense<0.000000e+00> : vector<64x128xf32>
    %dot_general3A_325 = tpu.matmul %mul3A_320, %slice3A_298, %dot_general3A_324 {dimension_numbers = #tpu.dot_dimension_numbers<[1], [0], [0], [1], [0, 0, 1, 1], [], []>, transpose_lhs_hint = false} : vector<64x512xf32>, vector<512x128xf32>, vector<64x128xf32> -> vector<64x128xf32>
    %div3A_326 = vector.broadcast %broadcast_in_dim3A_323 : vector<64x1xf32> to vector<64x128xf32>
    %div3A_327 = arith.divf %dot_general3A_325, %div3A_326 : vector<64x128xf32>
    %slice3A_328 = vector.extract_strided_slice %div3A_327 {offsets = [0, 0], sizes = [16, 128], strides = [1, 1]} : vector<64x128xf32> to vector<16x128xf32>
    %slice3A_329 = vector.extract_strided_slice %div3A_327 {offsets = [16, 0], sizes = [16, 128], strides = [1, 1]} : vector<64x128xf32> to vector<16x128xf32>
    %slice3A_330 = vector.extract_strided_slice %div3A_327 {offsets = [32, 0], sizes = [16, 128], strides = [1, 1]} : vector<64x128xf32> to vector<16x128xf32>
    %slice3A_331 = vector.extract_strided_slice %div3A_327 {offsets = [48, 0], sizes = [16, 128], strides = [1, 1]} : vector<64x128xf32> to vector<16x128xf32>
    %concatenate3A_332 = tpu.concatenate %slice3A_328, %slice3A_329, %slice3A_330, %slice3A_331 in 1 : vector<16x128xf32>, vector<16x128xf32>, vector<16x128xf32>, vector<16x128xf32> -> vector<16x512xf32>
    %slice3A_333 = vector.extract_strided_slice %mul3A_27 {offsets = [48, 0], sizes = [16, 512], strides = [1, 1]} : vector<80x512xf32> to vector<16x512xf32>
    %slice3A_334 = vector.extract_strided_slice %slice3A_333 {offsets = [0, 0], sizes = [16, 128], strides = [1, 1]} : vector<16x512xf32> to vector<16x128xf32>
    %slice3A_335 = vector.extract_strided_slice %slice3A_333 {offsets = [0, 128], sizes = [16, 128], strides = [1, 1]} : vector<16x512xf32> to vector<16x128xf32>
    %slice3A_336 = vector.extract_strided_slice %slice3A_333 {offsets = [0, 256], sizes = [16, 128], strides = [1, 1]} : vector<16x512xf32> to vector<16x128xf32>
    %slice3A_337 = vector.extract_strided_slice %slice3A_333 {offsets = [0, 384], sizes = [16, 128], strides = [1, 1]} : vector<16x512xf32> to vector<16x128xf32>
    %concatenate3A_338 = tpu.concatenate %slice3A_334, %slice3A_335, %slice3A_336, %slice3A_337 in 0 : vector<16x128xf32>, vector<16x128xf32>, vector<16x128xf32>, vector<16x128xf32> -> vector<64x128xf32>
    %slice3A_339 = vector.extract_strided_slice %add3A_181 {offsets = [1536, 0], sizes = [512, 128], strides = [1, 1]} : vector<2560x128xf32> to vector<512x128xf32>
    %slice3A_340 = vector.extract_strided_slice %add3A_212 {offsets = [1536, 0], sizes = [512, 128], strides = [1, 1]} : vector<2560x128xf32> to vector<512x128xf32>
    %dot_general3A_341 = arith.constant dense<0.000000e+00> : vector<64x512xf32>
    %dot_general3A_342 = tpu.matmul %concatenate3A_338, %slice3A_339, %dot_general3A_341 {dimension_numbers = #tpu.dot_dimension_numbers<[1], [1], [0], [0], [0, 0, 1, 0], [], []>, transpose_lhs_hint = false} : vector<64x128xf32>, vector<512x128xf32>, vector<64x512xf32> -> vector<64x512xf32>
    %get3A_343 = arith.constant 0 : index
    %get3A_344 = arith.constant 3 : index
    %get3A_345 = arith.constant 0 : index
    %get3A_346 = vector.load %arg6[%get3A_343, %get3A_344, %get3A_345] : memref<1x5x512xi32, #tpu.memory_space<vmem>>, vector<1x1x512xi32>
    %get3A_347 = vector.shape_cast %get3A_346 : vector<1x1x512xi32> to vector<512xi32>
    %broadcast_in_dim3A_348 = vector.shape_cast %get3A_347 : vector<512xi32> to vector<1x512xi32>
    %ne3A_349 = arith.constant 0 : i32
    %ne3A_350 = vector.broadcast %ne3A_349 : i32 to vector<1x512xi32>
    %ne3A_351 = arith.cmpi ne, %broadcast_in_dim3A_348, %ne3A_350 : vector<1x512xi32>
    %and3A_352 = vector.broadcast %ne3A_351 : vector<1x512xi1> to vector<64x512xi1>
    %and3A_353 = arith.andi %eq3A_150, %and3A_352 : vector<64x512xi1>
    %reduce_max3A_354 = arith.constant dense<0xFF800000> : vector<64xf32>
    %reduce_max3A_355 = vector.multi_reduction <maximumf>, %dot_general3A_342, %reduce_max3A_354 [1] : vector<64x512xf32> to vector<64xf32>
    %broadcast_in_dim3A_356 = vector.shape_cast %reduce_max3A_355 : vector<64xf32> to vector<64x1xf32>
    %sub3A_357 = vector.broadcast %broadcast_in_dim3A_356 : vector<64x1xf32> to vector<64x512xf32>
    %sub3A_358 = arith.subf %dot_general3A_342, %sub3A_357 : vector<64x512xf32>
    %exp3A_359 = math.exp %sub3A_358 : vector<64x512xf32>
    %convert_element_type3A_360 = arith.extui %and3A_353 : vector<64x512xi1> to vector<64x512xi32>
    %convert_element_type3A_361 = arith.sitofp %convert_element_type3A_360 : vector<64x512xi32> to vector<64x512xf32>
    %mul3A_362 = arith.mulf %exp3A_359, %convert_element_type3A_361 : vector<64x512xf32>
    %reduce_sum3A_363 = arith.constant dense<0.000000e+00> : vector<64xf32>
    %reduce_sum3A_364 = vector.multi_reduction <add>, %mul3A_362, %reduce_sum3A_363 [1] : vector<64x512xf32> to vector<64xf32>
    %broadcast_in_dim3A_365 = vector.shape_cast %reduce_sum3A_364 : vector<64xf32> to vector<64x1xf32>
    %dot_general3A_366 = arith.constant dense<0.000000e+00> : vector<64x128xf32>
    %dot_general3A_367 = tpu.matmul %mul3A_362, %slice3A_340, %dot_general3A_366 {dimension_numbers = #tpu.dot_dimension_numbers<[1], [0], [0], [1], [0, 0, 1, 1], [], []>, transpose_lhs_hint = false} : vector<64x512xf32>, vector<512x128xf32>, vector<64x128xf32> -> vector<64x128xf32>
    %div3A_368 = vector.broadcast %broadcast_in_dim3A_365 : vector<64x1xf32> to vector<64x128xf32>
    %div3A_369 = arith.divf %dot_general3A_367, %div3A_368 : vector<64x128xf32>
    %slice3A_370 = vector.extract_strided_slice %div3A_369 {offsets = [0, 0], sizes = [16, 128], strides = [1, 1]} : vector<64x128xf32> to vector<16x128xf32>
    %slice3A_371 = vector.extract_strided_slice %div3A_369 {offsets = [16, 0], sizes = [16, 128], strides = [1, 1]} : vector<64x128xf32> to vector<16x128xf32>
    %slice3A_372 = vector.extract_strided_slice %div3A_369 {offsets = [32, 0], sizes = [16, 128], strides = [1, 1]} : vector<64x128xf32> to vector<16x128xf32>
    %slice3A_373 = vector.extract_strided_slice %div3A_369 {offsets = [48, 0], sizes = [16, 128], strides = [1, 1]} : vector<64x128xf32> to vector<16x128xf32>
    %concatenate3A_374 = tpu.concatenate %slice3A_370, %slice3A_371, %slice3A_372, %slice3A_373 in 1 : vector<16x128xf32>, vector<16x128xf32>, vector<16x128xf32>, vector<16x128xf32> -> vector<16x512xf32>
    %slice3A_375 = vector.extract_strided_slice %mul3A_27 {offsets = [64, 0], sizes = [16, 512], strides = [1, 1]} : vector<80x512xf32> to vector<16x512xf32>
    %slice3A_376 = vector.extract_strided_slice %slice3A_375 {offsets = [0, 0], sizes = [16, 128], strides = [1, 1]} : vector<16x512xf32> to vector<16x128xf32>
    %slice3A_377 = vector.extract_strided_slice %slice3A_375 {offsets = [0, 128], sizes = [16, 128], strides = [1, 1]} : vector<16x512xf32> to vector<16x128xf32>
    %slice3A_378 = vector.extract_strided_slice %slice3A_375 {offsets = [0, 256], sizes = [16, 128], strides = [1, 1]} : vector<16x512xf32> to vector<16x128xf32>
    %slice3A_379 = vector.extract_strided_slice %slice3A_375 {offsets = [0, 384], sizes = [16, 128], strides = [1, 1]} : vector<16x512xf32> to vector<16x128xf32>
    %concatenate3A_380 = tpu.concatenate %slice3A_376, %slice3A_377, %slice3A_378, %slice3A_379 in 0 : vector<16x128xf32>, vector<16x128xf32>, vector<16x128xf32>, vector<16x128xf32> -> vector<64x128xf32>
    %slice3A_381 = vector.extract_strided_slice %add3A_181 {offsets = [2048, 0], sizes = [512, 128], strides = [1, 1]} : vector<2560x128xf32> to vector<512x128xf32>
    %slice3A_382 = vector.extract_strided_slice %add3A_212 {offsets = [2048, 0], sizes = [512, 128], strides = [1, 1]} : vector<2560x128xf32> to vector<512x128xf32>
    %dot_general3A_383 = arith.constant dense<0.000000e+00> : vector<64x512xf32>
    %dot_general3A_384 = tpu.matmul %concatenate3A_380, %slice3A_381, %dot_general3A_383 {dimension_numbers = #tpu.dot_dimension_numbers<[1], [1], [0], [0], [0, 0, 1, 0], [], []>, transpose_lhs_hint = false} : vector<64x128xf32>, vector<512x128xf32>, vector<64x512xf32> -> vector<64x512xf32>
    %get3A_385 = arith.constant 0 : index
    %get3A_386 = arith.constant 4 : index
    %get3A_387 = arith.constant 0 : index
    %get3A_388 = vector.load %arg6[%get3A_385, %get3A_386, %get3A_387] : memref<1x5x512xi32, #tpu.memory_space<vmem>>, vector<1x1x512xi32>
    %get3A_389 = vector.shape_cast %get3A_388 : vector<1x1x512xi32> to vector<512xi32>
    %broadcast_in_dim3A_390 = vector.shape_cast %get3A_389 : vector<512xi32> to vector<1x512xi32>
    %ne3A_391 = arith.constant 0 : i32
    %ne3A_392 = vector.broadcast %ne3A_391 : i32 to vector<1x512xi32>
    %ne3A_393 = arith.cmpi ne, %broadcast_in_dim3A_390, %ne3A_392 : vector<1x512xi32>
    %and3A_394 = vector.broadcast %ne3A_393 : vector<1x512xi1> to vector<64x512xi1>
    %and3A_395 = arith.andi %eq3A_150, %and3A_394 : vector<64x512xi1>
    %reduce_max3A_396 = arith.constant dense<0xFF800000> : vector<64xf32>
    %reduce_max3A_397 = vector.multi_reduction <maximumf>, %dot_general3A_384, %reduce_max3A_396 [1] : vector<64x512xf32> to vector<64xf32>
    %broadcast_in_dim3A_398 = vector.shape_cast %reduce_max3A_397 : vector<64xf32> to vector<64x1xf32>
    %sub3A_399 = vector.broadcast %broadcast_in_dim3A_398 : vector<64x1xf32> to vector<64x512xf32>
    %sub3A_400 = arith.subf %dot_general3A_384, %sub3A_399 : vector<64x512xf32>
    %exp3A_401 = math.exp %sub3A_400 : vector<64x512xf32>
    %convert_element_type3A_402 = arith.extui %and3A_395 : vector<64x512xi1> to vector<64x512xi32>
    %convert_element_type3A_403 = arith.sitofp %convert_element_type3A_402 : vector<64x512xi32> to vector<64x512xf32>
    %mul3A_404 = arith.mulf %exp3A_401, %convert_element_type3A_403 : vector<64x512xf32>
    %reduce_sum3A_405 = arith.constant dense<0.000000e+00> : vector<64xf32>
    %reduce_sum3A_406 = vector.multi_reduction <add>, %mul3A_404, %reduce_sum3A_405 [1] : vector<64x512xf32> to vector<64xf32>
    %broadcast_in_dim3A_407 = vector.shape_cast %reduce_sum3A_406 : vector<64xf32> to vector<64x1xf32>
    %dot_general3A_408 = arith.constant dense<0.000000e+00> : vector<64x128xf32>
    %dot_general3A_409 = tpu.matmul %mul3A_404, %slice3A_382, %dot_general3A_408 {dimension_numbers = #tpu.dot_dimension_numbers<[1], [0], [0], [1], [0, 0, 1, 1], [], []>, transpose_lhs_hint = false} : vector<64x512xf32>, vector<512x128xf32>, vector<64x128xf32> -> vector<64x128xf32>
    %div3A_410 = vector.broadcast %broadcast_in_dim3A_407 : vector<64x1xf32> to vector<64x128xf32>
    %div3A_411 = arith.divf %dot_general3A_409, %div3A_410 : vector<64x128xf32>
    %slice3A_412 = vector.extract_strided_slice %div3A_411 {offsets = [0, 0], sizes = [16, 128], strides = [1, 1]} : vector<64x128xf32> to vector<16x128xf32>
    %slice3A_413 = vector.extract_strided_slice %div3A_411 {offsets = [16, 0], sizes = [16, 128], strides = [1, 1]} : vector<64x128xf32> to vector<16x128xf32>
    %slice3A_414 = vector.extract_strided_slice %div3A_411 {offsets = [32, 0], sizes = [16, 128], strides = [1, 1]} : vector<64x128xf32> to vector<16x128xf32>
    %slice3A_415 = vector.extract_strided_slice %div3A_411 {offsets = [48, 0], sizes = [16, 128], strides = [1, 1]} : vector<64x128xf32> to vector<16x128xf32>
    %concatenate3A_416 = tpu.concatenate %slice3A_412, %slice3A_413, %slice3A_414, %slice3A_415 in 1 : vector<16x128xf32>, vector<16x128xf32>, vector<16x128xf32>, vector<16x128xf32> -> vector<16x512xf32>
    %concatenate3A_417 = tpu.concatenate %concatenate3A_248, %concatenate3A_290, %concatenate3A_332, %concatenate3A_374, %concatenate3A_416 in 0 : vector<16x512xf32>, vector<16x512xf32>, vector<16x512xf32>, vector<16x512xf32>, vector<16x512xf32> -> vector<80x512xf32>
    %get3A_418 = arith.constant 0 : index
    %get3A_419 = arith.constant 0 : index
    %get3A_420 = vector.load %arg28[%get3A_418, %get3A_419] : memref<512x128xf32, #tpu.memory_space<vmem>>, vector<512x128xf32>
    %dot_general3A_421 = arith.constant dense<0.000000e+00> : vector<80x128xf32>
    %dot_general3A_422 = tpu.matmul %concatenate3A_417, %get3A_420, %dot_general3A_421 {dimension_numbers = #tpu.dot_dimension_numbers<[1], [0], [0], [1], [0, 0, 1, 1], [], []>, transpose_lhs_hint = false} : vector<80x512xf32>, vector<512x128xf32>, vector<80x128xf32> -> vector<80x128xf32>
    %get3A_423 = arith.constant 0 : index
    %get3A_424 = arith.constant 0 : index
    %get3A_425 = vector.load %arg29[%get3A_423, %get3A_424] : memref<1x128xf32, #tpu.memory_space<vmem>>, vector<1x128xf32>
    %add3A_426 = vector.broadcast %get3A_425 : vector<1x128xf32> to vector<80x128xf32>
    %add3A_427 = arith.addf %dot_general3A_422, %add3A_426 : vector<80x128xf32>
    %gt3A_428 = arith.constant 0.000000e+00 : f32
    %gt3A_429 = vector.broadcast %gt3A_428 : f32 to vector<80x128xf32>
    %gt3A_430 = arith.cmpf ogt, %add3A_427, %gt3A_429 : vector<80x128xf32>
    %min3A_431 = arith.constant 0.000000e+00 : f32
    %min3A_432 = vector.broadcast %min3A_431 : f32 to vector<80x128xf32>
    %min3A_433 = arith.minimumf %add3A_427, %min3A_432 : vector<80x128xf32>
    %exp3A_434 = math.exp %min3A_433 : vector<80x128xf32>
    %sub3A_435 = arith.constant 1.000000e+00 : f32
    %sub3A_436 = vector.broadcast %sub3A_435 : f32 to vector<80x128xf32>
    %sub3A_437 = arith.subf %exp3A_434, %sub3A_436 : vector<80x128xf32>
    %select_n3A_438 = arith.select %gt3A_430, %add3A_427, %sub3A_437 : vector<80x128xi1>, vector<80x128xf32>
    %get3A_439 = arith.constant 0 : index
    %get3A_440 = arith.constant 0 : index
    %get3A_441 = vector.load %arg30[%get3A_439, %get3A_440] : memref<128x128xf32, #tpu.memory_space<vmem>>, vector<128x128xf32>
    %dot_general3A_442 = arith.constant dense<0.000000e+00> : vector<80x128xf32>
    %dot_general3A_443 = tpu.matmul %select_n3A_438, %get3A_441, %dot_general3A_442 {dimension_numbers = #tpu.dot_dimension_numbers<[1], [0], [0], [1], [0, 0, 1, 1], [], []>, transpose_lhs_hint = false} : vector<80x128xf32>, vector<128x128xf32>, vector<80x128xf32> -> vector<80x128xf32>
    %get3A_444 = arith.constant 0 : index
    %get3A_445 = arith.constant 0 : index
    %get3A_446 = vector.load %arg31[%get3A_444, %get3A_445] : memref<1x128xf32, #tpu.memory_space<vmem>>, vector<1x128xf32>
    %add3A_447 = vector.broadcast %get3A_446 : vector<1x128xf32> to vector<80x128xf32>
    %add3A_448 = arith.addf %dot_general3A_443, %add3A_447 : vector<80x128xf32>
    %add3A_449 = arith.addf %add3A_448, %get3A_1 : vector<80x128xf32>
    %reduce_sum3A_450 = arith.constant dense<0.000000e+00> : vector<80xf32>
    %reduce_sum3A_451 = vector.multi_reduction <add>, %add3A_449, %reduce_sum3A_450 [1] : vector<80x128xf32> to vector<80xf32>
    %broadcast_in_dim3A_452 = vector.shape_cast %reduce_sum3A_451 : vector<80xf32> to vector<80x1xf32>
    %div3A_453 = arith.constant 1.280000e+02 : f32
    %div3A_454 = vector.broadcast %div3A_453 : f32 to vector<80x1xf32>
    %div3A_455 = arith.divf %broadcast_in_dim3A_452, %div3A_454 : vector<80x1xf32>
    %sub3A_456 = vector.broadcast %div3A_455 : vector<80x1xf32> to vector<80x128xf32>
    %sub3A_457 = arith.subf %add3A_449, %sub3A_456 : vector<80x128xf32>
    %mul3A_458 = arith.mulf %sub3A_457, %sub3A_457 : vector<80x128xf32>
    %reduce_sum3A_459 = arith.constant dense<0.000000e+00> : vector<80xf32>
    %reduce_sum3A_460 = vector.multi_reduction <add>, %mul3A_458, %reduce_sum3A_459 [1] : vector<80x128xf32> to vector<80xf32>
    %broadcast_in_dim3A_461 = vector.shape_cast %reduce_sum3A_460 : vector<80xf32> to vector<80x1xf32>
    %div3A_462 = arith.constant 1.280000e+02 : f32
    %div3A_463 = vector.broadcast %div3A_462 : f32 to vector<80x1xf32>
    %div3A_464 = arith.divf %broadcast_in_dim3A_461, %div3A_463 : vector<80x1xf32>
    %add3A_465 = arith.constant 9.99999974E-6 : f32
    %add3A_466 = vector.broadcast %add3A_465 : f32 to vector<80x1xf32>
    %add3A_467 = arith.addf %div3A_464, %add3A_466 : vector<80x1xf32>
    %rsqrt3A = math.rsqrt %add3A_467 : vector<80x1xf32>
    %mul3A_468 = vector.broadcast %rsqrt3A : vector<80x1xf32> to vector<80x128xf32>
    %mul3A_469 = arith.mulf %sub3A_457, %mul3A_468 : vector<80x128xf32>
    %get3A_470 = arith.constant 0 : index
    %get3A_471 = arith.constant 0 : index
    %get3A_472 = vector.load %arg32[%get3A_470, %get3A_471] : memref<1x128xf32, #tpu.memory_space<vmem>>, vector<1x128xf32>
    %mul3A_473 = vector.broadcast %get3A_472 : vector<1x128xf32> to vector<80x128xf32>
    %mul3A_474 = arith.mulf %mul3A_469, %mul3A_473 : vector<80x128xf32>
    %get3A_475 = arith.constant 0 : index
    %get3A_476 = arith.constant 0 : index
    %get3A_477 = vector.load %arg33[%get3A_475, %get3A_476] : memref<1x128xf32, #tpu.memory_space<vmem>>, vector<1x128xf32>
    %add3A_478 = vector.broadcast %get3A_477 : vector<1x128xf32> to vector<80x128xf32>
    %add3A_479 = arith.addf %mul3A_474, %add3A_478 : vector<80x128xf32>
    %swap3A = arith.constant 0 : index
    %swap3A_480 = arith.constant 0 : index
    %swap3A_481 = vector.load %arg34[%swap3A, %swap3A_480] : memref<80x128xf32, #tpu.memory_space<vmem>>, vector<80x128xf32>
    tpu.vector_store %arg34[%swap3A, %swap3A_480], %add3A_479 {strides = array<i32>} : memref<80x128xf32, #tpu.memory_space<vmem>>, vector<80x128xf32>,
    return
  }
  func.func @transform_0(%arg0: i32) -> (i32, i32) {
    %c0_i32 = arith.constant 0 : i32
    %c0_i32_0 = arith.constant 0 : i32
    return %arg0, %c0_i32 : i32, i32
  }
  func.func @transform_1(%arg0: i32) -> (i32, i32) {
    %c0_i32 = arith.constant 0 : i32
    %c0_i32_0 = arith.constant 0 : i32
    return %arg0, %c0_i32 : i32, i32
  }
  func.func @transform_2(%arg0: i32) -> (i32, i32) {
    %c0_i32 = arith.constant 0 : i32
    %c0_i32_0 = arith.constant 0 : i32
    return %arg0, %c0_i32 : i32, i32
  }
  func.func @transform_3(%arg0: i32) -> (i32, i32) {
    %c0_i32 = arith.constant 0 : i32
    %c0_i32_0 = arith.constant 0 : i32
    return %arg0, %c0_i32 : i32, i32
  }
  func.func @transform_4(%arg0: i32) -> (i32, i32) {
    %c0_i32 = arith.constant 0 : i32
    %c0_i32_0 = arith.constant 0 : i32
    %c0_i32_1 = arith.constant 0 : i32
    return %c0_i32, %c0_i32_0 : i32, i32
  }
  func.func @transform_5(%arg0: i32) -> (i32, i32, i32) {
    %c0_i32 = arith.constant 0 : i32
    %c0_i32_0 = arith.constant 0 : i32
    %c0_i32_1 = arith.constant 0 : i32
    return %arg0, %c0_i32, %c0_i32_0 : i32, i32, i32
  }
  func.func @transform_6(%arg0: i32) -> (i32, i32) {
    %c0_i32 = arith.constant 0 : i32
    %c0_i32_0 = arith.constant 0 : i32
    %c0_i32_1 = arith.constant 0 : i32
    return %c0_i32, %c0_i32_0 : i32, i32
  }
  func.func @transform_7(%arg0: i32) -> (i32, i32) {
    %c0_i32 = arith.constant 0 : i32
    %c0_i32_0 = arith.constant 0 : i32
    %c0_i32_1 = arith.constant 0 : i32
    return %c0_i32, %c0_i32_0 : i32, i32
  }
  func.func @transform_8(%arg0: i32) -> (i32, i32) {
    %c0_i32 = arith.constant 0 : i32
    %c0_i32_0 = arith.constant 0 : i32
    %c0_i32_1 = arith.constant 0 : i32
    return %c0_i32, %c0_i32_0 : i32, i32
  }
  func.func @transform_9(%arg0: i32) -> (i32, i32) {
    %c0_i32 = arith.constant 0 : i32
    %c0_i32_0 = arith.constant 0 : i32
    %c0_i32_1 = arith.constant 0 : i32
    return %c0_i32, %c0_i32_0 : i32, i32
  }
  func.func @transform_10(%arg0: i32) -> (i32, i32) {
    %c0_i32 = arith.constant 0 : i32
    %c0_i32_0 = arith.constant 0 : i32
    %c0_i32_1 = arith.constant 0 : i32
    return %c0_i32, %c0_i32_0 : i32, i32
  }
  func.func @transform_11(%arg0: i32) -> (i32, i32) {
    %c0_i32 = arith.constant 0 : i32
    %c0_i32_0 = arith.constant 0 : i32
    %c0_i32_1 = arith.constant 0 : i32
    return %c0_i32, %c0_i32_0 : i32, i32
  }
  func.func @transform_12(%arg0: i32) -> (i32, i32) {
    %c0_i32 = arith.constant 0 : i32
    %c0_i32_0 = arith.constant 0 : i32
    %c0_i32_1 = arith.constant 0 : i32
    return %c0_i32, %c0_i32_0 : i32, i32
  }
  func.func @transform_13(%arg0: i32) -> (i32, i32) {
    %c0_i32 = arith.constant 0 : i32
    %c0_i32_0 = arith.constant 0 : i32
    %c0_i32_1 = arith.constant 0 : i32
    return %c0_i32, %c0_i32_0 : i32, i32
  }
  func.func @transform_14(%arg0: i32) -> (i32, i32) {
    %c0_i32 = arith.constant 0 : i32
    %c0_i32_0 = arith.constant 0 : i32
    %c0_i32_1 = arith.constant 0 : i32
    return %c0_i32, %c0_i32_0 : i32, i32
  }
  func.func @transform_15(%arg0: i32) -> (i32, i32) {
    %c0_i32 = arith.constant 0 : i32
    %c0_i32_0 = arith.constant 0 : i32
    %c0_i32_1 = arith.constant 0 : i32
    return %c0_i32, %c0_i32_0 : i32, i32
  }
  func.func @transform_16(%arg0: i32) -> (i32, i32) {
    %c0_i32 = arith.constant 0 : i32
    %c0_i32_0 = arith.constant 0 : i32
    %c0_i32_1 = arith.constant 0 : i32
    return %c0_i32, %c0_i32_0 : i32, i32
  }
  func.func @transform_17(%arg0: i32) -> (i32, i32) {
    %c0_i32 = arith.constant 0 : i32
    %c0_i32_0 = arith.constant 0 : i32
    %c0_i32_1 = arith.constant 0 : i32
    return %c0_i32, %c0_i32_0 : i32, i32
  }
  func.func @transform_18(%arg0: i32) -> (i32, i32) {
    %c0_i32 = arith.constant 0 : i32
    %c0_i32_0 = arith.constant 0 : i32
    %c0_i32_1 = arith.constant 0 : i32
    return %c0_i32, %c0_i32_0 : i32, i32
  }
  func.func @transform_19(%arg0: i32) -> (i32, i32) {
    %c0_i32 = arith.constant 0 : i32
    %c0_i32_0 = arith.constant 0 : i32
    %c0_i32_1 = arith.constant 0 : i32
    return %c0_i32, %c0_i32_0 : i32, i32
  }
  func.func @transform_20(%arg0: i32) -> (i32, i32) {
    %c0_i32 = arith.constant 0 : i32
    %c0_i32_0 = arith.constant 0 : i32
    %c0_i32_1 = arith.constant 0 : i32
    return %c0_i32, %c0_i32_0 : i32, i32
  }
  func.func @transform_21(%arg0: i32) -> (i32, i32) {
    %c0_i32 = arith.constant 0 : i32
    %c0_i32_0 = arith.constant 0 : i32
    %c0_i32_1 = arith.constant 0 : i32
    return %c0_i32, %c0_i32_0 : i32, i32
  }
  func.func @transform_22(%arg0: i32) -> (i32, i32) {
    %c0_i32 = arith.constant 0 : i32
    %c0_i32_0 = arith.constant 0 : i32
    %c0_i32_1 = arith.constant 0 : i32
    return %c0_i32, %c0_i32_0 : i32, i32
  }
  func.func @transform_23(%arg0: i32) -> (i32, i32) {
    %c0_i32 = arith.constant 0 : i32
    %c0_i32_0 = arith.constant 0 : i32
    %c0_i32_1 = arith.constant 0 : i32
    return %c0_i32, %c0_i32_0 : i32, i32
  }
  func.func @transform_24(%arg0: i32) -> (i32, i32) {
    %c0_i32 = arith.constant 0 : i32
    %c0_i32_0 = arith.constant 0 : i32
    %c0_i32_1 = arith.constant 0 : i32
    return %c0_i32, %c0_i32_0 : i32, i32
  }
  func.func @transform_25(%arg0: i32) -> (i32, i32) {
    %c0_i32 = arith.constant 0 : i32
    %c0_i32_0 = arith.constant 0 : i32
    %c0_i32_1 = arith.constant 0 : i32
    return %c0_i32, %c0_i32_0 : i32, i32
  }
  func.func @transform_26(%arg0: i32) -> (i32, i32) {
    %c0_i32 = arith.constant 0 : i32
    %c0_i32_0 = arith.constant 0 : i32
    %c0_i32_1 = arith.constant 0 : i32
    return %c0_i32, %c0_i32_0 : i32, i32
  }
  func.func @transform_27(%arg0: i32) -> (i32, i32) {
    %c0_i32 = arith.constant 0 : i32
    %c0_i32_0 = arith.constant 0 : i32
    %c0_i32_1 = arith.constant 0 : i32
    return %c0_i32, %c0_i32_0 : i32, i32
  }
  func.func @transform_28(%arg0: i32) -> (i32, i32) {
    %c0_i32 = arith.constant 0 : i32
    %c0_i32_0 = arith.constant 0 : i32
    %c0_i32_1 = arith.constant 0 : i32
    return %c0_i32, %c0_i32_0 : i32, i32
  }
  func.func @transform_29(%arg0: i32) -> (i32, i32) {
    %c0_i32 = arith.constant 0 : i32
    %c0_i32_0 = arith.constant 0 : i32
    %c0_i32_1 = arith.constant 0 : i32
    return %c0_i32, %c0_i32_0 : i32, i32
  }
  func.func @transform_30(%arg0: i32) -> (i32, i32) {
    %c0_i32 = arith.constant 0 : i32
    %c0_i32_0 = arith.constant 0 : i32
    %c0_i32_1 = arith.constant 0 : i32
    return %c0_i32, %c0_i32_0 : i32, i32
  }
  func.func @transform_31(%arg0: i32) -> (i32, i32) {
    %c0_i32 = arith.constant 0 : i32
    %c0_i32_0 = arith.constant 0 : i32
    %c0_i32_1 = arith.constant 0 : i32
    return %c0_i32, %c0_i32_0 : i32, i32
  }
  func.func @transform_32(%arg0: i32) -> (i32, i32) {
    %c0_i32 = arith.constant 0 : i32
    %c0_i32_0 = arith.constant 0 : i32
    %c0_i32_1 = arith.constant 0 : i32
    return %c0_i32, %c0_i32_0 : i32, i32
  }
  func.func @transform_33(%arg0: i32) -> (i32, i32) {
    %c0_i32 = arith.constant 0 : i32
    %c0_i32_0 = arith.constant 0 : i32
    return %arg0, %c0_i32 : i32, i32
  }
}

</mosaic_0001>

<sc_bundles>
// kernel: kernel.12.cloned.1.call-start
scs
__scs_entry_jumppad:
0x0: {  	(pc) =	sbr.rel $0x88, $3  }
0x1: {  	(tag) =	ssettag $0x0;
	lr =	simm.s32 $0x1  }
0x2: {  	[smem:$0x3F87] =	sst lr;
	_ =	strace $0xD0000000  }
0x3: {  	_ = 	snop  }
0x4: {  	_ = 	snop  }
0x5: {  	_ = 	snop  }
0x6: {  	_ = 	snop  }
0x7: {  	_ = 	snop  }
__scs_overlays_trampoline_lowered:
0x8: {  	[smem:$0x3F96] =	sst s0  }
0x9: {  	[smem:$0x3F97] =	sst s1  }
0xa: {  	[smem:$0x3F98] =	sst s2  }
0xb: {  	[smem:$0x3F99] =	sst s3  }
0xc: {  	[smem:$0x3F9A] =	sst s4  }
0xd: {  	[smem:$0x3F9B] =	sst s5  }
0xe: {  	[smem:$0x3F9C] =	sst s6  }
0xf: {  	[smem:$0x3F9D] =	sst s7  }
0x10: {  	[smem:$0x3F9E] =	sst s8  }
0x11: {  	[smem:$0x3F9F] =	sst s9;
	s0 =	simm.s32 @!p0 $0x0  }
0x12: {  	s1 =	sld [smem:$0x3F85];
	s0 =	simm.s32 @p0 $0x1  }
0x13: {  	[smem:$0x3FA0] =	sst s0;
	s0 =	simm.s32 @!p1 $0x0  }
0x14: {  	s2 =	sld [smem:$0x3F84];
	s0 =	simm.s32 @p1 $0x1  }
0x15: {  	[smem:$0x3FA1] =	sst s0;
	s0 =	simm.s32 @!p2 $0x0  }
0x16: {  	s3 =	sld [smem:$0x3FDB];
	s0 =	simm.s32 @p2 $0x1  }
0x17: {  	s4 =	simm.s32 $0x1BF5;
	[smem:$0x3FA3] =	sst s0  }
0x18: {  	s0 =	sld [smem:$0x3F86];
	_ =	swait.ge [sflag:s4], $0x0  }
0x19: {  	s7 =	sld [smem:$0x3F87]  }
0x1a: {  	s8 =	sadd.s32 $0xFFFFE003, lr  }
0x1b: {  	s9 =	sadd.s32 $0xFFFFFEF7, lr;
	s5 =	simm.s32 $0xFFFFFFFF;
	p2 =	slt.u32 s8, $0xFFFFF086  }
0x1c: {  	p1 =	slt.u32 s9, $0xF7A;
	s5 =	simm.s32 @!p2 $0x0  }
0x1d: {  	s5 =	simm.s32 @p1 $0x1;
	p0 =	seq.s32 s7, s2  }
0x1e: {  	s7 =	smul.u32 @!p0 $0xF7A, s2;
	p2 =	seq.s32 @!p0 s5, $0x0  }
0x1f: {  	s9 =	smul.u32 $0xF7A, s1;
	s8 =	simm.s32 @!p0 $0x1BF5;
	p2 =	por !p2, p0  }
0x20: {  	[sflag:s8] =	ssyncset.s32 @!p0 $0xFFFFF086;
	s6 =	sadd.s32 @!p0 s3, s7;
	s7 =	simm.s32 @!p0 $0x108  }
0x21: {  	s3 =	sadd.s32 s3, s9;
	s6 =	sadd.s32 @!p0 $0x88, s6;
	s7 =	simm.s32 @p2 $0x1082  }
0x22: {  	[simem:s7], [sflag:s8] =	dma.local @!p0 [hbm:s6], $0xF7A  }
0x23: {  	s9 =	sor.u32 $0xD0000000, s2;
	s6 =	simm.s32 $0x108;
	_ =	swait.ge @!p0 [sflag:s8], $0x0  }
0x24: {  	s3 =	sadd.s32 $0x88, s3;
	s6 =	simm.s32 @!p1 $0x1082;
	[sflag:s4] =	ssyncset.s32 $0xFFFFF086  }
0x25: {  	[simem:s6], [sflag:s4] =	dma.local [hbm:s3], $0xF7A  }
0x26: {  	[smem:$0x3F87] =	sst s1;
	(tag) =	ssettag s2;
	_ =	strace s9  }
0x27: {  	s1 =	sld [smem:$0x3F97]  }
0x28: {  	s2 =	sld [smem:$0x3F98]  }
0x29: {  	s4 =	sld [smem:$0x3F9A]  }
0x2a: {  	p0 =	seq.s32 s5, $0x0;
	s5 =	sld [smem:$0x3F9B]  }
0x2b: {  	s6 =	sld [smem:$0x3F9C]  }
0x2c: {  	s7 =	sld [smem:$0x3F9D]  }
0x2d: {  	s3 =	simm.s32 $0x108;
	s8 =	sld [smem:$0x3F9E]  }
0x2e: {  	s3 =	simm.s32 @!p0 $0x1082;
	s9 =	sld [smem:$0x3F9F]  }
0x2f: {  	lr =	sadd.s32 s0, s3;
	s0 =	sld [smem:$0x3F96]  }
0x30: {  	s3 =	sld [smem:$0x3F99]  }
0x31: {  	[smem:$0x3FA2] =	sst s10  }
0x32: {  	s10 =	sld [smem:$0x3FA0];
	_ =	sdelay $0x3  }
0x33: {  	p0 =	seq.s32 s10, $0x1;
	s10 =	sld [smem:$0x3FA2];
	_ =	sdelay $0x3  }
0x34: {  	[smem:$0x3FA2] =	sst s10  }
0x35: {  	s10 =	sld [smem:$0x3FA1];
	_ =	sdelay $0x3  }
0x36: {  	p1 =	seq.s32 s10, $0x1;
	s10 =	sld [smem:$0x3FA2];
	_ =	sdelay $0x3  }
0x37: {  	[smem:$0x3FA2] =	sst s10  }
0x38: {  	s10 =	sld [smem:$0x3FA3]  }
0x39: {  	_ = 	snop;
	(pc) =	sbr.ind lr, $3  }
0x3a: {  	_ = 	snop  }
0x3b: {  	_ = 	snop  }
0x3c: {  	p2 =	seq.s32 s10, $0x1;
	s10 =	sld [smem:$0x3FA2]  }
0x3d: {  	_ =	shalt  }
0x3e: {  	_ =	shalt  }
0x3f: {  	_ =	shalt  }
0x40: {  	_ =	shalt  }
0x41: {  	_ =	shalt  }
0x42: {  	_ =	shalt  }
0x43: {  	_ =	shalt  }
0x44: {  	_ =	shalt  }
0x45: {  	_ =	shalt  }
0x46: {  	_ =	shalt  }
0x47: {  	_ =	shalt  }
0x48: {  	_ =	shalt  }
0x49: {  	_ =	shalt  }
0x4a: {  	_ =	shalt  }
0x4b: {  	_ =	shalt  }
0x4c: {  	_ =	shalt  }
0x4d: {  	_ =	shalt  }
0x4e: {  	_ =	shalt  }
0x4f: {  	_ =	shalt  }
0x50: {  	_ =	shalt  }
0x51: {  	_ =	shalt  }
0x52: {  	_ =	shalt  }
0x53: {  	_ =	shalt  }
0x54: {  	_ =	shalt  }
0x55: {  	_ =	shalt  }
0x56: {  	_ =	shalt  }
0x57: {  	_ =	shalt  }
0x58: {  	_ =	shalt  }
0x59: {  	_ =	shalt  }
0x5a: {  	_ =	shalt  }
0x5b: {  	_ =	shalt  }
0x5c: {  	_ =	shalt  }
0x5d: {  	_ =	shalt  }
0x5e: {  	_ =	shalt  }
0x5f: {  	_ =	shalt  }
0x60: {  	_ =	shalt  }
0x61: {  	_ =	shalt  }
0x62: {  	_ =	shalt  }
0x63: {  	_ =	shalt  }
0x64: {  	_ =	shalt  }
0x65: {  	_ =	shalt  }
0x66: {  	_ =	shalt  }
0x67: {  	_ =	shalt  }
0x68: {  	_ =	shalt  }
0x69: {  	_ =	shalt  }
0x6a: {  	_ =	shalt  }
0x6b: {  	_ =	shalt  }
0x6c: {  	_ =	shalt  }
0x6d: {  	_ =	shalt  }
0x6e: {  	_ =	shalt  }
0x6f: {  	_ =	shalt  }
0x70: {  	_ =	shalt  }
0x71: {  	_ =	shalt  }
0x72: {  	_ =	shalt  }
0x73: {  	_ =	shalt  }
0x74: {  	_ =	shalt  }
0x75: {  	_ =	shalt  }
0x76: {  	_ =	shalt  }
0x77: {  	_ =	shalt  }
0x78: {  	_ =	shalt  }
0x79: {  	_ =	shalt  }
0x7a: {  	_ =	shalt  }
0x7b: {  	_ =	shalt  }
0x7c: {  	_ =	shalt  }
0x7d: {  	_ =	shalt  }
0x7e: {  	_ =	shalt  }
0x7f: {  	_ =	shalt  }
0x80: {  	_ =	shalt  }
0x81: {  	_ =	shalt  }
0x82: {  	_ =	shalt  }
0x83: {  	_ =	shalt  }
0x84: {  	_ =	shalt  }
0x85: {  	_ =	shalt  }
0x86: {  	_ =	shalt  }
0x87: {  	_ =	shalt  }
.Lfunc_end0:
.L_simem_size_0:
called_computation_lowered:
.L_overlay_start_0:
0x88: {  	s2 =	sld [smem:$0x3FD9]  }
0x89: {  	s3 =	sld [smem:$0x3FFE];
	_ =	sdelay $0x1  }
0x8a: {  	s1 =	srdreg.scid  }
0x8b: {  	s0 =	sand.u32 $0x1, s1  }
0x8c: {  	s17 =	sshll.u32 s0, $0xA;
	s2 =	sadd.s32 s3, s2  }
0x8d: {  	s2 =	sadd.s32 s2, s17  }
0x8e: {  	[smem:$0x3FAE] =	sst s2  }
0x8f: {  	_ = 	snop  }
0x90: {  	s4 =	sld [smem:$0x3FC9]  }
0x91: {  	s18 =	sld [smem:$0x3FD0];
	(tm) =	ssettm $0x1  }
0x92: {  	s19 =	sld [smem:$0x3FFB];
	_ =	sdelay $0x3  }
0x93: {  	_ =	strace s19  }
0x94: {  	s2 =	sld [smem:$0x3FFC];
	_ =	sdelay $0x3  }
0x95: {  	_ =	strace s2  }
0x96: {  	s2 =	sld [smem:$0x3FFD];
	_ =	sdelay $0x3  }
0x97: {  	_ =	strace s2  }
0x98: {  	_ =	strace $0x8FFFFFFF  }
0x99: {  	s20 =	sld [smem:$0x3FDB];
	_ =	sdelay $0x1  }
0x9a: {  	s5 =	simm.s32 $_scs_section_size  }
0x9b: {  	s6 =	simm.s32 $_size__tile_overlayer_lowered;
	s7 =	simm.s32 $_tile_overlayer_lowered  }
0x9c: {  	s8 =	simm.s32 $0x1BFF;
	s21 =	sshll.u32 s7, $0x1;
	s5 =	sadd.s32 s5, s20  }
0x9d: {  	s22 =	simm.s32 $0x0;
	s6 =	sshll.u32 s6, $0x1;
	s7 =	sadd.s32 s21, s5  }
0x9e: {  	[timem:s22], [sflag:s8] =	dma.local [hbm:s7], s6  }
0x9f: {  	_ =	swait.ge [sflag:s8], s6  }
0xa0: {  	s6 =	ssub.s32 $0x0, s6;
	[sflag:s8] =	ssyncset.done $0x0  }
0xa1: {  	[sflag:s8] =	ssyncadd.s32 s6;
	_ =	sdelay $0x1  }
0xa2: {  	s23 =	simm.s32 $0x1B8B  }
0xa3: {  	_ =	swait.ge [sflag:s23], $0x1  }
0xa4: {  	[sflag:s23] =	ssyncset.done $0x0  }
0xa5: {  	[sflag:s23] =	ssyncadd.s32 $0xFFFFFFFF  }
0xa6: {  	s6 =	sld [smem:$0x0]  }
0xa7: {  	s7 =	sand.u32 $0xFFFFFFFE, s1  }
0xa8: {  	p0 =	sne.s32 s1, s7  }
0xa9: {  	s7 =	sshll.u32 @p0 s7, $0xE  }
0xaa: {  	s7 =	sadd.s32 @p0 $0x11B8D, s7;
	s8 =	sshll.u32 @p0 s6, $0x11  }
0xab: {  	s7 =	sor.u32 @p0 s8, s7  }
0xac: {  	[sflag:s7] =	ssyncadd.remote.s32 @p0 $0x1;
	_ =	sdelay $0x1  }
0xad: {  	s7 =	simm.s32 @p0 $0x1B8D  }
0xae: {  	_ =	swait.eq @p0 [sflag:s7], $0x1  }
0xaf: {  	[sflag:s7] =	ssyncadd.s32 @p0 $0xFFFFFFFF  }
0xb0: {  	s8 =	sshll.u32 @!p0 s1, $0xE  }
0xb1: {  	s8 =	sor.u32 @!p0 $0x4000, s8;
	s7 =	simm.s32 @!p0 $0x1B8D  }
0xb2: {  	s6 =	sshll.u32 @!p0 s6, $0x11;
	s8 =	sadd.s32 @!p0 $0x11B8D, s8;
	_ =	swait.eq @!p0 [sflag:s7], $0x1  }
0xb3: {  	s6 =	sor.u32 @!p0 s6, s8;
	[sflag:s7] =	ssyncadd.s32 @!p0 $0xFFFFFFFF  }
0xb4: {  	s25 =	simm.s32 $0x1B8E;
	s24 =	sld [smem:$0x3FFE];
	[sflag:s6] =	ssyncadd.remote.s32 @!p0 $0x1  }
0xb5: {  	s26 =	simm.s32 $execute0_lowered;
	[smem:$0x3FD2] =	sst s25  }
0xb6: {  	s7 =	sshll.u32 s26, $0x1;
	_ =	strace $0x80000049;
	[dreg:$0x1] =	wrdreg $0xFFFFFFFF  }
0xb7: {  	s28 =	simm.s32 $_size_execute0_lowered;
	s5 =	sadd.s32 s5, s7;
	[dreg:$0x0] =	wrdreg $0x0  }
0xb8: {  	s7 =	sshll.u32 s28, $0x1;
	[dreg:$0x2] =	wrdreg s5  }
0xb9: {  	[dreg:$0x3] =	wrdreg s7  }
0xba: {  	[dreg:$0x4] =	wrdreg $0xC0  }
0xbb: {  	_ =	task [dreg:s22], $0x5FFFF  }
0xbc: {  	[dreg:$0x1] =	wrdreg $0xFFFFFFFF  }
0xbd: {  	[dreg:$0x0] =	wrdreg $0x60  }
0xbe: {  	[dreg:$0x2] =	wrdreg s4  }
0xbf: {  	[dreg:$0x3] =	wrdreg s24  }
0xc0: {  	[dreg:$0x4] =	wrdreg s18  }
0xc1: {  	[dreg:$0x5] =	wrdreg $0x9  }
0xc2: {  	_ =	task.clear_ibuf [dreg:s22], $0x6FFFF;
	_ =	strace $0x90000049  }
0xc3: {  	s29 =	simm.s32 $0x9;
	_ =	strace $0x8000004B  }
0xc4: {  	_ =	swait.ge [sflag:s29], $0x1  }
0xc5: {  	[sflag:s29] =	ssyncadd.s32 $0xFFFFFFFF  }
0xc6: {  	_ =	strace $0x9000004B  }
0xc7: {  	_ =	sfence  }
0xc8: {  	s30 =	sld [smem:$0x0];
	_ =	sdelay $0x2  }
0xc9: {  	s31 =	sshll.u32 s1, $0xD;
	s1 =	sshrl.u32 s1, $0x2  }
0xca: {  	s4 =	sand.u32 $0x4000, s31;
	s1 =	sadd.s32 s1, s30  }
0xcb: {  	s0 =	sor.u32 s4, s0;
	s1 =	sshll.u32 s1, $0x11  }
0xcc: {  	s0 =	sor.u32 s1, s0  }
0xcd: {  	s0 =	sadd.s32 $0x8F2B, s0  }
0xce: {  	[sflag:s0] =	ssyncadd.remote.s32 $0x1  }
0xcf: {  	_ =	sfence.sel $0xFFFF  }
0xd0: {  	[dreg:$0x0] =	wrdreg $0xFFFFFFFF;
	(pc) =	sbr.abs _section_cstart, $3  }
0xd1: {  	[dreg:$0x1] =	wrdreg $0xFFFFFFFF  }
0xd2: {  	_ =	task.clear_ibuf [dreg:s22], $0x2FFFF;
	_ =	strace $0x9FFFFFFF  }
0xd3: {  	(tm) =	ssettm $0x7FFFFFFF  }
tec
execute0_lowered:
.L_overlay_start_1:
0x0: {  	(tag) =	ssettag $0x1  }
0x1: {  	s1 =	rddreg [dreg:$0x0]  }
0x2: {  	s7 =	rddreg [dreg:$0x1];
	s2 =	srdreg.scid  }
0x3: {  	s0 =	stileid.u32;
	s8 =	rddreg [dreg:$0x2];
	s3 =	simm.s32 $0x0  }
0x4: {  	s13 =	simm.s32 $0x50;
	s14 =	simm.s32 $0x800;
	s15 =	simm.s32 $0x3000  }
0x5: {  	s16 =	simm.s32 $0x5800;
	s17 =	simm.s32 $0x8000;
	s18 =	simm.s32 $0x1  }
0x6: {  	s19 =	simm.s32 $0x2;
	s20 =	simm.s32 $0xA800;
	s21 =	simm.s32 $0x3  }
0x7: {  	s22 =	simm.s32 $0x4;
	s9 =	sand.u32 $0x1, s2;
	s4 =	sshll.u32 s0, $0x1  }
0x8: {  	s23 =	simm.s32 $0x0;
	s2 =	rddreg [dreg:$0x3];
	s6 =	sor.u32 s9, s4  }
0x9: {  	[smem:$0x7FF] =	sst s3;
	s5 =	sadd.s32 $0xFA00, s7;
	s4 =	smul.u32 $0x7D0, s6  }
0xa: {  	_ =	strace $0x8000004A;
	s9 =	ssub.s32 $0x2, s9;
	s10 =	smul.u32 $0x3E800, s6  }
0xb: {  	s6 =	sadd.s32 $0x22AC00, s7;
	s7 =	sadd.s32 $0x324C00, s7;
	s11 =	sshrl.u32 s9, $0x1  }
0xc: {  	s11 =	ssub.s32 s9, s11;
	s12 =	sshrl.u32 s4, $0x3;
	s10 =	sshrl.u32 s10, $0x3  }
0xd: {  	s11 =	smax.u32 s11, $0x1;
	s8 =	sadd.s32 s8, s12;
	s10 =	sadd.s32 $0x7800, s10  }
0xe: {  	s12 =	simm.s32 $0x5;
	s9 =	sadd.s32 s6, s10;
	s10 =	sadd.s32 s7, s10  }
.LBB2_1:
0xf: {  	[tilespmem:s3], [sflag:$0x5] =	stream.linear.gather [hbm4b:s8+s3], $0x7D0, $0x38;
	[tilespmem:$0xD000] =	vst v63  }
0x10: {  	_ =	swait.ge [sflag:s12], $0x7D0  }
0x11: {  	[sflag:s12] =	ssyncset.done $0x0  }
0x12: {  	[sflag:s12] =	ssyncadd.s32 $0xFFFFF830  }
0x13: {  	[tilespmem:s14], [sflag:$0x1] =	stream.indirect.gather [hbm4b:s1+s13], $0x80, s3, s13, $0xb8;
	[tilespmem:$0xD000] =	vst v63  }
0x14: {  	s24 =	simm.s32 $0x0  }
0x15: {  	[tilespmem:s15], [sflag:$0x2] =	stream.indirect.gather [hbm4b:s5+s13], $0x80, s3, s13, $0xb8;
	[tilespmem:$0xD000] =	vst v63  }
.LBB2_2:
0x16: {  	s26 =	smul.u32 $0xA0, s24;
	_ =	sdelay $0x1  }
0x17: {  	s25 =	sadd.s32 $0x50, s26  }
0x18: {  	[tilespmem:s16], [sflag:$0x3] =	stream.indirect.gather [hbm4b:s1+s13], $0x80, s25, s13, $0xb8;
	[tilespmem:$0xD000] =	vst v63  }
0x19: {  	_ = 	snop  }
0x1a: {  	[tilespmem:s17], [sflag:$0x4] =	stream.indirect.gather [hbm4b:s5+s13], $0x80, s25, s13, $0xb8;
	[tilespmem:$0xD000] =	vst v63  }
0x1b: {  	_ =	swait.ge [sflag:s18], $0x2800  }
0x1c: {  	[sflag:s18] =	ssyncset.done $0x0  }
0x1d: {  	[sflag:s18] =	ssyncadd.s32 $0xFFFFD800  }
0x1e: {  	_ =	swait.ge [sflag:s19], $0x2800  }
0x1f: {  	[sflag:s19] =	ssyncset.done $0x0  }
0x20: {  	s28 =	simm.s32 $0x0;
	[sflag:s19] =	ssyncadd.s32 $0xFFFFD800  }
0x21: {  	s29 =	simm.s32 $0x200;
	v0 =	vld [tilespmem:s28+$0x3000]  }
.LBB2_3:
0x22: {  	p0 =	sne.s32 s29, $0x9E00  }
.Ltmp0:
0x23: {  	_ = 	snop;
	(pc) =	sbr.rel @p0 .LBB2_3-.Ltmp0, $3  }
0x24: {  	_ =	sdelay $0x1  }
0x25: {  	[tilespmem:s28+$0xA800] =	vst v0;
	s28 =	sshra.s32 s29, $0x2;
	s29 =	sadd.s32 $0x200, s29  }
0x26: {  	v0 =	vld [tilespmem:s28+$0x3000]  }
0x27: {  	_ =	sdelay $0x1  }
0x28: {  	s26 =	sadd.s32 s4, s26  }
0x29: {  	s26 =	sshll.u32 s26, $0x4  }
0x2a: {  	s29 =	simm.s32 $0x0;
	[tilespmem:s28+$0xA800] =	vst v0;
	s28 =	sadd.s32 s6, s26  }
0x2b: {  	[hbm4b:s28+s29] =	stream.linear.scatter [tilespmem:s14], [sflag:$0x5], $0x2800, $0x38;
	[tilespmem:$0xD000] =	vst v63  }
0x2c: {  	_ =	swait.ge [sflag:s12], $0x2800  }
0x2d: {  	[sflag:s12] =	ssyncset.done $0x0  }
0x2e: {  	s31 =	smul.u32 $0x280, s24;
	s26 =	sadd.s32 s7, s26;
	[sflag:s12] =	ssyncadd.s32 $0xFFFFD800  }
0x2f: {  	[hbm4b:s26+s29] =	stream.linear.scatter [tilespmem:s20], [sflag:$0x5], $0x2800, $0x38;
	[tilespmem:$0xD000] =	vst v63  }
0x30: {  	_ =	swait.ge [sflag:s12], $0x2800  }
0x31: {  	s26 =	sshra.s32 s31, $0x2;
	[sflag:s12] =	ssyncset.done $0x0  }
0x32: {  	s26 =	sadd.s32 $0xA0, s26;
	[sflag:s12] =	ssyncadd.s32 $0xFFFFD800  }
0x33: {  	[tilespmem:s14], [sflag:$0x1] =	stream.indirect.gather [hbm4b:s1+s13], $0x80, s26, s13, $0xb8;
	[tilespmem:$0xD000] =	vst v63  }
0x34: {  	_ = 	snop  }
0x35: {  	[tilespmem:s15], [sflag:$0x2] =	stream.indirect.gather [hbm4b:s5+s13], $0x80, s26, s13, $0xb8;
	[tilespmem:$0xD000] =	vst v63  }
0x36: {  	_ =	swait.ge [sflag:s21], $0x2800  }
0x37: {  	[sflag:s21] =	ssyncset.done $0x0  }
0x38: {  	[sflag:s21] =	ssyncadd.s32 $0xFFFFD800  }
0x39: {  	_ =	swait.ge [sflag:s22], $0x2800  }
0x3a: {  	[sflag:s22] =	ssyncset.done $0x0  }
0x3b: {  	s26 =	simm.s32 $0x0;
	[sflag:s22] =	ssyncadd.s32 $0xFFFFD800  }
0x3c: {  	s28 =	simm.s32 $0x200;
	v0 =	vld [tilespmem:s26+$0x8000]  }
.LBB2_5:
0x3d: {  	p0 =	sne.s32 s28, $0x9E00  }
.Ltmp1:
0x3e: {  	_ = 	snop;
	(pc) =	sbr.rel @p0 .LBB2_5-.Ltmp1, $3  }
0x3f: {  	_ =	sdelay $0x1  }
0x40: {  	[tilespmem:s26+$0xA800] =	vst v0;
	s26 =	sshra.s32 s28, $0x2;
	s28 =	sadd.s32 $0x200, s28  }
0x41: {  	v0 =	vld [tilespmem:s26+$0x8000]  }
0x42: {  	_ =	sdelay $0x1  }
0x43: {  	s25 =	sadd.s32 s4, s25  }
0x44: {  	s25 =	sshll.u32 s25, $0x4  }
0x45: {  	s31 =	sadd.s32 s6, s25;
	[tilespmem:s26+$0xA800] =	vst v0  }
0x46: {  	[hbm4b:s31+s3] =	stream.linear.scatter [tilespmem:s16], [sflag:$0x5], $0x2800, $0x38;
	[tilespmem:$0xD000] =	vst v63  }
0x47: {  	s24 =	sadd.s32 $0x1, s24;
	_ =	swait.ge [sflag:s12], $0x2800  }
0x48: {  	p0 =	sne.s32 s24, $0xC;
	[sflag:s12] =	ssyncset.done $0x0  }
.Ltmp2:
0x49: {  	s25 =	sadd.s32 s7, s25;
	[sflag:s12] =	ssyncadd.s32 $0xFFFFD800;
	(pc) =	sbr.rel @p0 .LBB2_2-.Ltmp2, $4  }
0x4a: {  	[hbm4b:s25+s3] =	stream.linear.scatter [tilespmem:s20], [sflag:$0x5], $0x2800, $0x38;
	[tilespmem:$0xD000] =	vst v63  }
0x4b: {  	_ =	swait.ge [sflag:s12], $0x2800  }
0x4c: {  	[sflag:s12] =	ssyncset.done $0x0  }
0x4d: {  	[sflag:s12] =	ssyncadd.s32 $0xFFFFD800  }
0x4e: {  	_ =	swait.ge [sflag:s18], $0x2800  }
0x4f: {  	[sflag:s18] =	ssyncset.done $0x0  }
0x50: {  	[sflag:s18] =	ssyncadd.s32 $0xFFFFD800  }
0x51: {  	_ =	swait.ge [sflag:s19], $0x2800  }
0x52: {  	[sflag:s19] =	ssyncset.done $0x0  }
0x53: {  	s24 =	simm.s32 $0x0;
	[sflag:s19] =	ssyncadd.s32 $0xFFFFD800  }
0x54: {  	s25 =	simm.s32 $0x200;
	v0 =	vld [tilespmem:s24+$0x3000]  }
.LBB2_8:
0x55: {  	p0 =	sne.s32 s25, $0x9E00  }
.Ltmp3:
0x56: {  	_ = 	snop;
	(pc) =	sbr.rel @p0 .LBB2_8-.Ltmp3, $3  }
0x57: {  	_ =	sdelay $0x1  }
0x58: {  	[tilespmem:s24+$0xA800] =	vst v0;
	s24 =	sshra.s32 s25, $0x2;
	s25 =	sadd.s32 $0x200, s25  }
0x59: {  	v0 =	vld [tilespmem:s24+$0x3000]  }
0x5a: {  	_ =	sdelay $0x3  }
0x5b: {  	[tilespmem:s24+$0xA800] =	vst v0  }
0x5c: {  	[hbm4b:s9+s3] =	stream.linear.scatter [tilespmem:s14], [sflag:$0x5], $0x2800, $0x38;
	[tilespmem:$0xD000] =	vst v63  }
0x5d: {  	s23 =	sadd.s32 $0x1, s23;
	_ =	swait.ge [sflag:s12], $0x2800  }
0x5e: {  	p0 =	sne.s32 s23, s11;
	[sflag:s12] =	ssyncset.done $0x0  }
.Ltmp4:
0x5f: {  	[sflag:s12] =	ssyncadd.s32 $0xFFFFD800;
	(pc) =	sbr.rel @p0 .LBB2_1-.Ltmp4, $4  }
0x60: {  	[hbm4b:s10+s3] =	stream.linear.scatter [tilespmem:s20], [sflag:$0x5], $0x2800, $0x38;
	[tilespmem:$0xD000] =	vst v63  }
0x61: {  	_ =	swait.ge [sflag:s12], $0x2800  }
0x62: {  	[sflag:s12] =	ssyncset.done $0x0  }
0x63: {  	[sflag:s12] =	ssyncadd.s32 $0xFFFFD800  }
0x64: {  	_ =	sfence.sel $0x180000  }
0x65: {  	[bflag:$0x0] =	sbarrier.arrive $0xFFFF  }
0x66: {  	p0 =	sne.s32 s0, $0x0;
	_ =	strace $0x9000004A  }
0x67: {  	s0 =	sadd.s32 @!p0 $0x100000, s2;
	[bflag:$0x2] =	sbarrier.arrive $0xFFFF  }
0x68: {  	[sflag:s0] =	ssyncadd.tile.s32 @!p0 $0x1;
	_ =	shalt  }
.Lfunc_end2:
_tile_overlayer_lowered:
.L_overlay_start_2:
0x69: {  	(tag) =	ssettag $0x2  }
0x6a: {  	s0 =	rddreg [dreg:$0x0];
	s2 =	stileid.u32  }
0x6b: {  	s1 =	rddreg [dreg:$0x1];
	p0 =	sne.s32 s2, $0x0  }
0x6c: {  	s3 =	rddreg [dreg:$0x2];
	[bflag:$0x3] =	sbarrier.arrive $0xFFFF;
	s2 =	simm.s32 @!p0 $0x1C05  }
0x6d: {  	[timem:s3], [sflag:s2] =	dma.local @!p0 [hbm:s0], s1  }
0x6e: {  	s0 =	simm.s32 @!p0 $0x5  }
0x6f: {  	_ =	swait.ge @!p0 [sflag:s0], s1  }
0x70: {  	s1 =	ssub.s32 @!p0 $0x0, s1;
	[sflag:s0] =	ssyncset.done @!p0 $0x0  }
0x71: {  	[sflag:s0] =	ssyncadd.s32 @!p0 s1  }
0x72: {  	[bflag:$0x3] =	sbarrier.arrive $0xFFFF  }
0x73: {  	_ =	shalt  }

// kernel: kernel.15.cloned.1.call-start
scs
__scs_entry_jumppad:
0x0: {  	(pc) =	sbr.rel $0x88, $3  }
0x1: {  	(tag) =	ssettag $0x0;
	lr =	simm.s32 $0x1  }
0x2: {  	[smem:$0x3F87] =	sst lr;
	_ =	strace $0xD0000000  }
0x3: {  	_ = 	snop  }
0x4: {  	_ = 	snop  }
0x5: {  	_ = 	snop  }
0x6: {  	_ = 	snop  }
0x7: {  	_ = 	snop  }
__scs_overlays_trampoline_lowered:
0x8: {  	[smem:$0x3F96] =	sst s0  }
0x9: {  	[smem:$0x3F97] =	sst s1  }
0xa: {  	[smem:$0x3F98] =	sst s2  }
0xb: {  	[smem:$0x3F99] =	sst s3  }
0xc: {  	[smem:$0x3F9A] =	sst s4  }
0xd: {  	[smem:$0x3F9B] =	sst s5  }
0xe: {  	[smem:$0x3F9C] =	sst s6  }
0xf: {  	[smem:$0x3F9D] =	sst s7  }
0x10: {  	[smem:$0x3F9E] =	sst s8  }
0x11: {  	[smem:$0x3F9F] =	sst s9;
	s0 =	simm.s32 @!p0 $0x0  }
0x12: {  	s1 =	sld [smem:$0x3F85];
	s0 =	simm.s32 @p0 $0x1  }
0x13: {  	[smem:$0x3FA0] =	sst s0;
	s0 =	simm.s32 @!p1 $0x0  }
0x14: {  	s2 =	sld [smem:$0x3F84];
	s0 =	simm.s32 @p1 $0x1  }
0x15: {  	[smem:$0x3FA1] =	sst s0;
	s0 =	simm.s32 @!p2 $0x0  }
0x16: {  	s3 =	sld [smem:$0x3FDB];
	s0 =	simm.s32 @p2 $0x1  }
0x17: {  	s4 =	simm.s32 $0x1BF5;
	[smem:$0x3FA3] =	sst s0  }
0x18: {  	s0 =	sld [smem:$0x3F86];
	_ =	swait.ge [sflag:s4], $0x0  }
0x19: {  	s7 =	sld [smem:$0x3F87]  }
0x1a: {  	s8 =	sadd.s32 $0xFFFFE003, lr  }
0x1b: {  	s9 =	sadd.s32 $0xFFFFFEF7, lr;
	s5 =	simm.s32 $0xFFFFFFFF;
	p2 =	slt.u32 s8, $0xFFFFF086  }
0x1c: {  	p1 =	slt.u32 s9, $0xF7A;
	s5 =	simm.s32 @!p2 $0x0  }
0x1d: {  	s5 =	simm.s32 @p1 $0x1;
	p0 =	seq.s32 s7, s2  }
0x1e: {  	s7 =	smul.u32 @!p0 $0xF7A, s2;
	p2 =	seq.s32 @!p0 s5, $0x0  }
0x1f: {  	s9 =	smul.u32 $0xF7A, s1;
	s8 =	simm.s32 @!p0 $0x1BF5;
	p2 =	por !p2, p0  }
0x20: {  	[sflag:s8] =	ssyncset.s32 @!p0 $0xFFFFF086;
	s6 =	sadd.s32 @!p0 s3, s7;
	s7 =	simm.s32 @!p0 $0x108  }
0x21: {  	s3 =	sadd.s32 s3, s9;
	s6 =	sadd.s32 @!p0 $0x88, s6;
	s7 =	simm.s32 @p2 $0x1082  }
0x22: {  	[simem:s7], [sflag:s8] =	dma.local @!p0 [hbm:s6], $0xF7A  }
0x23: {  	s9 =	sor.u32 $0xD0000000, s2;
	s6 =	simm.s32 $0x108;
	_ =	swait.ge @!p0 [sflag:s8], $0x0  }
0x24: {  	s3 =	sadd.s32 $0x88, s3;
	s6 =	simm.s32 @!p1 $0x1082;
	[sflag:s4] =	ssyncset.s32 $0xFFFFF086  }
0x25: {  	[simem:s6], [sflag:s4] =	dma.local [hbm:s3], $0xF7A  }
0x26: {  	[smem:$0x3F87] =	sst s1;
	(tag) =	ssettag s2;
	_ =	strace s9  }
0x27: {  	s1 =	sld [smem:$0x3F97]  }
0x28: {  	s2 =	sld [smem:$0x3F98]  }
0x29: {  	s4 =	sld [smem:$0x3F9A]  }
0x2a: {  	p0 =	seq.s32 s5, $0x0;
	s5 =	sld [smem:$0x3F9B]  }
0x2b: {  	s6 =	sld [smem:$0x3F9C]  }
0x2c: {  	s7 =	sld [smem:$0x3F9D]  }
0x2d: {  	s3 =	simm.s32 $0x108;
	s8 =	sld [smem:$0x3F9E]  }
0x2e: {  	s3 =	simm.s32 @!p0 $0x1082;
	s9 =	sld [smem:$0x3F9F]  }
0x2f: {  	lr =	sadd.s32 s0, s3;
	s0 =	sld [smem:$0x3F96]  }
0x30: {  	s3 =	sld [smem:$0x3F99]  }
0x31: {  	[smem:$0x3FA2] =	sst s10  }
0x32: {  	s10 =	sld [smem:$0x3FA0];
	_ =	sdelay $0x3  }
0x33: {  	p0 =	seq.s32 s10, $0x1;
	s10 =	sld [smem:$0x3FA2];
	_ =	sdelay $0x3  }
0x34: {  	[smem:$0x3FA2] =	sst s10  }
0x35: {  	s10 =	sld [smem:$0x3FA1];
	_ =	sdelay $0x3  }
0x36: {  	p1 =	seq.s32 s10, $0x1;
	s10 =	sld [smem:$0x3FA2];
	_ =	sdelay $0x3  }
0x37: {  	[smem:$0x3FA2] =	sst s10  }
0x38: {  	s10 =	sld [smem:$0x3FA3]  }
0x39: {  	_ = 	snop;
	(pc) =	sbr.ind lr, $3  }
0x3a: {  	_ = 	snop  }
0x3b: {  	_ = 	snop  }
0x3c: {  	p2 =	seq.s32 s10, $0x1;
	s10 =	sld [smem:$0x3FA2]  }
0x3d: {  	_ =	shalt  }
0x3e: {  	_ =	shalt  }
0x3f: {  	_ =	shalt  }
0x40: {  	_ =	shalt  }
0x41: {  	_ =	shalt  }
0x42: {  	_ =	shalt  }
0x43: {  	_ =	shalt  }
0x44: {  	_ =	shalt  }
0x45: {  	_ =	shalt  }
0x46: {  	_ =	shalt  }
0x47: {  	_ =	shalt  }
0x48: {  	_ =	shalt  }
0x49: {  	_ =	shalt  }
0x4a: {  	_ =	shalt  }
0x4b: {  	_ =	shalt  }
0x4c: {  	_ =	shalt  }
0x4d: {  	_ =	shalt  }
0x4e: {  	_ =	shalt  }
0x4f: {  	_ =	shalt  }
0x50: {  	_ =	shalt  }
0x51: {  	_ =	shalt  }
0x52: {  	_ =	shalt  }
0x53: {  	_ =	shalt  }
0x54: {  	_ =	shalt  }
0x55: {  	_ =	shalt  }
0x56: {  	_ =	shalt  }
0x57: {  	_ =	shalt  }
0x58: {  	_ =	shalt  }
0x59: {  	_ =	shalt  }
0x5a: {  	_ =	shalt  }
0x5b: {  	_ =	shalt  }
0x5c: {  	_ =	shalt  }
0x5d: {  	_ =	shalt  }
0x5e: {  	_ =	shalt  }
0x5f: {  	_ =	shalt  }
0x60: {  	_ =	shalt  }
0x61: {  	_ =	shalt  }
0x62: {  	_ =	shalt  }
0x63: {  	_ =	shalt  }
0x64: {  	_ =	shalt  }
0x65: {  	_ =	shalt  }
0x66: {  	_ =	shalt  }
0x67: {  	_ =	shalt  }
0x68: {  	_ =	shalt  }
0x69: {  	_ =	shalt  }
0x6a: {  	_ =	shalt  }
0x6b: {  	_ =	shalt  }
0x6c: {  	_ =	shalt  }
0x6d: {  	_ =	shalt  }
0x6e: {  	_ =	shalt  }
0x6f: {  	_ =	shalt  }
0x70: {  	_ =	shalt  }
0x71: {  	_ =	shalt  }
0x72: {  	_ =	shalt  }
0x73: {  	_ =	shalt  }
0x74: {  	_ =	shalt  }
0x75: {  	_ =	shalt  }
0x76: {  	_ =	shalt  }
0x77: {  	_ =	shalt  }
0x78: {  	_ =	shalt  }
0x79: {  	_ =	shalt  }
0x7a: {  	_ =	shalt  }
0x7b: {  	_ =	shalt  }
0x7c: {  	_ =	shalt  }
0x7d: {  	_ =	shalt  }
0x7e: {  	_ =	shalt  }
0x7f: {  	_ =	shalt  }
0x80: {  	_ =	shalt  }
0x81: {  	_ =	shalt  }
0x82: {  	_ =	shalt  }
0x83: {  	_ =	shalt  }
0x84: {  	_ =	shalt  }
0x85: {  	_ =	shalt  }
0x86: {  	_ =	shalt  }
0x87: {  	_ =	shalt  }
.Lfunc_end0:
.L_simem_size_0:
called_computation.1_lowered:
.L_overlay_start_0:
0x88: {  	s2 =	sld [smem:$0x3FD9]  }
0x89: {  	s3 =	sld [smem:$0x3FFE];
	_ =	sdelay $0x1  }
0x8a: {  	s1 =	srdreg.scid  }
0x8b: {  	s0 =	sand.u32 $0x1, s1  }
0x8c: {  	s17 =	sshll.u32 s0, $0xA;
	s2 =	sadd.s32 s3, s2  }
0x8d: {  	s2 =	sadd.s32 s2, s17  }
0x8e: {  	[smem:$0x3FAE] =	sst s2  }
0x8f: {  	_ = 	snop  }
0x90: {  	s2 =	sld [smem:$0x3FC9];
	(tm) =	ssettm $0x1  }
0x91: {  	s18 =	sld [smem:$0x3FFB];
	_ =	sdelay $0x3  }
0x92: {  	_ =	strace s18  }
0x93: {  	s3 =	sld [smem:$0x3FFC];
	_ =	sdelay $0x3  }
0x94: {  	_ =	strace s3  }
0x95: {  	s3 =	sld [smem:$0x3FFD];
	_ =	sdelay $0x3  }
0x96: {  	_ =	strace s3  }
0x97: {  	_ =	strace $0x8FFFFFFF  }
0x98: {  	s19 =	sld [smem:$0x3FDB];
	_ =	sdelay $0x1  }
0x99: {  	s4 =	simm.s32 $_scs_section_size  }
0x9a: {  	s5 =	simm.s32 $_size__tile_overlayer_lowered;
	s6 =	simm.s32 $_tile_overlayer_lowered  }
0x9b: {  	s22 =	simm.s32 $0x1BFF;
	s21 =	sshll.u32 s6, $0x1;
	s3 =	sadd.s32 s4, s19  }
0x9c: {  	s7 =	simm.s32 $0x0;
	s20 =	sshll.u32 s5, $0x1;
	s5 =	sadd.s32 s21, s3  }
0x9d: {  	[timem:s7], [sflag:s22] =	dma.local [hbm:s5], s20  }
0x9e: {  	_ =	swait.ge [sflag:s22], s20  }
0x9f: {  	s4 =	ssub.s32 $0x0, s20;
	[sflag:s22] =	ssyncset.done $0x0  }
0xa0: {  	[sflag:s22] =	ssyncadd.s32 s4;
	_ =	sdelay $0x1  }
0xa1: {  	s23 =	simm.s32 $0x1B8B  }
0xa2: {  	_ =	swait.ge [sflag:s23], $0x1  }
0xa3: {  	[sflag:s23] =	ssyncset.done $0x0  }
0xa4: {  	s25 =	simm.s32 $0x1B8E;
	s24 =	sld [smem:$0x3FFE];
	[sflag:s23] =	ssyncadd.s32 $0xFFFFFFFF  }
0xa5: {  	s26 =	simm.s32 $execute0_lowered;
	[smem:$0x3FD2] =	sst s25  }
0xa6: {  	s5 =	sshll.u32 s26, $0x1;
	_ =	strace $0x80000046;
	[dreg:$0x1] =	wrdreg $0xFFFFFFFF  }
0xa7: {  	s28 =	simm.s32 $_size_execute0_lowered;
	s3 =	sadd.s32 s3, s5;
	[dreg:$0x0] =	wrdreg $0x0  }
0xa8: {  	s5 =	sshll.u32 s28, $0x1;
	[dreg:$0x2] =	wrdreg s3  }
0xa9: {  	[dreg:$0x3] =	wrdreg s5  }
0xaa: {  	[dreg:$0x4] =	wrdreg $0xC0  }
0xab: {  	_ =	task [dreg:s7], $0x5FFFF  }
0xac: {  	[dreg:$0x1] =	wrdreg $0xFFFFFFFF  }
0xad: {  	[dreg:$0x0] =	wrdreg $0x60  }
0xae: {  	[dreg:$0x2] =	wrdreg s2  }
0xaf: {  	[dreg:$0x3] =	wrdreg s24  }
0xb0: {  	[dreg:$0x4] =	wrdreg $0xA  }
0xb1: {  	_ =	task.clear_ibuf [dreg:s7], $0x5FFFF;
	_ =	strace $0x90000046  }
0xb2: {  	s29 =	simm.s32 $0xA;
	_ =	strace $0x80000048  }
0xb3: {  	_ =	swait.ge [sflag:s29], $0x1  }
0xb4: {  	[sflag:s29] =	ssyncadd.s32 $0xFFFFFFFF  }
0xb5: {  	_ =	strace $0x90000048  }
0xb6: {  	_ =	sfence  }
0xb7: {  	s30 =	sld [smem:$0x0];
	_ =	sdelay $0x2  }
0xb8: {  	s31 =	sshll.u32 s1, $0xD;
	s1 =	sshrl.u32 s1, $0x2  }
0xb9: {  	s3 =	sand.u32 $0x4000, s31;
	s1 =	sadd.s32 s1, s30  }
0xba: {  	s0 =	sor.u32 s3, s0;
	s1 =	sshll.u32 s1, $0x11  }
0xbb: {  	s0 =	sor.u32 s1, s0  }
0xbc: {  	s0 =	sadd.s32 $0x8F2B, s0  }
0xbd: {  	[sflag:s0] =	ssyncadd.remote.s32 $0x1  }
0xbe: {  	_ =	sfence.sel $0xFFFF  }
0xbf: {  	[dreg:$0x0] =	wrdreg $0xFFFFFFFF;
	(pc) =	sbr.abs _section_cstart, $3  }
0xc0: {  	[dreg:$0x1] =	wrdreg $0xFFFFFFFF  }
0xc1: {  	_ =	task.clear_ibuf [dreg:s7], $0x2FFFF;
	_ =	strace $0x9FFFFFFF  }
0xc2: {  	(tm) =	ssettm $0x7FFFFFFF  }
0xc3: {  	_ =	shalt  }
tec
execute0_lowered:
.L_overlay_start_1:
0x0: {  	(tag) =	ssettag $0x1  }
0x1: {  	s2 =	rddreg [dreg:$0x0]  }
0x2: {  	s1 =	srdreg.scid;
	s0 =	stileid.u32  }
0x3: {  	s7 =	rddreg [dreg:$0x1];
	s3 =	simm.s32 $0x0;
	s12 =	simm.s32 $0x5  }
0x4: {  	s13 =	simm.s32 $0x50;
	s14 =	simm.s32 $0x800;
	s15 =	simm.s32 $0x3000  }
0x5: {  	s16 =	simm.s32 $0x5800;
	s17 =	simm.s32 $0x8000;
	s18 =	simm.s32 $0x1  }
0x6: {  	s19 =	simm.s32 $0x2;
	s20 =	simm.s32 $0xA800;
	s21 =	simm.s32 $0x3  }
0x7: {  	s22 =	simm.s32 $0x4;
	s8 =	sand.u32 $0x1, s1;
	s4 =	sshll.u32 s0, $0x1  }
0x8: {  	s23 =	simm.s32 $0x0;
	s1 =	rddreg [dreg:$0x2];
	s6 =	sor.u32 s8, s4  }
0x9: {  	[smem:$0x7FF] =	sst s3;
	s8 =	ssub.s32 $0x2, s8;
	s4 =	smul.u32 $0x7D0, s6  }
0xa: {  	s5 =	sadd.s32 $0xFA00, s7;
	s10 =	smul.u32 $0x3E800, s6;
	s11 =	sshrl.u32 s8, $0x1  }
0xb: {  	_ =	strace $0x80000047;
	s6 =	sadd.s32 $0x36C00, s7;
	s11 =	ssub.s32 s8, s11  }
0xc: {  	s9 =	sshrl.u32 s4, $0x3;
	s10 =	sshrl.u32 s10, $0x3;
	s11 =	smax.u32 s11, $0x1  }
0xd: {  	s9 =	sadd.s32 s9, s7;
	s7 =	sadd.s32 $0x130C00, s7;
	s10 =	sadd.s32 $0x7800, s10  }
0xe: {  	s8 =	sadd.s32 $0x7A00, s9;
	s9 =	sadd.s32 s6, s10;
	s10 =	sadd.s32 s7, s10  }
.LBB2_1:
0xf: {  	[tilespmem:s3], [sflag:$0x5] =	stream.linear.gather [hbm4b:s8+s3], $0x7D0, $0x38;
	[tilespmem:$0xD000] =	vst v63  }
0x10: {  	_ =	swait.ge [sflag:s12], $0x7D0  }
0x11: {  	[sflag:s12] =	ssyncset.done $0x0  }
0x12: {  	[sflag:s12] =	ssyncadd.s32 $0xFFFFF830  }
0x13: {  	[tilespmem:s14], [sflag:$0x1] =	stream.indirect.gather [hbm4b:s2+s13], $0x80, s3, s13, $0xb8;
	[tilespmem:$0xD000] =	vst v63  }
0x14: {  	s24 =	simm.s32 $0x0  }
0x15: {  	[tilespmem:s15], [sflag:$0x2] =	stream.indirect.gather [hbm4b:s5+s13], $0x80, s3, s13, $0xb8;
	[tilespmem:$0xD000] =	vst v63  }
.LBB2_2:
0x16: {  	s26 =	smul.u32 $0xA0, s24;
	_ =	sdelay $0x1  }
0x17: {  	s25 =	sadd.s32 $0x50, s26  }
0x18: {  	[tilespmem:s16], [sflag:$0x3] =	stream.indirect.gather [hbm4b:s2+s13], $0x80, s25, s13, $0xb8;
	[tilespmem:$0xD000] =	vst v63  }
0x19: {  	_ = 	snop  }
0x1a: {  	[tilespmem:s17], [sflag:$0x4] =	stream.indirect.gather [hbm4b:s5+s13], $0x80, s25, s13, $0xb8;
	[tilespmem:$0xD000] =	vst v63  }
0x1b: {  	_ =	swait.ge [sflag:s18], $0x2800  }
0x1c: {  	[sflag:s18] =	ssyncset.done $0x0  }
0x1d: {  	[sflag:s18] =	ssyncadd.s32 $0xFFFFD800  }
0x1e: {  	_ =	swait.ge [sflag:s19], $0x2800  }
0x1f: {  	[sflag:s19] =	ssyncset.done $0x0  }
0x20: {  	s28 =	simm.s32 $0x0;
	[sflag:s19] =	ssyncadd.s32 $0xFFFFD800  }
0x21: {  	s29 =	simm.s32 $0x200;
	v0 =	vld [tilespmem:s28+$0x3000]  }
.LBB2_3:
0x22: {  	p0 =	sne.s32 s29, $0x9E00  }
.Ltmp0:
0x23: {  	_ = 	snop;
	(pc) =	sbr.rel @p0 .LBB2_3-.Ltmp0, $3  }
0x24: {  	_ =	sdelay $0x1  }
0x25: {  	[tilespmem:s28+$0xA800] =	vst v0;
	s28 =	sshra.s32 s29, $0x2;
	s29 =	sadd.s32 $0x200, s29  }
0x26: {  	v0 =	vld [tilespmem:s28+$0x3000]  }
0x27: {  	_ =	sdelay $0x1  }
0x28: {  	s26 =	sadd.s32 s4, s26  }
0x29: {  	s26 =	sshll.u32 s26, $0x4  }
0x2a: {  	s29 =	simm.s32 $0x0;
	[tilespmem:s28+$0xA800] =	vst v0;
	s28 =	sadd.s32 s6, s26  }
0x2b: {  	[hbm4b:s28+s29] =	stream.linear.scatter [tilespmem:s14], [sflag:$0x5], $0x2800, $0x38;
	[tilespmem:$0xD000] =	vst v63  }
0x2c: {  	_ =	swait.ge [sflag:s12], $0x2800  }
0x2d: {  	[sflag:s12] =	ssyncset.done $0x0  }
0x2e: {  	s31 =	smul.u32 $0x280, s24;
	s26 =	sadd.s32 s7, s26;
	[sflag:s12] =	ssyncadd.s32 $0xFFFFD800  }
0x2f: {  	[hbm4b:s26+s29] =	stream.linear.scatter [tilespmem:s20], [sflag:$0x5], $0x2800, $0x38;
	[tilespmem:$0xD000] =	vst v63  }
0x30: {  	_ =	swait.ge [sflag:s12], $0x2800  }
0x31: {  	s26 =	sshra.s32 s31, $0x2;
	[sflag:s12] =	ssyncset.done $0x0  }
0x32: {  	s26 =	sadd.s32 $0xA0, s26;
	[sflag:s12] =	ssyncadd.s32 $0xFFFFD800  }
0x33: {  	[tilespmem:s14], [sflag:$0x1] =	stream.indirect.gather [hbm4b:s2+s13], $0x80, s26, s13, $0xb8;
	[tilespmem:$0xD000] =	vst v63  }
0x34: {  	_ = 	snop  }
0x35: {  	[tilespmem:s15], [sflag:$0x2] =	stream.indirect.gather [hbm4b:s5+s13], $0x80, s26, s13, $0xb8;
	[tilespmem:$0xD000] =	vst v63  }
0x36: {  	_ =	swait.ge [sflag:s21], $0x2800  }
0x37: {  	[sflag:s21] =	ssyncset.done $0x0  }
0x38: {  	[sflag:s21] =	ssyncadd.s32 $0xFFFFD800  }
0x39: {  	_ =	swait.ge [sflag:s22], $0x2800  }
0x3a: {  	[sflag:s22] =	ssyncset.done $0x0  }
0x3b: {  	s26 =	simm.s32 $0x0;
	[sflag:s22] =	ssyncadd.s32 $0xFFFFD800  }
0x3c: {  	s28 =	simm.s32 $0x200;
	v0 =	vld [tilespmem:s26+$0x8000]  }
.LBB2_5:
0x3d: {  	p0 =	sne.s32 s28, $0x9E00  }
.Ltmp1:
0x3e: {  	_ = 	snop;
	(pc) =	sbr.rel @p0 .LBB2_5-.Ltmp1, $3  }
0x3f: {  	_ =	sdelay $0x1  }
0x40: {  	[tilespmem:s26+$0xA800] =	vst v0;
	s26 =	sshra.s32 s28, $0x2;
	s28 =	sadd.s32 $0x200, s28  }
0x41: {  	v0 =	vld [tilespmem:s26+$0x8000]  }
0x42: {  	_ =	sdelay $0x1  }
0x43: {  	s25 =	sadd.s32 s4, s25  }
0x44: {  	s25 =	sshll.u32 s25, $0x4  }
0x45: {  	s31 =	sadd.s32 s6, s25;
	[tilespmem:s26+$0xA800] =	vst v0  }
0x46: {  	[hbm4b:s31+s3] =	stream.linear.scatter [tilespmem:s16], [sflag:$0x5], $0x2800, $0x38;
	[tilespmem:$0xD000] =	vst v63  }
0x47: {  	s24 =	sadd.s32 $0x1, s24;
	_ =	swait.ge [sflag:s12], $0x2800  }
0x48: {  	p0 =	sne.s32 s24, $0xC;
	[sflag:s12] =	ssyncset.done $0x0  }
.Ltmp2:
0x49: {  	s25 =	sadd.s32 s7, s25;
	[sflag:s12] =	ssyncadd.s32 $0xFFFFD800;
	(pc) =	sbr.rel @p0 .LBB2_2-.Ltmp2, $4  }
0x4a: {  	[hbm4b:s25+s3] =	stream.linear.scatter [tilespmem:s20], [sflag:$0x5], $0x2800, $0x38;
	[tilespmem:$0xD000] =	vst v63  }
0x4b: {  	_ =	swait.ge [sflag:s12], $0x2800  }
0x4c: {  	[sflag:s12] =	ssyncset.done $0x0  }
0x4d: {  	[sflag:s12] =	ssyncadd.s32 $0xFFFFD800  }
0x4e: {  	_ =	swait.ge [sflag:s18], $0x2800  }
0x4f: {  	[sflag:s18] =	ssyncset.done $0x0  }
0x50: {  	[sflag:s18] =	ssyncadd.s32 $0xFFFFD800  }
0x51: {  	_ =	swait.ge [sflag:s19], $0x2800  }
0x52: {  	[sflag:s19] =	ssyncset.done $0x0  }
0x53: {  	s24 =	simm.s32 $0x0;
	[sflag:s19] =	ssyncadd.s32 $0xFFFFD800  }
0x54: {  	s25 =	simm.s32 $0x200;
	v0 =	vld [tilespmem:s24+$0x3000]  }
.LBB2_8:
0x55: {  	p0 =	sne.s32 s25, $0x9E00  }
.Ltmp3:
0x56: {  	_ = 	snop;
	(pc) =	sbr.rel @p0 .LBB2_8-.Ltmp3, $3  }
0x57: {  	_ =	sdelay $0x1  }
0x58: {  	[tilespmem:s24+$0xA800] =	vst v0;
	s24 =	sshra.s32 s25, $0x2;
	s25 =	sadd.s32 $0x200, s25  }
0x59: {  	v0 =	vld [tilespmem:s24+$0x3000]  }
0x5a: {  	_ =	sdelay $0x3  }
0x5b: {  	[tilespmem:s24+$0xA800] =	vst v0  }
0x5c: {  	[hbm4b:s9+s3] =	stream.linear.scatter [tilespmem:s14], [sflag:$0x5], $0x2800, $0x38;
	[tilespmem:$0xD000] =	vst v63  }
0x5d: {  	s23 =	sadd.s32 $0x1, s23;
	_ =	swait.ge [sflag:s12], $0x2800  }
0x5e: {  	p0 =	sne.s32 s23, s11;
	[sflag:s12] =	ssyncset.done $0x0  }
.Ltmp4:
0x5f: {  	[sflag:s12] =	ssyncadd.s32 $0xFFFFD800;
	(pc) =	sbr.rel @p0 .LBB2_1-.Ltmp4, $4  }
0x60: {  	[hbm4b:s10+s3] =	stream.linear.scatter [tilespmem:s20], [sflag:$0x5], $0x2800, $0x38;
	[tilespmem:$0xD000] =	vst v63  }
0x61: {  	_ =	swait.ge [sflag:s12], $0x2800  }
0x62: {  	[sflag:s12] =	ssyncset.done $0x0  }
0x63: {  	[sflag:s12] =	ssyncadd.s32 $0xFFFFD800  }
0x64: {  	_ =	sfence.sel $0x180000  }
0x65: {  	[bflag:$0x0] =	sbarrier.arrive $0xFFFF  }
0x66: {  	p0 =	sne.s32 s0, $0x0;
	_ =	strace $0x90000047  }
0x67: {  	s0 =	sadd.s32 @!p0 $0x100000, s1;
	[bflag:$0x2] =	sbarrier.arrive $0xFFFF  }
0x68: {  	[sflag:s0] =	ssyncadd.tile.s32 @!p0 $0x1;
	_ =	shalt  }
.Lfunc_end2:
_tile_overlayer_lowered:
.L_overlay_start_2:
0x69: {  	(tag) =	ssettag $0x2  }
0x6a: {  	s0 =	rddreg [dreg:$0x0];
	s2 =	stileid.u32  }
0x6b: {  	s1 =	rddreg [dreg:$0x1];
	p0 =	sne.s32 s2, $0x0  }
0x6c: {  	s3 =	rddreg [dreg:$0x2];
	[bflag:$0x3] =	sbarrier.arrive $0xFFFF;
	s2 =	simm.s32 @!p0 $0x1C05  }
0x6d: {  	[timem:s3], [sflag:s2] =	dma.local @!p0 [hbm:s0], s1  }
0x6e: {  	s0 =	simm.s32 @!p0 $0x5  }
0x6f: {  	_ =	swait.ge @!p0 [sflag:s0], s1  }
0x70: {  	s1 =	ssub.s32 @!p0 $0x0, s1;
	[sflag:s0] =	ssyncset.done @!p0 $0x0  }
0x71: {  	[sflag:s0] =	ssyncadd.s32 @!p0 s1  }
0x72: {  	[bflag:$0x3] =	sbarrier.arrive $0xFFFF  }
0x73: {  	_ =	shalt  }

// kernel: kernel.18.cloned.1.call-start
scs
__scs_entry_jumppad:
0x0: {  	(pc) =	sbr.rel $0x88, $3  }
0x1: {  	(tag) =	ssettag $0x0;
	lr =	simm.s32 $0x1  }
0x2: {  	[smem:$0x3F87] =	sst lr;
	_ =	strace $0xD0000000  }
0x3: {  	_ = 	snop  }
0x4: {  	_ = 	snop  }
0x5: {  	_ = 	snop  }
0x6: {  	_ = 	snop  }
0x7: {  	_ = 	snop  }
__scs_overlays_trampoline_lowered:
0x8: {  	[smem:$0x3F96] =	sst s0  }
0x9: {  	[smem:$0x3F97] =	sst s1  }
0xa: {  	[smem:$0x3F98] =	sst s2  }
0xb: {  	[smem:$0x3F99] =	sst s3  }
0xc: {  	[smem:$0x3F9A] =	sst s4  }
0xd: {  	[smem:$0x3F9B] =	sst s5  }
0xe: {  	[smem:$0x3F9C] =	sst s6  }
0xf: {  	[smem:$0x3F9D] =	sst s7  }
0x10: {  	[smem:$0x3F9E] =	sst s8  }
0x11: {  	[smem:$0x3F9F] =	sst s9;
	s0 =	simm.s32 @!p0 $0x0  }
0x12: {  	s1 =	sld [smem:$0x3F85];
	s0 =	simm.s32 @p0 $0x1  }
0x13: {  	[smem:$0x3FA0] =	sst s0;
	s0 =	simm.s32 @!p1 $0x0  }
0x14: {  	s2 =	sld [smem:$0x3F84];
	s0 =	simm.s32 @p1 $0x1  }
0x15: {  	[smem:$0x3FA1] =	sst s0;
	s0 =	simm.s32 @!p2 $0x0  }
0x16: {  	s3 =	sld [smem:$0x3FDB];
	s0 =	simm.s32 @p2 $0x1  }
0x17: {  	s4 =	simm.s32 $0x1BF5;
	[smem:$0x3FA3] =	sst s0  }
0x18: {  	s0 =	sld [smem:$0x3F86];
	_ =	swait.ge [sflag:s4], $0x0  }
0x19: {  	s7 =	sld [smem:$0x3F87]  }
0x1a: {  	s8 =	sadd.s32 $0xFFFFE003, lr  }
0x1b: {  	s9 =	sadd.s32 $0xFFFFFEF7, lr;
	s5 =	simm.s32 $0xFFFFFFFF;
	p2 =	slt.u32 s8, $0xFFFFF086  }
0x1c: {  	p1 =	slt.u32 s9, $0xF7A;
	s5 =	simm.s32 @!p2 $0x0  }
0x1d: {  	s5 =	simm.s32 @p1 $0x1;
	p0 =	seq.s32 s7, s2  }
0x1e: {  	s7 =	smul.u32 @!p0 $0xF7A, s2;
	p2 =	seq.s32 @!p0 s5, $0x0  }
0x1f: {  	s9 =	smul.u32 $0xF7A, s1;
	s8 =	simm.s32 @!p0 $0x1BF5;
	p2 =	por !p2, p0  }
0x20: {  	[sflag:s8] =	ssyncset.s32 @!p0 $0xFFFFF086;
	s6 =	sadd.s32 @!p0 s3, s7;
	s7 =	simm.s32 @!p0 $0x108  }
0x21: {  	s3 =	sadd.s32 s3, s9;
	s6 =	sadd.s32 @!p0 $0x88, s6;
	s7 =	simm.s32 @p2 $0x1082  }
0x22: {  	[simem:s7], [sflag:s8] =	dma.local @!p0 [hbm:s6], $0xF7A  }
0x23: {  	s9 =	sor.u32 $0xD0000000, s2;
	s6 =	simm.s32 $0x108;
	_ =	swait.ge @!p0 [sflag:s8], $0x0  }
0x24: {  	s3 =	sadd.s32 $0x88, s3;
	s6 =	simm.s32 @!p1 $0x1082;
	[sflag:s4] =	ssyncset.s32 $0xFFFFF086  }
0x25: {  	[simem:s6], [sflag:s4] =	dma.local [hbm:s3], $0xF7A  }
0x26: {  	[smem:$0x3F87] =	sst s1;
	(tag) =	ssettag s2;
	_ =	strace s9  }
0x27: {  	s1 =	sld [smem:$0x3F97]  }
0x28: {  	s2 =	sld [smem:$0x3F98]  }
0x29: {  	s4 =	sld [smem:$0x3F9A]  }
0x2a: {  	p0 =	seq.s32 s5, $0x0;
	s5 =	sld [smem:$0x3F9B]  }
0x2b: {  	s6 =	sld [smem:$0x3F9C]  }
0x2c: {  	s7 =	sld [smem:$0x3F9D]  }
0x2d: {  	s3 =	simm.s32 $0x108;
	s8 =	sld [smem:$0x3F9E]  }
0x2e: {  	s3 =	simm.s32 @!p0 $0x1082;
	s9 =	sld [smem:$0x3F9F]  }
0x2f: {  	lr =	sadd.s32 s0, s3;
	s0 =	sld [smem:$0x3F96]  }
0x30: {  	s3 =	sld [smem:$0x3F99]  }
0x31: {  	[smem:$0x3FA2] =	sst s10  }
0x32: {  	s10 =	sld [smem:$0x3FA0];
	_ =	sdelay $0x3  }
0x33: {  	p0 =	seq.s32 s10, $0x1;
	s10 =	sld [smem:$0x3FA2];
	_ =	sdelay $0x3  }
0x34: {  	[smem:$0x3FA2] =	sst s10  }
0x35: {  	s10 =	sld [smem:$0x3FA1];
	_ =	sdelay $0x3  }
0x36: {  	p1 =	seq.s32 s10, $0x1;
	s10 =	sld [smem:$0x3FA2];
	_ =	sdelay $0x3  }
0x37: {  	[smem:$0x3FA2] =	sst s10  }
0x38: {  	s10 =	sld [smem:$0x3FA3]  }
0x39: {  	_ = 	snop;
	(pc) =	sbr.ind lr, $3  }
0x3a: {  	_ = 	snop  }
0x3b: {  	_ = 	snop  }
0x3c: {  	p2 =	seq.s32 s10, $0x1;
	s10 =	sld [smem:$0x3FA2]  }
0x3d: {  	_ =	shalt  }
0x3e: {  	_ =	shalt  }
0x3f: {  	_ =	shalt  }
0x40: {  	_ =	shalt  }
0x41: {  	_ =	shalt  }
0x42: {  	_ =	shalt  }
0x43: {  	_ =	shalt  }
0x44: {  	_ =	shalt  }
0x45: {  	_ =	shalt  }
0x46: {  	_ =	shalt  }
0x47: {  	_ =	shalt  }
0x48: {  	_ =	shalt  }
0x49: {  	_ =	shalt  }
0x4a: {  	_ =	shalt  }
0x4b: {  	_ =	shalt  }
0x4c: {  	_ =	shalt  }
0x4d: {  	_ =	shalt  }
0x4e: {  	_ =	shalt  }
0x4f: {  	_ =	shalt  }
0x50: {  	_ =	shalt  }
0x51: {  	_ =	shalt  }
0x52: {  	_ =	shalt  }
0x53: {  	_ =	shalt  }
0x54: {  	_ =	shalt  }
0x55: {  	_ =	shalt  }
0x56: {  	_ =	shalt  }
0x57: {  	_ =	shalt  }
0x58: {  	_ =	shalt  }
0x59: {  	_ =	shalt  }
0x5a: {  	_ =	shalt  }
0x5b: {  	_ =	shalt  }
0x5c: {  	_ =	shalt  }
0x5d: {  	_ =	shalt  }
0x5e: {  	_ =	shalt  }
0x5f: {  	_ =	shalt  }
0x60: {  	_ =	shalt  }
0x61: {  	_ =	shalt  }
0x62: {  	_ =	shalt  }
0x63: {  	_ =	shalt  }
0x64: {  	_ =	shalt  }
0x65: {  	_ =	shalt  }
0x66: {  	_ =	shalt  }
0x67: {  	_ =	shalt  }
0x68: {  	_ =	shalt  }
0x69: {  	_ =	shalt  }
0x6a: {  	_ =	shalt  }
0x6b: {  	_ =	shalt  }
0x6c: {  	_ =	shalt  }
0x6d: {  	_ =	shalt  }
0x6e: {  	_ =	shalt  }
0x6f: {  	_ =	shalt  }
0x70: {  	_ =	shalt  }
0x71: {  	_ =	shalt  }
0x72: {  	_ =	shalt  }
0x73: {  	_ =	shalt  }
0x74: {  	_ =	shalt  }
0x75: {  	_ =	shalt  }
0x76: {  	_ =	shalt  }
0x77: {  	_ =	shalt  }
0x78: {  	_ =	shalt  }
0x79: {  	_ =	shalt  }
0x7a: {  	_ =	shalt  }
0x7b: {  	_ =	shalt  }
0x7c: {  	_ =	shalt  }
0x7d: {  	_ =	shalt  }
0x7e: {  	_ =	shalt  }
0x7f: {  	_ =	shalt  }
0x80: {  	_ =	shalt  }
0x81: {  	_ =	shalt  }
0x82: {  	_ =	shalt  }
0x83: {  	_ =	shalt  }
0x84: {  	_ =	shalt  }
0x85: {  	_ =	shalt  }
0x86: {  	_ =	shalt  }
0x87: {  	_ =	shalt  }
.Lfunc_end0:
.L_simem_size_0:
called_computation.2_lowered:
.L_overlay_start_0:
0x88: {  	s2 =	sld [smem:$0x3FD9]  }
0x89: {  	s3 =	sld [smem:$0x3FFE];
	_ =	sdelay $0x1  }
0x8a: {  	s1 =	srdreg.scid  }
0x8b: {  	s0 =	sand.u32 $0x1, s1  }
0x8c: {  	s17 =	sshll.u32 s0, $0xA;
	s2 =	sadd.s32 s3, s2  }
0x8d: {  	s2 =	sadd.s32 s2, s17  }
0x8e: {  	[smem:$0x3FAE] =	sst s2  }
0x8f: {  	_ = 	snop  }
0x90: {  	s18 =	sld [smem:$0x3FC9];
	(tm) =	ssettm $0x1  }
0x91: {  	s19 =	sld [smem:$0x3FFB];
	_ =	sdelay $0x3  }
0x92: {  	_ =	strace s19  }
0x93: {  	s2 =	sld [smem:$0x3FFC];
	_ =	sdelay $0x3  }
0x94: {  	_ =	strace s2  }
0x95: {  	s2 =	sld [smem:$0x3FFD];
	_ =	sdelay $0x3  }
0x96: {  	_ =	strace s2  }
0x97: {  	_ =	strace $0x8FFFFFFF  }
0x98: {  	s20 =	sld [smem:$0x3FDB];
	_ =	sdelay $0x1  }
0x99: {  	s4 =	simm.s32 $_scs_section_size  }
0x9a: {  	s5 =	simm.s32 $_size__tile_overlayer_lowered;
	s6 =	simm.s32 $_tile_overlayer_lowered  }
0x9b: {  	s7 =	simm.s32 $0x1BFF;
	s21 =	sshll.u32 s6, $0x1;
	s4 =	sadd.s32 s4, s20  }
0x9c: {  	s22 =	simm.s32 $0x0;
	s5 =	sshll.u32 s5, $0x1;
	s6 =	sadd.s32 s21, s4  }
0x9d: {  	[timem:s22], [sflag:s7] =	dma.local [hbm:s6], s5  }
0x9e: {  	_ =	swait.ge [sflag:s7], s5  }
0x9f: {  	s5 =	ssub.s32 $0x0, s5;
	[sflag:s7] =	ssyncset.done $0x0  }
0xa0: {  	[sflag:s7] =	ssyncadd.s32 s5;
	_ =	sdelay $0x1  }
0xa1: {  	s23 =	simm.s32 $0x1B8B  }
0xa2: {  	_ =	swait.ge [sflag:s23], $0x1  }
0xa3: {  	[sflag:s23] =	ssyncset.done $0x0  }
0xa4: {  	[sflag:s23] =	ssyncadd.s32 $0xFFFFFFFF  }
0xa5: {  	s5 =	sld [smem:$0x0]  }
0xa6: {  	s6 =	sand.u32 $0xFFFFFFFE, s1  }
0xa7: {  	p0 =	sne.s32 s1, s6  }
0xa8: {  	s6 =	sshll.u32 @p0 s6, $0xE  }
0xa9: {  	s6 =	sadd.s32 @p0 $0x11B8D, s6;
	s7 =	sshll.u32 @p0 s5, $0x11  }
0xaa: {  	s6 =	sor.u32 @p0 s7, s6  }
0xab: {  	[sflag:s6] =	ssyncadd.remote.s32 @p0 $0x1;
	_ =	sdelay $0x1  }
0xac: {  	s6 =	simm.s32 @p0 $0x1B8D  }
0xad: {  	_ =	swait.eq @p0 [sflag:s6], $0x1  }
0xae: {  	[sflag:s6] =	ssyncadd.s32 @p0 $0xFFFFFFFF  }
0xaf: {  	s7 =	sshll.u32 @!p0 s1, $0xE  }
0xb0: {  	s7 =	sor.u32 @!p0 $0x4000, s7;
	s6 =	simm.s32 @!p0 $0x1B8D  }
0xb1: {  	s5 =	sshll.u32 @!p0 s5, $0x11;
	s7 =	sadd.s32 @!p0 $0x11B8D, s7;
	_ =	swait.eq @!p0 [sflag:s6], $0x1  }
0xb2: {  	s5 =	sor.u32 @!p0 s5, s7;
	[sflag:s6] =	ssyncadd.s32 @!p0 $0xFFFFFFFF  }
0xb3: {  	s25 =	simm.s32 $0x1B8E;
	s24 =	sld [smem:$0x3FFE];
	[sflag:s5] =	ssyncadd.remote.s32 @!p0 $0x1  }
0xb4: {  	s26 =	simm.s32 $execute0_lowered;
	[smem:$0x3FD2] =	sst s25  }
0xb5: {  	s6 =	sshll.u32 s26, $0x1;
	_ =	strace $0x8000004C;
	[dreg:$0x1] =	wrdreg $0xFFFFFFFF  }
0xb6: {  	s28 =	simm.s32 $_size_execute0_lowered;
	s4 =	sadd.s32 s4, s6;
	[dreg:$0x0] =	wrdreg $0x0  }
0xb7: {  	s6 =	sshll.u32 s28, $0x1;
	[dreg:$0x2] =	wrdreg s4  }
0xb8: {  	[dreg:$0x3] =	wrdreg s6  }
0xb9: {  	[dreg:$0x4] =	wrdreg $0xC0  }
0xba: {  	_ =	task [dreg:s22], $0x5FFFF  }
0xbb: {  	[dreg:$0x1] =	wrdreg $0xFFFFFFFF  }
0xbc: {  	[dreg:$0x0] =	wrdreg $0x60  }
0xbd: {  	[dreg:$0x2] =	wrdreg s18  }
0xbe: {  	[dreg:$0x3] =	wrdreg s24  }
0xbf: {  	[dreg:$0x4] =	wrdreg $0xB  }
0xc0: {  	_ =	task.clear_ibuf [dreg:s22], $0x5FFFF;
	_ =	strace $0x9000004C  }
0xc1: {  	s29 =	simm.s32 $0xB;
	_ =	strace $0x8000004E  }
0xc2: {  	_ =	swait.ge [sflag:s29], $0x1  }
0xc3: {  	[sflag:s29] =	ssyncadd.s32 $0xFFFFFFFF  }
0xc4: {  	_ =	strace $0x9000004E  }
0xc5: {  	_ =	sfence  }
0xc6: {  	s30 =	sld [smem:$0x0];
	_ =	sdelay $0x2  }
0xc7: {  	s31 =	sshll.u32 s1, $0xD;
	s1 =	sshrl.u32 s1, $0x2  }
0xc8: {  	s4 =	sand.u32 $0x4000, s31;
	s1 =	sadd.s32 s1, s30  }
0xc9: {  	s0 =	sor.u32 s4, s0;
	s1 =	sshll.u32 s1, $0x11  }
0xca: {  	s0 =	sor.u32 s1, s0  }
0xcb: {  	s0 =	sadd.s32 $0x8F2B, s0  }
0xcc: {  	[sflag:s0] =	ssyncadd.remote.s32 $0x1  }
0xcd: {  	_ =	sfence.sel $0xFFFF  }
0xce: {  	[dreg:$0x0] =	wrdreg $0xFFFFFFFF;
	(pc) =	sbr.abs _section_cstart, $3  }
0xcf: {  	[dreg:$0x1] =	wrdreg $0xFFFFFFFF  }
0xd0: {  	_ =	task.clear_ibuf [dreg:s22], $0x2FFFF;
	_ =	strace $0x9FFFFFFF  }
0xd1: {  	(tm) =	ssettm $0x7FFFFFFF  }
tec
execute0_lowered:
.L_overlay_start_1:
0x0: {  	(tag) =	ssettag $0x1  }
0x1: {  	s2 =	rddreg [dreg:$0x0]  }
0x2: {  	s1 =	srdreg.scid;
	s0 =	stileid.u32  }
0x3: {  	s7 =	rddreg [dreg:$0x1];
	s3 =	simm.s32 $0x0;
	s12 =	simm.s32 $0x5  }
0x4: {  	s13 =	simm.s32 $0x50;
	s14 =	simm.s32 $0x800;
	s15 =	simm.s32 $0x3000  }
0x5: {  	s16 =	simm.s32 $0x5800;
	s17 =	simm.s32 $0x8000;
	s18 =	simm.s32 $0x1  }
0x6: {  	s19 =	simm.s32 $0x2;
	s20 =	simm.s32 $0xA800;
	s21 =	simm.s32 $0x3  }
0x7: {  	s22 =	simm.s32 $0x4;
	s8 =	sand.u32 $0x1, s1;
	s4 =	sshll.u32 s0, $0x1  }
0x8: {  	s23 =	simm.s32 $0x0;
	s1 =	rddreg [dreg:$0x2];
	s6 =	sor.u32 s8, s4  }
0x9: {  	[smem:$0x7FF] =	sst s3;
	s8 =	ssub.s32 $0x2, s8;
	s4 =	smul.u32 $0x7D0, s6  }
0xa: {  	s5 =	sadd.s32 $0xFA00, s7;
	s10 =	smul.u32 $0x3E800, s6;
	s11 =	sshrl.u32 s8, $0x1  }
0xb: {  	_ =	strace $0x8000004D;
	s6 =	sadd.s32 $0x41EC00, s7;
	s11 =	ssub.s32 s8, s11  }
0xc: {  	s9 =	sshrl.u32 s4, $0x3;
	s10 =	sshrl.u32 s10, $0x3;
	s11 =	smax.u32 s11, $0x1  }
0xd: {  	s9 =	sadd.s32 s9, s7;
	s7 =	sadd.s32 $0x518C00, s7;
	s10 =	sadd.s32 $0x7800, s10  }
0xe: {  	s8 =	sadd.s32 $0x9A00, s9;
	s9 =	sadd.s32 s6, s10;
	s10 =	sadd.s32 s7, s10  }
.LBB2_1:
0xf: {  	[tilespmem:s3], [sflag:$0x5] =	stream.linear.gather [hbm4b:s8+s3], $0x7D0, $0x38;
	[tilespmem:$0xD000] =	vst v63  }
0x10: {  	_ =	swait.ge [sflag:s12], $0x7D0  }
0x11: {  	[sflag:s12] =	ssyncset.done $0x0  }
0x12: {  	[sflag:s12] =	ssyncadd.s32 $0xFFFFF830  }
0x13: {  	[tilespmem:s14], [sflag:$0x1] =	stream.indirect.gather [hbm4b:s2+s13], $0x80, s3, s13, $0xb8;
	[tilespmem:$0xD000] =	vst v63  }
0x14: {  	s24 =	simm.s32 $0x0  }
0x15: {  	[tilespmem:s15], [sflag:$0x2] =	stream.indirect.gather [hbm4b:s5+s13], $0x80, s3, s13, $0xb8;
	[tilespmem:$0xD000] =	vst v63  }
.LBB2_2:
0x16: {  	s26 =	smul.u32 $0xA0, s24;
	_ =	sdelay $0x1  }
0x17: {  	s25 =	sadd.s32 $0x50, s26  }
0x18: {  	[tilespmem:s16], [sflag:$0x3] =	stream.indirect.gather [hbm4b:s2+s13], $0x80, s25, s13, $0xb8;
	[tilespmem:$0xD000] =	vst v63  }
0x19: {  	_ = 	snop  }
0x1a: {  	[tilespmem:s17], [sflag:$0x4] =	stream.indirect.gather [hbm4b:s5+s13], $0x80, s25, s13, $0xb8;
	[tilespmem:$0xD000] =	vst v63  }
0x1b: {  	_ =	swait.ge [sflag:s18], $0x2800  }
0x1c: {  	[sflag:s18] =	ssyncset.done $0x0  }
0x1d: {  	[sflag:s18] =	ssyncadd.s32 $0xFFFFD800  }
0x1e: {  	_ =	swait.ge [sflag:s19], $0x2800  }
0x1f: {  	[sflag:s19] =	ssyncset.done $0x0  }
0x20: {  	s28 =	simm.s32 $0x0;
	[sflag:s19] =	ssyncadd.s32 $0xFFFFD800  }
0x21: {  	s29 =	simm.s32 $0x200;
	v0 =	vld [tilespmem:s28+$0x3000]  }
.LBB2_3:
0x22: {  	p0 =	sne.s32 s29, $0x9E00  }
.Ltmp0:
0x23: {  	_ = 	snop;
	(pc) =	sbr.rel @p0 .LBB2_3-.Ltmp0, $3  }
0x24: {  	_ =	sdelay $0x1  }
0x25: {  	[tilespmem:s28+$0xA800] =	vst v0;
	s28 =	sshra.s32 s29, $0x2;
	s29 =	sadd.s32 $0x200, s29  }
0x26: {  	v0 =	vld [tilespmem:s28+$0x3000]  }
0x27: {  	_ =	sdelay $0x1  }
0x28: {  	s26 =	sadd.s32 s4, s26  }
0x29: {  	s26 =	sshll.u32 s26, $0x4  }
0x2a: {  	s29 =	simm.s32 $0x0;
	[tilespmem:s28+$0xA800] =	vst v0;
	s28 =	sadd.s32 s6, s26  }
0x2b: {  	[hbm4b:s28+s29] =	stream.linear.scatter [tilespmem:s14], [sflag:$0x5], $0x2800, $0x38;
	[tilespmem:$0xD000] =	vst v63  }
0x2c: {  	_ =	swait.ge [sflag:s12], $0x2800  }
0x2d: {  	[sflag:s12] =	ssyncset.done $0x0  }
0x2e: {  	s31 =	smul.u32 $0x280, s24;
	s26 =	sadd.s32 s7, s26;
	[sflag:s12] =	ssyncadd.s32 $0xFFFFD800  }
0x2f: {  	[hbm4b:s26+s29] =	stream.linear.scatter [tilespmem:s20], [sflag:$0x5], $0x2800, $0x38;
	[tilespmem:$0xD000] =	vst v63  }
0x30: {  	_ =	swait.ge [sflag:s12], $0x2800  }
0x31: {  	s26 =	sshra.s32 s31, $0x2;
	[sflag:s12] =	ssyncset.done $0x0  }
0x32: {  	s26 =	sadd.s32 $0xA0, s26;
	[sflag:s12] =	ssyncadd.s32 $0xFFFFD800  }
0x33: {  	[tilespmem:s14], [sflag:$0x1] =	stream.indirect.gather [hbm4b:s2+s13], $0x80, s26, s13, $0xb8;
	[tilespmem:$0xD000] =	vst v63  }
0x34: {  	_ = 	snop  }
0x35: {  	[tilespmem:s15], [sflag:$0x2] =	stream.indirect.gather [hbm4b:s5+s13], $0x80, s26, s13, $0xb8;
	[tilespmem:$0xD000] =	vst v63  }
0x36: {  	_ =	swait.ge [sflag:s21], $0x2800  }
0x37: {  	[sflag:s21] =	ssyncset.done $0x0  }
0x38: {  	[sflag:s21] =	ssyncadd.s32 $0xFFFFD800  }
0x39: {  	_ =	swait.ge [sflag:s22], $0x2800  }
0x3a: {  	[sflag:s22] =	ssyncset.done $0x0  }
0x3b: {  	s26 =	simm.s32 $0x0;
	[sflag:s22] =	ssyncadd.s32 $0xFFFFD800  }
0x3c: {  	s28 =	simm.s32 $0x200;
	v0 =	vld [tilespmem:s26+$0x8000]  }
.LBB2_5:
0x3d: {  	p0 =	sne.s32 s28, $0x9E00  }
.Ltmp1:
0x3e: {  	_ = 	snop;
	(pc) =	sbr.rel @p0 .LBB2_5-.Ltmp1, $3  }
0x3f: {  	_ =	sdelay $0x1  }
0x40: {  	[tilespmem:s26+$0xA800] =	vst v0;
	s26 =	sshra.s32 s28, $0x2;
	s28 =	sadd.s32 $0x200, s28  }
0x41: {  	v0 =	vld [tilespmem:s26+$0x8000]  }
0x42: {  	_ =	sdelay $0x1  }
0x43: {  	s25 =	sadd.s32 s4, s25  }
0x44: {  	s25 =	sshll.u32 s25, $0x4  }
0x45: {  	s31 =	sadd.s32 s6, s25;
	[tilespmem:s26+$0xA800] =	vst v0  }
0x46: {  	[hbm4b:s31+s3] =	stream.linear.scatter [tilespmem:s16], [sflag:$0x5], $0x2800, $0x38;
	[tilespmem:$0xD000] =	vst v63  }
0x47: {  	s24 =	sadd.s32 $0x1, s24;
	_ =	swait.ge [sflag:s12], $0x2800  }
0x48: {  	p0 =	sne.s32 s24, $0xC;
	[sflag:s12] =	ssyncset.done $0x0  }
.Ltmp2:
0x49: {  	s25 =	sadd.s32 s7, s25;
	[sflag:s12] =	ssyncadd.s32 $0xFFFFD800;
	(pc) =	sbr.rel @p0 .LBB2_2-.Ltmp2, $4  }
0x4a: {  	[hbm4b:s25+s3] =	stream.linear.scatter [tilespmem:s20], [sflag:$0x5], $0x2800, $0x38;
	[tilespmem:$0xD000] =	vst v63  }
0x4b: {  	_ =	swait.ge [sflag:s12], $0x2800  }
0x4c: {  	[sflag:s12] =	ssyncset.done $0x0  }
0x4d: {  	[sflag:s12] =	ssyncadd.s32 $0xFFFFD800  }
0x4e: {  	_ =	swait.ge [sflag:s18], $0x2800  }
0x4f: {  	[sflag:s18] =	ssyncset.done $0x0  }
0x50: {  	[sflag:s18] =	ssyncadd.s32 $0xFFFFD800  }
0x51: {  	_ =	swait.ge [sflag:s19], $0x2800  }
0x52: {  	[sflag:s19] =	ssyncset.done $0x0  }
0x53: {  	s24 =	simm.s32 $0x0;
	[sflag:s19] =	ssyncadd.s32 $0xFFFFD800  }
0x54: {  	s25 =	simm.s32 $0x200;
	v0 =	vld [tilespmem:s24+$0x3000]  }
.LBB2_8:
0x55: {  	p0 =	sne.s32 s25, $0x9E00  }
.Ltmp3:
0x56: {  	_ = 	snop;
	(pc) =	sbr.rel @p0 .LBB2_8-.Ltmp3, $3  }
0x57: {  	_ =	sdelay $0x1  }
0x58: {  	[tilespmem:s24+$0xA800] =	vst v0;
	s24 =	sshra.s32 s25, $0x2;
	s25 =	sadd.s32 $0x200, s25  }
0x59: {  	v0 =	vld [tilespmem:s24+$0x3000]  }
0x5a: {  	_ =	sdelay $0x3  }
0x5b: {  	[tilespmem:s24+$0xA800] =	vst v0  }
0x5c: {  	[hbm4b:s9+s3] =	stream.linear.scatter [tilespmem:s14], [sflag:$0x5], $0x2800, $0x38;
	[tilespmem:$0xD000] =	vst v63  }
0x5d: {  	s23 =	sadd.s32 $0x1, s23;
	_ =	swait.ge [sflag:s12], $0x2800  }
0x5e: {  	p0 =	sne.s32 s23, s11;
	[sflag:s12] =	ssyncset.done $0x0  }
.Ltmp4:
0x5f: {  	[sflag:s12] =	ssyncadd.s32 $0xFFFFD800;
	(pc) =	sbr.rel @p0 .LBB2_1-.Ltmp4, $4  }
0x60: {  	[hbm4b:s10+s3] =	stream.linear.scatter [tilespmem:s20], [sflag:$0x5], $0x2800, $0x38;
	[tilespmem:$0xD000] =	vst v63  }
0x61: {  	_ =	swait.ge [sflag:s12], $0x2800  }
0x62: {  	[sflag:s12] =	ssyncset.done $0x0  }
0x63: {  	[sflag:s12] =	ssyncadd.s32 $0xFFFFD800  }
0x64: {  	_ =	sfence.sel $0x180000  }
0x65: {  	[bflag:$0x0] =	sbarrier.arrive $0xFFFF  }
0x66: {  	p0 =	sne.s32 s0, $0x0;
	_ =	strace $0x9000004D  }
0x67: {  	s0 =	sadd.s32 @!p0 $0x100000, s1;
	[bflag:$0x2] =	sbarrier.arrive $0xFFFF  }
0x68: {  	[sflag:s0] =	ssyncadd.tile.s32 @!p0 $0x1;
	_ =	shalt  }
.Lfunc_end2:
_tile_overlayer_lowered:
.L_overlay_start_2:
0x69: {  	(tag) =	ssettag $0x2  }
0x6a: {  	s0 =	rddreg [dreg:$0x0];
	s2 =	stileid.u32  }
0x6b: {  	s1 =	rddreg [dreg:$0x1];
	p0 =	sne.s32 s2, $0x0  }
0x6c: {  	s3 =	rddreg [dreg:$0x2];
	[bflag:$0x3] =	sbarrier.arrive $0xFFFF;
	s2 =	simm.s32 @!p0 $0x1C05  }
0x6d: {  	[timem:s3], [sflag:s2] =	dma.local @!p0 [hbm:s0], s1  }
0x6e: {  	s0 =	simm.s32 @!p0 $0x5  }
0x6f: {  	_ =	swait.ge @!p0 [sflag:s0], s1  }
0x70: {  	s1 =	ssub.s32 @!p0 $0x0, s1;
	[sflag:s0] =	ssyncset.done @!p0 $0x0  }
0x71: {  	[sflag:s0] =	ssyncadd.s32 @!p0 s1  }
0x72: {  	[bflag:$0x3] =	sbarrier.arrive $0xFFFF  }
0x73: {  	_ =	shalt  }

// kernel: kernel.21.cloned.1.call-start
scs
__scs_entry_jumppad:
0x0: {  	(pc) =	sbr.rel $0x88, $3  }
0x1: {  	(tag) =	ssettag $0x0;
	lr =	simm.s32 $0x1  }
0x2: {  	[smem:$0x3F87] =	sst lr;
	_ =	strace $0xD0000000  }
0x3: {  	_ = 	snop  }
0x4: {  	_ = 	snop  }
0x5: {  	_ = 	snop  }
0x6: {  	_ = 	snop  }
0x7: {  	_ = 	snop  }
__scs_overlays_trampoline_lowered:
0x8: {  	[smem:$0x3F96] =	sst s0  }
0x9: {  	[smem:$0x3F97] =	sst s1  }
0xa: {  	[smem:$0x3F98] =	sst s2  }
0xb: {  	[smem:$0x3F99] =	sst s3  }
0xc: {  	[smem:$0x3F9A] =	sst s4  }
0xd: {  	[smem:$0x3F9B] =	sst s5  }
0xe: {  	[smem:$0x3F9C] =	sst s6  }
0xf: {  	[smem:$0x3F9D] =	sst s7  }
0x10: {  	[smem:$0x3F9E] =	sst s8  }
0x11: {  	[smem:$0x3F9F] =	sst s9;
	s0 =	simm.s32 @!p0 $0x0  }
0x12: {  	s1 =	sld [smem:$0x3F85];
	s0 =	simm.s32 @p0 $0x1  }
0x13: {  	[smem:$0x3FA0] =	sst s0;
	s0 =	simm.s32 @!p1 $0x0  }
0x14: {  	s2 =	sld [smem:$0x3F84];
	s0 =	simm.s32 @p1 $0x1  }
0x15: {  	[smem:$0x3FA1] =	sst s0;
	s0 =	simm.s32 @!p2 $0x0  }
0x16: {  	s3 =	sld [smem:$0x3FDB];
	s0 =	simm.s32 @p2 $0x1  }
0x17: {  	s4 =	simm.s32 $0x1BF5;
	[smem:$0x3FA3] =	sst s0  }
0x18: {  	s0 =	sld [smem:$0x3F86];
	_ =	swait.ge [sflag:s4], $0x0  }
0x19: {  	s7 =	sld [smem:$0x3F87]  }
0x1a: {  	s8 =	sadd.s32 $0xFFFFE003, lr  }
0x1b: {  	s9 =	sadd.s32 $0xFFFFFEF7, lr;
	s5 =	simm.s32 $0xFFFFFFFF;
	p2 =	slt.u32 s8, $0xFFFFF086  }
0x1c: {  	p1 =	slt.u32 s9, $0xF7A;
	s5 =	simm.s32 @!p2 $0x0  }
0x1d: {  	s5 =	simm.s32 @p1 $0x1;
	p0 =	seq.s32 s7, s2  }
0x1e: {  	s7 =	smul.u32 @!p0 $0xF7A, s2;
	p2 =	seq.s32 @!p0 s5, $0x0  }
0x1f: {  	s9 =	smul.u32 $0xF7A, s1;
	s8 =	simm.s32 @!p0 $0x1BF5;
	p2 =	por !p2, p0  }
0x20: {  	[sflag:s8] =	ssyncset.s32 @!p0 $0xFFFFF086;
	s6 =	sadd.s32 @!p0 s3, s7;
	s7 =	simm.s32 @!p0 $0x108  }
0x21: {  	s3 =	sadd.s32 s3, s9;
	s6 =	sadd.s32 @!p0 $0x88, s6;
	s7 =	simm.s32 @p2 $0x1082  }
0x22: {  	[simem:s7], [sflag:s8] =	dma.local @!p0 [hbm:s6], $0xF7A  }
0x23: {  	s9 =	sor.u32 $0xD0000000, s2;
	s6 =	simm.s32 $0x108;
	_ =	swait.ge @!p0 [sflag:s8], $0x0  }
0x24: {  	s3 =	sadd.s32 $0x88, s3;
	s6 =	simm.s32 @!p1 $0x1082;
	[sflag:s4] =	ssyncset.s32 $0xFFFFF086  }
0x25: {  	[simem:s6], [sflag:s4] =	dma.local [hbm:s3], $0xF7A  }
0x26: {  	[smem:$0x3F87] =	sst s1;
	(tag) =	ssettag s2;
	_ =	strace s9  }
0x27: {  	s1 =	sld [smem:$0x3F97]  }
0x28: {  	s2 =	sld [smem:$0x3F98]  }
0x29: {  	s4 =	sld [smem:$0x3F9A]  }
0x2a: {  	p0 =	seq.s32 s5, $0x0;
	s5 =	sld [smem:$0x3F9B]  }
0x2b: {  	s6 =	sld [smem:$0x3F9C]  }
0x2c: {  	s7 =	sld [smem:$0x3F9D]  }
0x2d: {  	s3 =	simm.s32 $0x108;
	s8 =	sld [smem:$0x3F9E]  }
0x2e: {  	s3 =	simm.s32 @!p0 $0x1082;
	s9 =	sld [smem:$0x3F9F]  }
0x2f: {  	lr =	sadd.s32 s0, s3;
	s0 =	sld [smem:$0x3F96]  }
0x30: {  	s3 =	sld [smem:$0x3F99]  }
0x31: {  	[smem:$0x3FA2] =	sst s10  }
0x32: {  	s10 =	sld [smem:$0x3FA0];
	_ =	sdelay $0x3  }
0x33: {  	p0 =	seq.s32 s10, $0x1;
	s10 =	sld [smem:$0x3FA2];
	_ =	sdelay $0x3  }
0x34: {  	[smem:$0x3FA2] =	sst s10  }
0x35: {  	s10 =	sld [smem:$0x3FA1];
	_ =	sdelay $0x3  }
0x36: {  	p1 =	seq.s32 s10, $0x1;
	s10 =	sld [smem:$0x3FA2];
	_ =	sdelay $0x3  }
0x37: {  	[smem:$0x3FA2] =	sst s10  }
0x38: {  	s10 =	sld [smem:$0x3FA3]  }
0x39: {  	_ = 	snop;
	(pc) =	sbr.ind lr, $3  }
0x3a: {  	_ = 	snop  }
0x3b: {  	_ = 	snop  }
0x3c: {  	p2 =	seq.s32 s10, $0x1;
	s10 =	sld [smem:$0x3FA2]  }
0x3d: {  	_ =	shalt  }
0x3e: {  	_ =	shalt  }
0x3f: {  	_ =	shalt  }
0x40: {  	_ =	shalt  }
0x41: {  	_ =	shalt  }
0x42: {  	_ =	shalt  }
0x43: {  	_ =	shalt  }
0x44: {  	_ =	shalt  }
0x45: {  	_ =	shalt  }
0x46: {  	_ =	shalt  }
0x47: {  	_ =	shalt  }
0x48: {  	_ =	shalt  }
0x49: {  	_ =	shalt  }
0x4a: {  	_ =	shalt  }
0x4b: {  	_ =	shalt  }
0x4c: {  	_ =	shalt  }
0x4d: {  	_ =	shalt  }
0x4e: {  	_ =	shalt  }
0x4f: {  	_ =	shalt  }
0x50: {  	_ =	shalt  }
0x51: {  	_ =	shalt  }
0x52: {  	_ =	shalt  }
0x53: {  	_ =	shalt  }
0x54: {  	_ =	shalt  }
0x55: {  	_ =	shalt  }
0x56: {  	_ =	shalt  }
0x57: {  	_ =	shalt  }
0x58: {  	_ =	shalt  }
0x59: {  	_ =	shalt  }
0x5a: {  	_ =	shalt  }
0x5b: {  	_ =	shalt  }
0x5c: {  	_ =	shalt  }
0x5d: {  	_ =	shalt  }
0x5e: {  	_ =	shalt  }
0x5f: {  	_ =	shalt  }
0x60: {  	_ =	shalt  }
0x61: {  	_ =	shalt  }
0x62: {  	_ =	shalt  }
0x63: {  	_ =	shalt  }
0x64: {  	_ =	shalt  }
0x65: {  	_ =	shalt  }
0x66: {  	_ =	shalt  }
0x67: {  	_ =	shalt  }
0x68: {  	_ =	shalt  }
0x69: {  	_ =	shalt  }
0x6a: {  	_ =	shalt  }
0x6b: {  	_ =	shalt  }
0x6c: {  	_ =	shalt  }
0x6d: {  	_ =	shalt  }
0x6e: {  	_ =	shalt  }
0x6f: {  	_ =	shalt  }
0x70: {  	_ =	shalt  }
0x71: {  	_ =	shalt  }
0x72: {  	_ =	shalt  }
0x73: {  	_ =	shalt  }
0x74: {  	_ =	shalt  }
0x75: {  	_ =	shalt  }
0x76: {  	_ =	shalt  }
0x77: {  	_ =	shalt  }
0x78: {  	_ =	shalt  }
0x79: {  	_ =	shalt  }
0x7a: {  	_ =	shalt  }
0x7b: {  	_ =	shalt  }
0x7c: {  	_ =	shalt  }
0x7d: {  	_ =	shalt  }
0x7e: {  	_ =	shalt  }
0x7f: {  	_ =	shalt  }
0x80: {  	_ =	shalt  }
0x81: {  	_ =	shalt  }
0x82: {  	_ =	shalt  }
0x83: {  	_ =	shalt  }
0x84: {  	_ =	shalt  }
0x85: {  	_ =	shalt  }
0x86: {  	_ =	shalt  }
0x87: {  	_ =	shalt  }
.Lfunc_end0:
.L_simem_size_0:
called_computation.3_lowered:
.L_overlay_start_0:
0x88: {  	s2 =	sld [smem:$0x3FD9]  }
0x89: {  	s3 =	sld [smem:$0x3FFE];
	_ =	sdelay $0x1  }
0x8a: {  	s1 =	srdreg.scid  }
0x8b: {  	s0 =	sand.u32 $0x1, s1  }
0x8c: {  	s17 =	sshll.u32 s0, $0xA;
	s2 =	sadd.s32 s3, s2  }
0x8d: {  	s2 =	sadd.s32 s2, s17  }
0x8e: {  	[smem:$0x3FAE] =	sst s2  }
0x8f: {  	_ = 	snop  }
0x90: {  	s18 =	sld [smem:$0x3FC9];
	(tm) =	ssettm $0x1  }
0x91: {  	s19 =	sld [smem:$0x3FFB];
	_ =	sdelay $0x3  }
0x92: {  	_ =	strace s19  }
0x93: {  	s2 =	sld [smem:$0x3FFC];
	_ =	sdelay $0x3  }
0x94: {  	_ =	strace s2  }
0x95: {  	s2 =	sld [smem:$0x3FFD];
	_ =	sdelay $0x3  }
0x96: {  	_ =	strace s2  }
0x97: {  	_ =	strace $0x8FFFFFFF  }
0x98: {  	s20 =	sld [smem:$0x3FDB];
	_ =	sdelay $0x1  }
0x99: {  	s4 =	simm.s32 $_scs_section_size  }
0x9a: {  	s5 =	simm.s32 $_size__tile_overlayer_lowered;
	s6 =	simm.s32 $_tile_overlayer_lowered  }
0x9b: {  	s7 =	simm.s32 $0x1BFF;
	s21 =	sshll.u32 s6, $0x1;
	s4 =	sadd.s32 s4, s20  }
0x9c: {  	s22 =	simm.s32 $0x0;
	s5 =	sshll.u32 s5, $0x1;
	s6 =	sadd.s32 s21, s4  }
0x9d: {  	[timem:s22], [sflag:s7] =	dma.local [hbm:s6], s5  }
0x9e: {  	_ =	swait.ge [sflag:s7], s5  }
0x9f: {  	s5 =	ssub.s32 $0x0, s5;
	[sflag:s7] =	ssyncset.done $0x0  }
0xa0: {  	[sflag:s7] =	ssyncadd.s32 s5;
	_ =	sdelay $0x1  }
0xa1: {  	s23 =	simm.s32 $0x1B8B  }
0xa2: {  	_ =	swait.ge [sflag:s23], $0x1  }
0xa3: {  	[sflag:s23] =	ssyncset.done $0x0  }
0xa4: {  	[sflag:s23] =	ssyncadd.s32 $0xFFFFFFFF  }
0xa5: {  	s5 =	sld [smem:$0x0]  }
0xa6: {  	s6 =	sand.u32 $0xFFFFFFFE, s1  }
0xa7: {  	p0 =	sne.s32 s1, s6  }
0xa8: {  	s6 =	sshll.u32 @p0 s6, $0xE  }
0xa9: {  	s6 =	sadd.s32 @p0 $0x11B8D, s6;
	s7 =	sshll.u32 @p0 s5, $0x11  }
0xaa: {  	s6 =	sor.u32 @p0 s7, s6  }
0xab: {  	[sflag:s6] =	ssyncadd.remote.s32 @p0 $0x1;
	_ =	sdelay $0x1  }
0xac: {  	s6 =	simm.s32 @p0 $0x1B8D  }
0xad: {  	_ =	swait.eq @p0 [sflag:s6], $0x1  }
0xae: {  	[sflag:s6] =	ssyncadd.s32 @p0 $0xFFFFFFFF  }
0xaf: {  	s7 =	sshll.u32 @!p0 s1, $0xE  }
0xb0: {  	s7 =	sor.u32 @!p0 $0x4000, s7;
	s6 =	simm.s32 @!p0 $0x1B8D  }
0xb1: {  	s5 =	sshll.u32 @!p0 s5, $0x11;
	s7 =	sadd.s32 @!p0 $0x11B8D, s7;
	_ =	swait.eq @!p0 [sflag:s6], $0x1  }
0xb2: {  	s5 =	sor.u32 @!p0 s5, s7;
	[sflag:s6] =	ssyncadd.s32 @!p0 $0xFFFFFFFF  }
0xb3: {  	s25 =	simm.s32 $0x1B8E;
	s24 =	sld [smem:$0x3FFE];
	[sflag:s5] =	ssyncadd.remote.s32 @!p0 $0x1  }
0xb4: {  	s26 =	simm.s32 $execute0_lowered;
	[smem:$0x3FD2] =	sst s25  }
0xb5: {  	s6 =	sshll.u32 s26, $0x1;
	_ =	strace $0x8000004F;
	[dreg:$0x1] =	wrdreg $0xFFFFFFFF  }
0xb6: {  	s28 =	simm.s32 $_size_execute0_lowered;
	s4 =	sadd.s32 s4, s6;
	[dreg:$0x0] =	wrdreg $0x0  }
0xb7: {  	s6 =	sshll.u32 s28, $0x1;
	[dreg:$0x2] =	wrdreg s4  }
0xb8: {  	[dreg:$0x3] =	wrdreg s6  }
0xb9: {  	[dreg:$0x4] =	wrdreg $0xC0  }
0xba: {  	_ =	task [dreg:s22], $0x5FFFF  }
0xbb: {  	[dreg:$0x1] =	wrdreg $0xFFFFFFFF  }
0xbc: {  	[dreg:$0x0] =	wrdreg $0x60  }
0xbd: {  	[dreg:$0x2] =	wrdreg s18  }
0xbe: {  	[dreg:$0x3] =	wrdreg s24  }
0xbf: {  	[dreg:$0x4] =	wrdreg $0xC  }
0xc0: {  	_ =	task.clear_ibuf [dreg:s22], $0x5FFFF;
	_ =	strace $0x9000004F  }
0xc1: {  	s29 =	simm.s32 $0xC;
	_ =	strace $0x80000051  }
0xc2: {  	_ =	swait.ge [sflag:s29], $0x1  }
0xc3: {  	[sflag:s29] =	ssyncadd.s32 $0xFFFFFFFF  }
0xc4: {  	_ =	strace $0x90000051  }
0xc5: {  	_ =	sfence  }
0xc6: {  	s30 =	sld [smem:$0x0];
	_ =	sdelay $0x2  }
0xc7: {  	s31 =	sshll.u32 s1, $0xD;
	s1 =	sshrl.u32 s1, $0x2  }
0xc8: {  	s4 =	sand.u32 $0x4000, s31;
	s1 =	sadd.s32 s1, s30  }
0xc9: {  	s0 =	sor.u32 s4, s0;
	s1 =	sshll.u32 s1, $0x11  }
0xca: {  	s0 =	sor.u32 s1, s0  }
0xcb: {  	s0 =	sadd.s32 $0x8F2B, s0  }
0xcc: {  	[sflag:s0] =	ssyncadd.remote.s32 $0x1  }
0xcd: {  	_ =	sfence.sel $0xFFFF  }
0xce: {  	[dreg:$0x0] =	wrdreg $0xFFFFFFFF;
	(pc) =	sbr.abs _section_cstart, $3  }
0xcf: {  	[dreg:$0x1] =	wrdreg $0xFFFFFFFF  }
0xd0: {  	_ =	task.clear_ibuf [dreg:s22], $0x2FFFF;
	_ =	strace $0x9FFFFFFF  }
0xd1: {  	(tm) =	ssettm $0x7FFFFFFF  }
tec
execute0_lowered:
.L_overlay_start_1:
0x0: {  	(tag) =	ssettag $0x1  }
0x1: {  	s2 =	rddreg [dreg:$0x0]  }
0x2: {  	s1 =	srdreg.scid;
	s0 =	stileid.u32  }
0x3: {  	s7 =	rddreg [dreg:$0x1];
	s3 =	simm.s32 $0x0;
	s12 =	simm.s32 $0x5  }
0x4: {  	s13 =	simm.s32 $0x50;
	s14 =	simm.s32 $0x800;
	s15 =	simm.s32 $0x3000  }
0x5: {  	s16 =	simm.s32 $0x5800;
	s17 =	simm.s32 $0x8000;
	s18 =	simm.s32 $0x1  }
0x6: {  	s19 =	simm.s32 $0x2;
	s20 =	simm.s32 $0xA800;
	s21 =	simm.s32 $0x3  }
0x7: {  	s22 =	simm.s32 $0x4;
	s8 =	sand.u32 $0x1, s1;
	s4 =	sshll.u32 s0, $0x1  }
0x8: {  	s23 =	simm.s32 $0x0;
	s1 =	rddreg [dreg:$0x2];
	s6 =	sor.u32 s8, s4  }
0x9: {  	[smem:$0x7FF] =	sst s3;
	s8 =	ssub.s32 $0x2, s8;
	s4 =	smul.u32 $0x7D0, s6  }
0xa: {  	s5 =	sadd.s32 $0xFA00, s7;
	s10 =	smul.u32 $0x3E800, s6;
	s11 =	sshrl.u32 s8, $0x1  }
0xb: {  	_ =	strace $0x80000050;
	s6 =	sadd.s32 $0x612C00, s7;
	s11 =	ssub.s32 s8, s11  }
0xc: {  	s9 =	sshrl.u32 s4, $0x3;
	s10 =	sshrl.u32 s10, $0x3;
	s11 =	smax.u32 s11, $0x1  }
0xd: {  	s9 =	sadd.s32 s9, s7;
	s7 =	sadd.s32 $0x70CC00, s7;
	s10 =	sadd.s32 $0x7800, s10  }
0xe: {  	s8 =	sadd.s32 $0xBA00, s9;
	s9 =	sadd.s32 s6, s10;
	s10 =	sadd.s32 s7, s10  }
.LBB2_1:
0xf: {  	[tilespmem:s3], [sflag:$0x5] =	stream.linear.gather [hbm4b:s8+s3], $0x7D0, $0x38;
	[tilespmem:$0xD000] =	vst v63  }
0x10: {  	_ =	swait.ge [sflag:s12], $0x7D0  }
0x11: {  	[sflag:s12] =	ssyncset.done $0x0  }
0x12: {  	[sflag:s12] =	ssyncadd.s32 $0xFFFFF830  }
0x13: {  	[tilespmem:s14], [sflag:$0x1] =	stream.indirect.gather [hbm4b:s2+s13], $0x80, s3, s13, $0xb8;
	[tilespmem:$0xD000] =	vst v63  }
0x14: {  	s24 =	simm.s32 $0x0  }
0x15: {  	[tilespmem:s15], [sflag:$0x2] =	stream.indirect.gather [hbm4b:s5+s13], $0x80, s3, s13, $0xb8;
	[tilespmem:$0xD000] =	vst v63  }
.LBB2_2:
0x16: {  	s26 =	smul.u32 $0xA0, s24;
	_ =	sdelay $0x1  }
0x17: {  	s25 =	sadd.s32 $0x50, s26  }
0x18: {  	[tilespmem:s16], [sflag:$0x3] =	stream.indirect.gather [hbm4b:s2+s13], $0x80, s25, s13, $0xb8;
	[tilespmem:$0xD000] =	vst v63  }
0x19: {  	_ = 	snop  }
0x1a: {  	[tilespmem:s17], [sflag:$0x4] =	stream.indirect.gather [hbm4b:s5+s13], $0x80, s25, s13, $0xb8;
	[tilespmem:$0xD000] =	vst v63  }
0x1b: {  	_ =	swait.ge [sflag:s18], $0x2800  }
0x1c: {  	[sflag:s18] =	ssyncset.done $0x0  }
0x1d: {  	[sflag:s18] =	ssyncadd.s32 $0xFFFFD800  }
0x1e: {  	_ =	swait.ge [sflag:s19], $0x2800  }
0x1f: {  	[sflag:s19] =	ssyncset.done $0x0  }
0x20: {  	s28 =	simm.s32 $0x0;
	[sflag:s19] =	ssyncadd.s32 $0xFFFFD800  }
0x21: {  	s29 =	simm.s32 $0x200;
	v0 =	vld [tilespmem:s28+$0x3000]  }
.LBB2_3:
0x22: {  	p0 =	sne.s32 s29, $0x9E00  }
.Ltmp0:
0x23: {  	_ = 	snop;
	(pc) =	sbr.rel @p0 .LBB2_3-.Ltmp0, $3  }
0x24: {  	_ =	sdelay $0x1  }
0x25: {  	[tilespmem:s28+$0xA800] =	vst v0;
	s28 =	sshra.s32 s29, $0x2;
	s29 =	sadd.s32 $0x200, s29  }
0x26: {  	v0 =	vld [tilespmem:s28+$0x3000]  }
0x27: {  	_ =	sdelay $0x1  }
0x28: {  	s26 =	sadd.s32 s4, s26  }
0x29: {  	s26 =	sshll.u32 s26, $0x4  }
0x2a: {  	s29 =	simm.s32 $0x0;
	[tilespmem:s28+$0xA800] =	vst v0;
	s28 =	sadd.s32 s6, s26  }
0x2b: {  	[hbm4b:s28+s29] =	stream.linear.scatter [tilespmem:s14], [sflag:$0x5], $0x2800, $0x38;
	[tilespmem:$0xD000] =	vst v63  }
0x2c: {  	_ =	swait.ge [sflag:s12], $0x2800  }
0x2d: {  	[sflag:s12] =	ssyncset.done $0x0  }
0x2e: {  	s31 =	smul.u32 $0x280, s24;
	s26 =	sadd.s32 s7, s26;
	[sflag:s12] =	ssyncadd.s32 $0xFFFFD800  }
0x2f: {  	[hbm4b:s26+s29] =	stream.linear.scatter [tilespmem:s20], [sflag:$0x5], $0x2800, $0x38;
	[tilespmem:$0xD000] =	vst v63  }
0x30: {  	_ =	swait.ge [sflag:s12], $0x2800  }
0x31: {  	s26 =	sshra.s32 s31, $0x2;
	[sflag:s12] =	ssyncset.done $0x0  }
0x32: {  	s26 =	sadd.s32 $0xA0, s26;
	[sflag:s12] =	ssyncadd.s32 $0xFFFFD800  }
0x33: {  	[tilespmem:s14], [sflag:$0x1] =	stream.indirect.gather [hbm4b:s2+s13], $0x80, s26, s13, $0xb8;
	[tilespmem:$0xD000] =	vst v63  }
0x34: {  	_ = 	snop  }
0x35: {  	[tilespmem:s15], [sflag:$0x2] =	stream.indirect.gather [hbm4b:s5+s13], $0x80, s26, s13, $0xb8;
	[tilespmem:$0xD000] =	vst v63  }
0x36: {  	_ =	swait.ge [sflag:s21], $0x2800  }
0x37: {  	[sflag:s21] =	ssyncset.done $0x0  }
0x38: {  	[sflag:s21] =	ssyncadd.s32 $0xFFFFD800  }
0x39: {  	_ =	swait.ge [sflag:s22], $0x2800  }
0x3a: {  	[sflag:s22] =	ssyncset.done $0x0  }
0x3b: {  	s26 =	simm.s32 $0x0;
	[sflag:s22] =	ssyncadd.s32 $0xFFFFD800  }
0x3c: {  	s28 =	simm.s32 $0x200;
	v0 =	vld [tilespmem:s26+$0x8000]  }
.LBB2_5:
0x3d: {  	p0 =	sne.s32 s28, $0x9E00  }
.Ltmp1:
0x3e: {  	_ = 	snop;
	(pc) =	sbr.rel @p0 .LBB2_5-.Ltmp1, $3  }
0x3f: {  	_ =	sdelay $0x1  }
0x40: {  	[tilespmem:s26+$0xA800] =	vst v0;
	s26 =	sshra.s32 s28, $0x2;
	s28 =	sadd.s32 $0x200, s28  }
0x41: {  	v0 =	vld [tilespmem:s26+$0x8000]  }
0x42: {  	_ =	sdelay $0x1  }
0x43: {  	s25 =	sadd.s32 s4, s25  }
0x44: {  	s25 =	sshll.u32 s25, $0x4  }
0x45: {  	s31 =	sadd.s32 s6, s25;
	[tilespmem:s26+$0xA800] =	vst v0  }
0x46: {  	[hbm4b:s31+s3] =	stream.linear.scatter [tilespmem:s16], [sflag:$0x5], $0x2800, $0x38;
	[tilespmem:$0xD000] =	vst v63  }
0x47: {  	s24 =	sadd.s32 $0x1, s24;
	_ =	swait.ge [sflag:s12], $0x2800  }
0x48: {  	p0 =	sne.s32 s24, $0xC;
	[sflag:s12] =	ssyncset.done $0x0  }
.Ltmp2:
0x49: {  	s25 =	sadd.s32 s7, s25;
	[sflag:s12] =	ssyncadd.s32 $0xFFFFD800;
	(pc) =	sbr.rel @p0 .LBB2_2-.Ltmp2, $4  }
0x4a: {  	[hbm4b:s25+s3] =	stream.linear.scatter [tilespmem:s20], [sflag:$0x5], $0x2800, $0x38;
	[tilespmem:$0xD000] =	vst v63  }
0x4b: {  	_ =	swait.ge [sflag:s12], $0x2800  }
0x4c: {  	[sflag:s12] =	ssyncset.done $0x0  }
0x4d: {  	[sflag:s12] =	ssyncadd.s32 $0xFFFFD800  }
0x4e: {  	_ =	swait.ge [sflag:s18], $0x2800  }
0x4f: {  	[sflag:s18] =	ssyncset.done $0x0  }
0x50: {  	[sflag:s18] =	ssyncadd.s32 $0xFFFFD800  }
0x51: {  	_ =	swait.ge [sflag:s19], $0x2800  }
0x52: {  	[sflag:s19] =	ssyncset.done $0x0  }
0x53: {  	s24 =	simm.s32 $0x0;
	[sflag:s19] =	ssyncadd.s32 $0xFFFFD800  }
0x54: {  	s25 =	simm.s32 $0x200;
	v0 =	vld [tilespmem:s24+$0x3000]  }
.LBB2_8:
0x55: {  	p0 =	sne.s32 s25, $0x9E00  }
.Ltmp3:
0x56: {  	_ = 	snop;
	(pc) =	sbr.rel @p0 .LBB2_8-.Ltmp3, $3  }
0x57: {  	_ =	sdelay $0x1  }
0x58: {  	[tilespmem:s24+$0xA800] =	vst v0;
	s24 =	sshra.s32 s25, $0x2;
	s25 =	sadd.s32 $0x200, s25  }
0x59: {  	v0 =	vld [tilespmem:s24+$0x3000]  }
0x5a: {  	_ =	sdelay $0x3  }
0x5b: {  	[tilespmem:s24+$0xA800] =	vst v0  }
0x5c: {  	[hbm4b:s9+s3] =	stream.linear.scatter [tilespmem:s14], [sflag:$0x5], $0x2800, $0x38;
	[tilespmem:$0xD000] =	vst v63  }
0x5d: {  	s23 =	sadd.s32 $0x1, s23;
	_ =	swait.ge [sflag:s12], $0x2800  }
0x5e: {  	p0 =	sne.s32 s23, s11;
	[sflag:s12] =	ssyncset.done $0x0  }
.Ltmp4:
0x5f: {  	[sflag:s12] =	ssyncadd.s32 $0xFFFFD800;
	(pc) =	sbr.rel @p0 .LBB2_1-.Ltmp4, $4  }
0x60: {  	[hbm4b:s10+s3] =	stream.linear.scatter [tilespmem:s20], [sflag:$0x5], $0x2800, $0x38;
	[tilespmem:$0xD000] =	vst v63  }
0x61: {  	_ =	swait.ge [sflag:s12], $0x2800  }
0x62: {  	[sflag:s12] =	ssyncset.done $0x0  }
0x63: {  	[sflag:s12] =	ssyncadd.s32 $0xFFFFD800  }
0x64: {  	_ =	sfence.sel $0x180000  }
0x65: {  	[bflag:$0x0] =	sbarrier.arrive $0xFFFF  }
0x66: {  	p0 =	sne.s32 s0, $0x0;
	_ =	strace $0x90000050  }
0x67: {  	s0 =	sadd.s32 @!p0 $0x100000, s1;
	[bflag:$0x2] =	sbarrier.arrive $0xFFFF  }
0x68: {  	[sflag:s0] =	ssyncadd.tile.s32 @!p0 $0x1;
	_ =	shalt  }
.Lfunc_end2:
_tile_overlayer_lowered:
.L_overlay_start_2:
0x69: {  	(tag) =	ssettag $0x2  }
0x6a: {  	s0 =	rddreg [dreg:$0x0];
	s2 =	stileid.u32  }
0x6b: {  	s1 =	rddreg [dreg:$0x1];
	p0 =	sne.s32 s2, $0x0  }
0x6c: {  	s3 =	rddreg [dreg:$0x2];
	[bflag:$0x3] =	sbarrier.arrive $0xFFFF;
	s2 =	simm.s32 @!p0 $0x1C05  }
0x6d: {  	[timem:s3], [sflag:s2] =	dma.local @!p0 [hbm:s0], s1  }
0x6e: {  	s0 =	simm.s32 @!p0 $0x5  }
0x6f: {  	_ =	swait.ge @!p0 [sflag:s0], s1  }
0x70: {  	s1 =	ssub.s32 @!p0 $0x0, s1;
	[sflag:s0] =	ssyncset.done @!p0 $0x0  }
0x71: {  	[sflag:s0] =	ssyncadd.s32 @!p0 s1  }
0x72: {  	[bflag:$0x3] =	sbarrier.arrive $0xFFFF  }
0x73: {  	_ =	shalt  }

// kernel: kernel.24.cloned.1.call-start
scs
__scs_entry_jumppad:
0x0: {  	(pc) =	sbr.rel $0x88, $3  }
0x1: {  	(tag) =	ssettag $0x0;
	lr =	simm.s32 $0x1  }
0x2: {  	[smem:$0x3F87] =	sst lr;
	_ =	strace $0xD0000000  }
0x3: {  	_ = 	snop  }
0x4: {  	_ = 	snop  }
0x5: {  	_ = 	snop  }
0x6: {  	_ = 	snop  }
0x7: {  	_ = 	snop  }
__scs_overlays_trampoline_lowered:
0x8: {  	[smem:$0x3F96] =	sst s0  }
0x9: {  	[smem:$0x3F97] =	sst s1  }
0xa: {  	[smem:$0x3F98] =	sst s2  }
0xb: {  	[smem:$0x3F99] =	sst s3  }
0xc: {  	[smem:$0x3F9A] =	sst s4  }
0xd: {  	[smem:$0x3F9B] =	sst s5  }
0xe: {  	[smem:$0x3F9C] =	sst s6  }
0xf: {  	[smem:$0x3F9D] =	sst s7  }
0x10: {  	[smem:$0x3F9E] =	sst s8  }
0x11: {  	[smem:$0x3F9F] =	sst s9;
	s0 =	simm.s32 @!p0 $0x0  }
0x12: {  	s1 =	sld [smem:$0x3F85];
	s0 =	simm.s32 @p0 $0x1  }
0x13: {  	[smem:$0x3FA0] =	sst s0;
	s0 =	simm.s32 @!p1 $0x0  }
0x14: {  	s2 =	sld [smem:$0x3F84];
	s0 =	simm.s32 @p1 $0x1  }
0x15: {  	[smem:$0x3FA1] =	sst s0;
	s0 =	simm.s32 @!p2 $0x0  }
0x16: {  	s3 =	sld [smem:$0x3FDB];
	s0 =	simm.s32 @p2 $0x1  }
0x17: {  	s4 =	simm.s32 $0x1BF5;
	[smem:$0x3FA3] =	sst s0  }
0x18: {  	s0 =	sld [smem:$0x3F86];
	_ =	swait.ge [sflag:s4], $0x0  }
0x19: {  	s7 =	sld [smem:$0x3F87]  }
0x1a: {  	s8 =	sadd.s32 $0xFFFFE003, lr  }
0x1b: {  	s9 =	sadd.s32 $0xFFFFFEF7, lr;
	s5 =	simm.s32 $0xFFFFFFFF;
	p2 =	slt.u32 s8, $0xFFFFF086  }
0x1c: {  	p1 =	slt.u32 s9, $0xF7A;
	s5 =	simm.s32 @!p2 $0x0  }
0x1d: {  	s5 =	simm.s32 @p1 $0x1;
	p0 =	seq.s32 s7, s2  }
0x1e: {  	s7 =	smul.u32 @!p0 $0xF7A, s2;
	p2 =	seq.s32 @!p0 s5, $0x0  }
0x1f: {  	s9 =	smul.u32 $0xF7A, s1;
	s8 =	simm.s32 @!p0 $0x1BF5;
	p2 =	por !p2, p0  }
0x20: {  	[sflag:s8] =	ssyncset.s32 @!p0 $0xFFFFF086;
	s6 =	sadd.s32 @!p0 s3, s7;
	s7 =	simm.s32 @!p0 $0x108  }
0x21: {  	s3 =	sadd.s32 s3, s9;
	s6 =	sadd.s32 @!p0 $0x88, s6;
	s7 =	simm.s32 @p2 $0x1082  }
0x22: {  	[simem:s7], [sflag:s8] =	dma.local @!p0 [hbm:s6], $0xF7A  }
0x23: {  	s9 =	sor.u32 $0xD0000000, s2;
	s6 =	simm.s32 $0x108;
	_ =	swait.ge @!p0 [sflag:s8], $0x0  }
0x24: {  	s3 =	sadd.s32 $0x88, s3;
	s6 =	simm.s32 @!p1 $0x1082;
	[sflag:s4] =	ssyncset.s32 $0xFFFFF086  }
0x25: {  	[simem:s6], [sflag:s4] =	dma.local [hbm:s3], $0xF7A  }
0x26: {  	[smem:$0x3F87] =	sst s1;
	(tag) =	ssettag s2;
	_ =	strace s9  }
0x27: {  	s1 =	sld [smem:$0x3F97]  }
0x28: {  	s2 =	sld [smem:$0x3F98]  }
0x29: {  	s4 =	sld [smem:$0x3F9A]  }
0x2a: {  	p0 =	seq.s32 s5, $0x0;
	s5 =	sld [smem:$0x3F9B]  }
0x2b: {  	s6 =	sld [smem:$0x3F9C]  }
0x2c: {  	s7 =	sld [smem:$0x3F9D]  }
0x2d: {  	s3 =	simm.s32 $0x108;
	s8 =	sld [smem:$0x3F9E]  }
0x2e: {  	s3 =	simm.s32 @!p0 $0x1082;
	s9 =	sld [smem:$0x3F9F]  }
0x2f: {  	lr =	sadd.s32 s0, s3;
	s0 =	sld [smem:$0x3F96]  }
0x30: {  	s3 =	sld [smem:$0x3F99]  }
0x31: {  	[smem:$0x3FA2] =	sst s10  }
0x32: {  	s10 =	sld [smem:$0x3FA0];
	_ =	sdelay $0x3  }
0x33: {  	p0 =	seq.s32 s10, $0x1;
	s10 =	sld [smem:$0x3FA2];
	_ =	sdelay $0x3  }
0x34: {  	[smem:$0x3FA2] =	sst s10  }
0x35: {  	s10 =	sld [smem:$0x3FA1];
	_ =	sdelay $0x3  }
0x36: {  	p1 =	seq.s32 s10, $0x1;
	s10 =	sld [smem:$0x3FA2];
	_ =	sdelay $0x3  }
0x37: {  	[smem:$0x3FA2] =	sst s10  }
0x38: {  	s10 =	sld [smem:$0x3FA3]  }
0x39: {  	_ = 	snop;
	(pc) =	sbr.ind lr, $3  }
0x3a: {  	_ = 	snop  }
0x3b: {  	_ = 	snop  }
0x3c: {  	p2 =	seq.s32 s10, $0x1;
	s10 =	sld [smem:$0x3FA2]  }
0x3d: {  	_ =	shalt  }
0x3e: {  	_ =	shalt  }
0x3f: {  	_ =	shalt  }
0x40: {  	_ =	shalt  }
0x41: {  	_ =	shalt  }
0x42: {  	_ =	shalt  }
0x43: {  	_ =	shalt  }
0x44: {  	_ =	shalt  }
0x45: {  	_ =	shalt  }
0x46: {  	_ =	shalt  }
0x47: {  	_ =	shalt  }
0x48: {  	_ =	shalt  }
0x49: {  	_ =	shalt  }
0x4a: {  	_ =	shalt  }
0x4b: {  	_ =	shalt  }
0x4c: {  	_ =	shalt  }
0x4d: {  	_ =	shalt  }
0x4e: {  	_ =	shalt  }
0x4f: {  	_ =	shalt  }
0x50: {  	_ =	shalt  }
0x51: {  	_ =	shalt  }
0x52: {  	_ =	shalt  }
0x53: {  	_ =	shalt  }
0x54: {  	_ =	shalt  }
0x55: {  	_ =	shalt  }
0x56: {  	_ =	shalt  }
0x57: {  	_ =	shalt  }
0x58: {  	_ =	shalt  }
0x59: {  	_ =	shalt  }
0x5a: {  	_ =	shalt  }
0x5b: {  	_ =	shalt  }
0x5c: {  	_ =	shalt  }
0x5d: {  	_ =	shalt  }
0x5e: {  	_ =	shalt  }
0x5f: {  	_ =	shalt  }
0x60: {  	_ =	shalt  }
0x61: {  	_ =	shalt  }
0x62: {  	_ =	shalt  }
0x63: {  	_ =	shalt  }
0x64: {  	_ =	shalt  }
0x65: {  	_ =	shalt  }
0x66: {  	_ =	shalt  }
0x67: {  	_ =	shalt  }
0x68: {  	_ =	shalt  }
0x69: {  	_ =	shalt  }
0x6a: {  	_ =	shalt  }
0x6b: {  	_ =	shalt  }
0x6c: {  	_ =	shalt  }
0x6d: {  	_ =	shalt  }
0x6e: {  	_ =	shalt  }
0x6f: {  	_ =	shalt  }
0x70: {  	_ =	shalt  }
0x71: {  	_ =	shalt  }
0x72: {  	_ =	shalt  }
0x73: {  	_ =	shalt  }
0x74: {  	_ =	shalt  }
0x75: {  	_ =	shalt  }
0x76: {  	_ =	shalt  }
0x77: {  	_ =	shalt  }
0x78: {  	_ =	shalt  }
0x79: {  	_ =	shalt  }
0x7a: {  	_ =	shalt  }
0x7b: {  	_ =	shalt  }
0x7c: {  	_ =	shalt  }
0x7d: {  	_ =	shalt  }
0x7e: {  	_ =	shalt  }
0x7f: {  	_ =	shalt  }
0x80: {  	_ =	shalt  }
0x81: {  	_ =	shalt  }
0x82: {  	_ =	shalt  }
0x83: {  	_ =	shalt  }
0x84: {  	_ =	shalt  }
0x85: {  	_ =	shalt  }
0x86: {  	_ =	shalt  }
0x87: {  	_ =	shalt  }
.Lfunc_end0:
.L_simem_size_0:
called_computation.4_lowered:
.L_overlay_start_0:
0x88: {  	s2 =	sld [smem:$0x3FD9]  }
0x89: {  	s3 =	sld [smem:$0x3FFE];
	_ =	sdelay $0x1  }
0x8a: {  	s1 =	srdreg.scid  }
0x8b: {  	s0 =	sand.u32 $0x1, s1  }
0x8c: {  	s17 =	sshll.u32 s0, $0xA;
	s2 =	sadd.s32 s3, s2  }
0x8d: {  	s2 =	sadd.s32 s2, s17  }
0x8e: {  	[smem:$0x3FAE] =	sst s2  }
0x8f: {  	_ = 	snop  }
0x90: {  	s18 =	sld [smem:$0x3FC9];
	(tm) =	ssettm $0x1  }
0x91: {  	s19 =	sld [smem:$0x3FFB];
	_ =	sdelay $0x3  }
0x92: {  	_ =	strace s19  }
0x93: {  	s2 =	sld [smem:$0x3FFC];
	_ =	sdelay $0x3  }
0x94: {  	_ =	strace s2  }
0x95: {  	s2 =	sld [smem:$0x3FFD];
	_ =	sdelay $0x3  }
0x96: {  	_ =	strace s2  }
0x97: {  	_ =	strace $0x8FFFFFFF  }
0x98: {  	s20 =	sld [smem:$0x3FDB];
	_ =	sdelay $0x1  }
0x99: {  	s4 =	simm.s32 $_scs_section_size  }
0x9a: {  	s5 =	simm.s32 $_size__tile_overlayer_lowered;
	s6 =	simm.s32 $_tile_overlayer_lowered  }
0x9b: {  	s7 =	simm.s32 $0x1BFF;
	s21 =	sshll.u32 s6, $0x1;
	s4 =	sadd.s32 s4, s20  }
0x9c: {  	s22 =	simm.s32 $0x0;
	s5 =	sshll.u32 s5, $0x1;
	s6 =	sadd.s32 s21, s4  }
0x9d: {  	[timem:s22], [sflag:s7] =	dma.local [hbm:s6], s5  }
0x9e: {  	_ =	swait.ge [sflag:s7], s5  }
0x9f: {  	s5 =	ssub.s32 $0x0, s5;
	[sflag:s7] =	ssyncset.done $0x0  }
0xa0: {  	[sflag:s7] =	ssyncadd.s32 s5;
	_ =	sdelay $0x1  }
0xa1: {  	s23 =	simm.s32 $0x1B8B  }
0xa2: {  	_ =	swait.ge [sflag:s23], $0x1  }
0xa3: {  	[sflag:s23] =	ssyncset.done $0x0  }
0xa4: {  	[sflag:s23] =	ssyncadd.s32 $0xFFFFFFFF  }
0xa5: {  	s5 =	sld [smem:$0x0]  }
0xa6: {  	s6 =	sand.u32 $0xFFFFFFFE, s1  }
0xa7: {  	p0 =	sne.s32 s1, s6  }
0xa8: {  	s6 =	sshll.u32 @p0 s6, $0xE  }
0xa9: {  	s6 =	sadd.s32 @p0 $0x11B8D, s6;
	s7 =	sshll.u32 @p0 s5, $0x11  }
0xaa: {  	s6 =	sor.u32 @p0 s7, s6  }
0xab: {  	[sflag:s6] =	ssyncadd.remote.s32 @p0 $0x1;
	_ =	sdelay $0x1  }
0xac: {  	s6 =	simm.s32 @p0 $0x1B8D  }
0xad: {  	_ =	swait.eq @p0 [sflag:s6], $0x1  }
0xae: {  	[sflag:s6] =	ssyncadd.s32 @p0 $0xFFFFFFFF  }
0xaf: {  	s7 =	sshll.u32 @!p0 s1, $0xE  }
0xb0: {  	s7 =	sor.u32 @!p0 $0x4000, s7;
	s6 =	simm.s32 @!p0 $0x1B8D  }
0xb1: {  	s5 =	sshll.u32 @!p0 s5, $0x11;
	s7 =	sadd.s32 @!p0 $0x11B8D, s7;
	_ =	swait.eq @!p0 [sflag:s6], $0x1  }
0xb2: {  	s5 =	sor.u32 @!p0 s5, s7;
	[sflag:s6] =	ssyncadd.s32 @!p0 $0xFFFFFFFF  }
0xb3: {  	s25 =	simm.s32 $0x1B8E;
	s24 =	sld [smem:$0x3FFE];
	[sflag:s5] =	ssyncadd.remote.s32 @!p0 $0x1  }
0xb4: {  	s26 =	simm.s32 $execute0_lowered;
	[smem:$0x3FD2] =	sst s25  }
0xb5: {  	s6 =	sshll.u32 s26, $0x1;
	_ =	strace $0x80000052;
	[dreg:$0x1] =	wrdreg $0xFFFFFFFF  }
0xb6: {  	s28 =	simm.s32 $_size_execute0_lowered;
	s4 =	sadd.s32 s4, s6;
	[dreg:$0x0] =	wrdreg $0x0  }
0xb7: {  	s6 =	sshll.u32 s28, $0x1;
	[dreg:$0x2] =	wrdreg s4  }
0xb8: {  	[dreg:$0x3] =	wrdreg s6  }
0xb9: {  	[dreg:$0x4] =	wrdreg $0xC0  }
0xba: {  	_ =	task [dreg:s22], $0x5FFFF  }
0xbb: {  	[dreg:$0x1] =	wrdreg $0xFFFFFFFF  }
0xbc: {  	[dreg:$0x0] =	wrdreg $0x60  }
0xbd: {  	[dreg:$0x2] =	wrdreg s18  }
0xbe: {  	[dreg:$0x3] =	wrdreg s24  }
0xbf: {  	[dreg:$0x4] =	wrdreg $0xD  }
0xc0: {  	_ =	task.clear_ibuf [dreg:s22], $0x5FFFF;
	_ =	strace $0x90000052  }
0xc1: {  	s29 =	simm.s32 $0xD;
	_ =	strace $0x80000054  }
0xc2: {  	_ =	swait.ge [sflag:s29], $0x1  }
0xc3: {  	[sflag:s29] =	ssyncadd.s32 $0xFFFFFFFF  }
0xc4: {  	_ =	strace $0x90000054  }
0xc5: {  	_ =	sfence  }
0xc6: {  	s30 =	sld [smem:$0x0];
	_ =	sdelay $0x2  }
0xc7: {  	s31 =	sshll.u32 s1, $0xD;
	s1 =	sshrl.u32 s1, $0x2  }
0xc8: {  	s4 =	sand.u32 $0x4000, s31;
	s1 =	sadd.s32 s1, s30  }
0xc9: {  	s0 =	sor.u32 s4, s0;
	s1 =	sshll.u32 s1, $0x11  }
0xca: {  	s0 =	sor.u32 s1, s0  }
0xcb: {  	s0 =	sadd.s32 $0x8F2B, s0  }
0xcc: {  	[sflag:s0] =	ssyncadd.remote.s32 $0x1  }
0xcd: {  	_ =	sfence.sel $0xFFFF  }
0xce: {  	[dreg:$0x0] =	wrdreg $0xFFFFFFFF;
	(pc) =	sbr.abs _section_cstart, $3  }
0xcf: {  	[dreg:$0x1] =	wrdreg $0xFFFFFFFF  }
0xd0: {  	_ =	task.clear_ibuf [dreg:s22], $0x2FFFF;
	_ =	strace $0x9FFFFFFF  }
0xd1: {  	(tm) =	ssettm $0x7FFFFFFF  }
tec
execute0_lowered:
.L_overlay_start_1:
0x0: {  	(tag) =	ssettag $0x1  }
0x1: {  	s2 =	rddreg [dreg:$0x0]  }
0x2: {  	s1 =	srdreg.scid;
	s0 =	stileid.u32  }
0x3: {  	s7 =	rddreg [dreg:$0x1];
	s3 =	simm.s32 $0x0;
	s12 =	simm.s32 $0x5  }
0x4: {  	s13 =	simm.s32 $0x50;
	s14 =	simm.s32 $0x800;
	s15 =	simm.s32 $0x3000  }
0x5: {  	s16 =	simm.s32 $0x5800;
	s17 =	simm.s32 $0x8000;
	s18 =	simm.s32 $0x1  }
0x6: {  	s19 =	simm.s32 $0x2;
	s20 =	simm.s32 $0xA800;
	s21 =	simm.s32 $0x3  }
0x7: {  	s22 =	simm.s32 $0x4;
	s8 =	sand.u32 $0x1, s1;
	s4 =	sshll.u32 s0, $0x1  }
0x8: {  	s23 =	simm.s32 $0x0;
	s1 =	rddreg [dreg:$0x2];
	s6 =	sor.u32 s8, s4  }
0x9: {  	[smem:$0x7FF] =	sst s3;
	s8 =	ssub.s32 $0x2, s8;
	s4 =	smul.u32 $0x7D0, s6  }
0xa: {  	s5 =	sadd.s32 $0xFA00, s7;
	s10 =	smul.u32 $0x3E800, s6;
	s11 =	sshrl.u32 s8, $0x1  }
0xb: {  	_ =	strace $0x80000053;
	s6 =	sadd.s32 $0x806C00, s7;
	s11 =	ssub.s32 s8, s11  }
0xc: {  	s9 =	sshrl.u32 s4, $0x3;
	s10 =	sshrl.u32 s10, $0x3;
	s11 =	smax.u32 s11, $0x1  }
0xd: {  	s9 =	sadd.s32 s9, s7;
	s7 =	sadd.s32 $0x900C00, s7;
	s10 =	sadd.s32 $0x7800, s10  }
0xe: {  	s8 =	sadd.s32 $0xDA00, s9;
	s9 =	sadd.s32 s6, s10;
	s10 =	sadd.s32 s7, s10  }
.LBB2_1:
0xf: {  	[tilespmem:s3], [sflag:$0x5] =	stream.linear.gather [hbm4b:s8+s3], $0x7D0, $0x38;
	[tilespmem:$0xD000] =	vst v63  }
0x10: {  	_ =	swait.ge [sflag:s12], $0x7D0  }
0x11: {  	[sflag:s12] =	ssyncset.done $0x0  }
0x12: {  	[sflag:s12] =	ssyncadd.s32 $0xFFFFF830  }
0x13: {  	[tilespmem:s14], [sflag:$0x1] =	stream.indirect.gather [hbm4b:s2+s13], $0x80, s3, s13, $0xb8;
	[tilespmem:$0xD000] =	vst v63  }
0x14: {  	s24 =	simm.s32 $0x0  }
0x15: {  	[tilespmem:s15], [sflag:$0x2] =	stream.indirect.gather [hbm4b:s5+s13], $0x80, s3, s13, $0xb8;
	[tilespmem:$0xD000] =	vst v63  }
.LBB2_2:
0x16: {  	s26 =	smul.u32 $0xA0, s24;
	_ =	sdelay $0x1  }
0x17: {  	s25 =	sadd.s32 $0x50, s26  }
0x18: {  	[tilespmem:s16], [sflag:$0x3] =	stream.indirect.gather [hbm4b:s2+s13], $0x80, s25, s13, $0xb8;
	[tilespmem:$0xD000] =	vst v63  }
0x19: {  	_ = 	snop  }
0x1a: {  	[tilespmem:s17], [sflag:$0x4] =	stream.indirect.gather [hbm4b:s5+s13], $0x80, s25, s13, $0xb8;
	[tilespmem:$0xD000] =	vst v63  }
0x1b: {  	_ =	swait.ge [sflag:s18], $0x2800  }
0x1c: {  	[sflag:s18] =	ssyncset.done $0x0  }
0x1d: {  	[sflag:s18] =	ssyncadd.s32 $0xFFFFD800  }
0x1e: {  	_ =	swait.ge [sflag:s19], $0x2800  }
0x1f: {  	[sflag:s19] =	ssyncset.done $0x0  }
0x20: {  	s28 =	simm.s32 $0x0;
	[sflag:s19] =	ssyncadd.s32 $0xFFFFD800  }
0x21: {  	s29 =	simm.s32 $0x200;
	v0 =	vld [tilespmem:s28+$0x3000]  }
.LBB2_3:
0x22: {  	p0 =	sne.s32 s29, $0x9E00  }
.Ltmp0:
0x23: {  	_ = 	snop;
	(pc) =	sbr.rel @p0 .LBB2_3-.Ltmp0, $3  }
0x24: {  	_ =	sdelay $0x1  }
0x25: {  	[tilespmem:s28+$0xA800] =	vst v0;
	s28 =	sshra.s32 s29, $0x2;
	s29 =	sadd.s32 $0x200, s29  }
0x26: {  	v0 =	vld [tilespmem:s28+$0x3000]  }
0x27: {  	_ =	sdelay $0x1  }
0x28: {  	s26 =	sadd.s32 s4, s26  }
0x29: {  	s26 =	sshll.u32 s26, $0x4  }
0x2a: {  	s29 =	simm.s32 $0x0;
	[tilespmem:s28+$0xA800] =	vst v0;
	s28 =	sadd.s32 s6, s26  }
0x2b: {  	[hbm4b:s28+s29] =	stream.linear.scatter [tilespmem:s14], [sflag:$0x5], $0x2800, $0x38;
	[tilespmem:$0xD000] =	vst v63  }
0x2c: {  	_ =	swait.ge [sflag:s12], $0x2800  }
0x2d: {  	[sflag:s12] =	ssyncset.done $0x0  }
0x2e: {  	s31 =	smul.u32 $0x280, s24;
	s26 =	sadd.s32 s7, s26;
	[sflag:s12] =	ssyncadd.s32 $0xFFFFD800  }
0x2f: {  	[hbm4b:s26+s29] =	stream.linear.scatter [tilespmem:s20], [sflag:$0x5], $0x2800, $0x38;
	[tilespmem:$0xD000] =	vst v63  }
0x30: {  	_ =	swait.ge [sflag:s12], $0x2800  }
0x31: {  	s26 =	sshra.s32 s31, $0x2;
	[sflag:s12] =	ssyncset.done $0x0  }
0x32: {  	s26 =	sadd.s32 $0xA0, s26;
	[sflag:s12] =	ssyncadd.s32 $0xFFFFD800  }
0x33: {  	[tilespmem:s14], [sflag:$0x1] =	stream.indirect.gather [hbm4b:s2+s13], $0x80, s26, s13, $0xb8;
	[tilespmem:$0xD000] =	vst v63  }
0x34: {  	_ = 	snop  }
0x35: {  	[tilespmem:s15], [sflag:$0x2] =	stream.indirect.gather [hbm4b:s5+s13], $0x80, s26, s13, $0xb8;
	[tilespmem:$0xD000] =	vst v63  }
0x36: {  	_ =	swait.ge [sflag:s21], $0x2800  }
0x37: {  	[sflag:s21] =	ssyncset.done $0x0  }
0x38: {  	[sflag:s21] =	ssyncadd.s32 $0xFFFFD800  }
0x39: {  	_ =	swait.ge [sflag:s22], $0x2800  }
0x3a: {  	[sflag:s22] =	ssyncset.done $0x0  }
0x3b: {  	s26 =	simm.s32 $0x0;
	[sflag:s22] =	ssyncadd.s32 $0xFFFFD800  }
0x3c: {  	s28 =	simm.s32 $0x200;
	v0 =	vld [tilespmem:s26+$0x8000]  }
.LBB2_5:
0x3d: {  	p0 =	sne.s32 s28, $0x9E00  }
.Ltmp1:
0x3e: {  	_ = 	snop;
	(pc) =	sbr.rel @p0 .LBB2_5-.Ltmp1, $3  }
0x3f: {  	_ =	sdelay $0x1  }
0x40: {  	[tilespmem:s26+$0xA800] =	vst v0;
	s26 =	sshra.s32 s28, $0x2;
	s28 =	sadd.s32 $0x200, s28  }
0x41: {  	v0 =	vld [tilespmem:s26+$0x8000]  }
0x42: {  	_ =	sdelay $0x1  }
0x43: {  	s25 =	sadd.s32 s4, s25  }
0x44: {  	s25 =	sshll.u32 s25, $0x4  }
0x45: {  	s31 =	sadd.s32 s6, s25;
	[tilespmem:s26+$0xA800] =	vst v0  }
0x46: {  	[hbm4b:s31+s3] =	stream.linear.scatter [tilespmem:s16], [sflag:$0x5], $0x2800, $0x38;
	[tilespmem:$0xD000] =	vst v63  }
0x47: {  	s24 =	sadd.s32 $0x1, s24;
	_ =	swait.ge [sflag:s12], $0x2800  }
0x48: {  	p0 =	sne.s32 s24, $0xC;
	[sflag:s12] =	ssyncset.done $0x0  }
.Ltmp2:
0x49: {  	s25 =	sadd.s32 s7, s25;
	[sflag:s12] =	ssyncadd.s32 $0xFFFFD800;
	(pc) =	sbr.rel @p0 .LBB2_2-.Ltmp2, $4  }
0x4a: {  	[hbm4b:s25+s3] =	stream.linear.scatter [tilespmem:s20], [sflag:$0x5], $0x2800, $0x38;
	[tilespmem:$0xD000] =	vst v63  }
0x4b: {  	_ =	swait.ge [sflag:s12], $0x2800  }
0x4c: {  	[sflag:s12] =	ssyncset.done $0x0  }
0x4d: {  	[sflag:s12] =	ssyncadd.s32 $0xFFFFD800  }
0x4e: {  	_ =	swait.ge [sflag:s18], $0x2800  }
0x4f: {  	[sflag:s18] =	ssyncset.done $0x0  }
0x50: {  	[sflag:s18] =	ssyncadd.s32 $0xFFFFD800  }
0x51: {  	_ =	swait.ge [sflag:s19], $0x2800  }
0x52: {  	[sflag:s19] =	ssyncset.done $0x0  }
0x53: {  	s24 =	simm.s32 $0x0;
	[sflag:s19] =	ssyncadd.s32 $0xFFFFD800  }
0x54: {  	s25 =	simm.s32 $0x200;
	v0 =	vld [tilespmem:s24+$0x3000]  }
.LBB2_8:
0x55: {  	p0 =	sne.s32 s25, $0x9E00  }
.Ltmp3:
0x56: {  	_ = 	snop;
	(pc) =	sbr.rel @p0 .LBB2_8-.Ltmp3, $3  }
0x57: {  	_ =	sdelay $0x1  }
0x58: {  	[tilespmem:s24+$0xA800] =	vst v0;
	s24 =	sshra.s32 s25, $0x2;
	s25 =	sadd.s32 $0x200, s25  }
0x59: {  	v0 =	vld [tilespmem:s24+$0x3000]  }
0x5a: {  	_ =	sdelay $0x3  }
0x5b: {  	[tilespmem:s24+$0xA800] =	vst v0  }
0x5c: {  	[hbm4b:s9+s3] =	stream.linear.scatter [tilespmem:s14], [sflag:$0x5], $0x2800, $0x38;
	[tilespmem:$0xD000] =	vst v63  }
0x5d: {  	s23 =	sadd.s32 $0x1, s23;
	_ =	swait.ge [sflag:s12], $0x2800  }
0x5e: {  	p0 =	sne.s32 s23, s11;
	[sflag:s12] =	ssyncset.done $0x0  }
.Ltmp4:
0x5f: {  	[sflag:s12] =	ssyncadd.s32 $0xFFFFD800;
	(pc) =	sbr.rel @p0 .LBB2_1-.Ltmp4, $4  }
0x60: {  	[hbm4b:s10+s3] =	stream.linear.scatter [tilespmem:s20], [sflag:$0x5], $0x2800, $0x38;
	[tilespmem:$0xD000] =	vst v63  }
0x61: {  	_ =	swait.ge [sflag:s12], $0x2800  }
0x62: {  	[sflag:s12] =	ssyncset.done $0x0  }
0x63: {  	[sflag:s12] =	ssyncadd.s32 $0xFFFFD800  }
0x64: {  	_ =	sfence.sel $0x180000  }
0x65: {  	[bflag:$0x0] =	sbarrier.arrive $0xFFFF  }
0x66: {  	p0 =	sne.s32 s0, $0x0;
	_ =	strace $0x90000053  }
0x67: {  	s0 =	sadd.s32 @!p0 $0x100000, s1;
	[bflag:$0x2] =	sbarrier.arrive $0xFFFF  }
0x68: {  	[sflag:s0] =	ssyncadd.tile.s32 @!p0 $0x1;
	_ =	shalt  }
.Lfunc_end2:
_tile_overlayer_lowered:
.L_overlay_start_2:
0x69: {  	(tag) =	ssettag $0x2  }
0x6a: {  	s0 =	rddreg [dreg:$0x0];
	s2 =	stileid.u32  }
0x6b: {  	s1 =	rddreg [dreg:$0x1];
	p0 =	sne.s32 s2, $0x0  }
0x6c: {  	s3 =	rddreg [dreg:$0x2];
	[bflag:$0x3] =	sbarrier.arrive $0xFFFF;
	s2 =	simm.s32 @!p0 $0x1C05  }
0x6d: {  	[timem:s3], [sflag:s2] =	dma.local @!p0 [hbm:s0], s1  }
0x6e: {  	s0 =	simm.s32 @!p0 $0x5  }
0x6f: {  	_ =	swait.ge @!p0 [sflag:s0], s1  }
0x70: {  	s1 =	ssub.s32 @!p0 $0x0, s1;
	[sflag:s0] =	ssyncset.done @!p0 $0x0  }
0x71: {  	[sflag:s0] =	ssyncadd.s32 @!p0 s1  }
0x72: {  	[bflag:$0x3] =	sbarrier.arrive $0xFFFF  }
0x73: {  	_ =	shalt  }

</sc_bundles>
